<compile_context>
chip_gen: v7x
topology: tpu7x:2x2x1
jax: 0.10.2.dev20260603
libtpu: 0.0.44.dev20260713+nightly
codegen_flags: <defaults>
</compile_context>

<pallas_src>
import functools

import jax
import jax.numpy as jnp
from jax import lax
from jax.experimental import pallas as pl
from jax.experimental.pallas import tpu as pltpu
from jax.experimental.pallas import tpu_sc as plsc

E = 800000
CPAD = 16

NC = 2
NS = 16
NW = NC * NS

IDX_PER_STREAM = 128
STREAMS_PER_GROUP = 16
CHUNK = IDX_PER_STREAM * STREAMS_PER_GROUP

EB = 6400
RB = EB // 8
GRID = E // EB

ESLOT = 819200
N_IDX_PAD = 4 * ESLOT
NG = N_IDX_PAD // (NW * CHUNK)
N_GROUPS = NW * NG
SLOT_BLOCKS = ESLOT // EB


NPAIR = NG // 2


def _sc_gather(table, idx):
    mesh = plsc.VectorSubcoreMesh(core_axis_name="c", subcore_axis_name="s")

    @functools.partial(
        pl.kernel,
        mesh=mesh,
        out_type=jax.ShapeDtypeStruct((N_GROUPS, STREAMS_PER_GROUP,
                                       IDX_PER_STREAM, CPAD), jnp.float32),
        scratch_types=[
            pltpu.VMEM((2, STREAMS_PER_GROUP, IDX_PER_STREAM), jnp.int32),
            pltpu.VMEM((2, STREAMS_PER_GROUP, IDX_PER_STREAM, CPAD),
                       jnp.float32),
            pltpu.SemaphoreType.DMA,
            pltpu.SemaphoreType.DMA,
            pltpu.SemaphoreType.DMA,
            pltpu.SemaphoreType.DMA,
            pltpu.SemaphoreType.DMA,
            pltpu.SemaphoreType.DMA,
        ],
        compiler_params=pltpu.CompilerParams(use_tc_tiling_on_sc=False),
    )
    def k(table_hbm, idx_hbm, out_hbm, idx_v, rows_v,
          isem0, isem1, gsem0, gsem1, wsem0, wsem1):
        wid = lax.axis_index("s") * NC + lax.axis_index("c")
        isem = (isem0, isem1)
        gsem = (gsem0, gsem1)
        wsem = (wsem0, wsem1)

        def fire(b):
            for j in range(STREAMS_PER_GROUP):
                pltpu.async_copy(table_hbm.at[idx_v.at[b, j]],
                                 rows_v.at[b, j], gsem[b])

        def drain_rows(sem):
            pltpu.make_async_copy(out_hbm.at[0], rows_v.at[0], sem).wait()

        def drain_idx(sem):
            pltpu.make_async_copy(idx_hbm.at[wid, 0], idx_v.at[0], sem).wait()

        def body(t, _):
            g0 = 2 * t

            @pl.when(t > 0)
            def _prev0():
                drain_rows(wsem[0])
                drain_idx(isem[0])

            @pl.when(t == 0)
            def _first0():
                pltpu.sync_copy(idx_hbm.at[wid, g0], idx_v.at[0])

            fire(0)

            @pl.when(t > 0)
            def _prev1():
                drain_rows(gsem[1])
                pltpu.async_copy(idx_hbm.at[wid, g0 + 1], idx_v.at[1],
                                 isem[1])
                pltpu.async_copy(rows_v.at[1], out_hbm.at[wid * NG + g0 - 1],
                                 wsem[1])
                drain_rows(wsem[1])
                drain_idx(isem[1])

            @pl.when(t == 0)
            def _first1():
                pltpu.sync_copy(idx_hbm.at[wid, g0 + 1], idx_v.at[1])

            fire(1)

            drain_rows(gsem[0])

            @pl.when(t < NPAIR - 1)
            def _prefetch():
                pltpu.async_copy(idx_hbm.at[wid, g0 + 2], idx_v.at[0],
                                 isem[0])

            pltpu.async_copy(rows_v.at[0], out_hbm.at[wid * NG + g0], wsem[0])
            return _

        lax.fori_loop(0, NPAIR, body, None)
        drain_rows(gsem[1])
        pltpu.async_copy(rows_v.at[1], out_hbm.at[wid * NG + NG - 1], wsem[1])
        drain_rows(wsem[1])
        drain_rows(wsem[0])

    return k(table, idx)


def _pack_body(x_ref, o_ref):
    x = x_ref[...]
    xpad = jnp.pad(x, ((0, CPAD - x.shape[0]), (0, 0)))
    t = jnp.transpose(xpad).reshape(RB, 8, CPAD)
    for j in range(8):
        o_ref[:, CPAD * j:CPAD * (j + 1)] = t[:, j, :]


def _tc_pack(fe2d):
    c_in = fe2d.shape[0]
    return pl.pallas_call(
        _pack_body,
        grid=(GRID,),
        in_specs=[pl.BlockSpec((c_in, EB), lambda i: (0, i))],
        out_specs=pl.BlockSpec((RB, 128), lambda i: (i, 0)),
        out_shape=jax.ShapeDtypeStruct((E // 8, 128), jnp.float32),
    )(fe2d)


def _conv_acc(x_ref, n1_ref, n2_ref, n3_ref, n4_ref, w_ref, b_ref):
    x = x_ref[...]
    n1 = n1_ref[...]
    n2 = n2_ref[...]
    n3 = n3_ref[...]
    n4 = n4_ref[...]
    g = jnp.concatenate(
        [x, n1 + n3, n2 + n4, jnp.abs(n1 - n3), jnp.abs(n2 - n4)], axis=1
    )
    acc = jnp.dot(g, w_ref[...], preferred_element_type=jnp.float32)
    return jnp.maximum(acc + b_ref[...], 0.0)


def _conv_body(x_ref, n1_ref, n2_ref, n3_ref, n4_ref, w_ref, b_ref, o_ref):
    o_ref[...] = _conv_acc(x_ref, n1_ref, n2_ref, n3_ref, n4_ref, w_ref,
                           b_ref)


def _conv_unpack_body(x_ref, n1_ref, n2_ref, n3_ref, n4_ref, w_ref, b_ref,
                      o_ref):
    y = _conv_acc(x_ref, n1_ref, n2_ref, n3_ref, n4_ref, w_ref, b_ref)
    t = jnp.stack([y[:, CPAD * j:CPAD * (j + 1)] for j in range(8)], axis=1)
    o_ref[...] = jnp.transpose(t.reshape(EB, CPAD))


def _tc_conv(xp, nbrp, wbig, bvec, unpack=False):

    def nbr_spec(k):
        return pl.BlockSpec((RB, 128), lambda i, k=k: (k * SLOT_BLOCKS + i, 0))

    if unpack:
        body = _conv_unpack_body
        out_spec = pl.BlockSpec((CPAD, EB), lambda i: (0, i))
        out_shape = jax.ShapeDtypeStruct((CPAD, E), jnp.float32)
    else:
        body = _conv_body
        out_spec = pl.BlockSpec((RB, 128), lambda i: (i, 0))
        out_shape = jax.ShapeDtypeStruct((E // 8, 128), jnp.float32)

    return pl.pallas_call(
        body,
        grid=(GRID,),
        in_specs=[
            pl.BlockSpec((RB, 128), lambda i: (i, 0)),
            nbr_spec(0),
            nbr_spec(1),
            nbr_spec(2),
            nbr_spec(3),
            pl.BlockSpec((5 * 128, 128), lambda i: (0, 0)),
            pl.BlockSpec((1, 128), lambda i: (0, 0)),
        ],
        out_specs=out_spec,
        out_shape=out_shape,
    )(xp, nbrp, nbrp, nbrp, nbrp, wbig, bvec)


def _prep_w(W, C):
    wk = jnp.transpose(W[:, :, 0, :], (2, 1, 0))
    wk = jnp.pad(wk, ((0, 0), (0, CPAD - C), (0, 0)))
    eye8 = jnp.eye(8, dtype=W.dtype)
    wblk = jax.vmap(lambda a: jnp.kron(eye8, a))(wk)
    return wblk.reshape(5 * 128, 128)


def kernel(fe, gemm_edges, W1, b1, W2, b2):
    c_in = fe.shape[1]
    xp = _tc_pack(fe[0])

    ge_t = jnp.transpose(gemm_edges[0])
    slot_pad = (jnp.arange(ESLOT - E, dtype=jnp.int32) * 997) % E
    ge_t = jnp.concatenate(
        [ge_t, jnp.broadcast_to(slot_pad, (4, ESLOT - E))], axis=1)
    idx = ge_t.reshape(NW, NG, STREAMS_PER_GROUP, IDX_PER_STREAM)

    wb1 = _prep_w(W1, c_in)
    wb2 = _prep_w(W2, CPAD)
    b1v = jnp.tile(b1.reshape(1, CPAD), (1, 8))
    b2v = jnp.tile(b2.reshape(1, CPAD), (1, 8))

    nbr1 = _sc_gather(xp.reshape(E, CPAD), idx).reshape(N_IDX_PAD // 8, 128)
    y1p = _tc_conv(xp, nbr1, wb1, b1v)
    nbr2 = _sc_gather(y1p.reshape(E, CPAD), idx).reshape(N_IDX_PAD // 8, 128)
    return _tc_conv(y1p, nbr2, wb2, b2v, unpack=True)[None]

# --- scband reference (transcript-rebuilt; emitter-appended) ---
"""Pipeline reference for scband-mesh-encoder-86723979641543 (READ-ONLY COPY).

The authoritative reference and input builder live on the scoring server;
editing this copy changes nothing except your own understanding.
"""

import jax, jax.numpy as jnp
import numpy as np

B = 1
E = 800000
C_IN = 10
C_OUT = 16


def setup_inputs(seed: int = 0) -> dict:
    key = jax.random.key(seed)
    k1, k2, k3, k4 = jax.random.split(key, 4)
    fe = jax.random.normal(k1, (B, C_IN, E), dtype=jnp.float32)
    gemm_edges = jax.random.randint(k2, (B, E, 4), 0, E, dtype=jnp.int32)
    W1 = jax.random.normal(k3, (C_OUT, C_IN, 1, 5), dtype=jnp.float32) * 0.1
    b1 = jnp.zeros((C_OUT,), dtype=jnp.float32)
    W2 = jax.random.normal(k4, (C_OUT, C_OUT, 1, 5), dtype=jnp.float32) * 0.1
    b2 = jnp.zeros((C_OUT,), dtype=jnp.float32)
    return {"fe": fe, "gemm_edges": gemm_edges, "W1": W1, "b1": b1, "W2": W2, "b2": b2}


def _mesh_conv(x, gemm, W, b):
    # x: [B, C, E] per-edge features; gemm: [B, E, 4] neighbor edge indices (MeshCNN GeMM)
    def gather_one(x1, g1):
        return x1[:, g1]  # [C, E, 4]
    nbr = jax.vmap(gather_one)(x, gemm)  # [B, C, E, 4]
    f1 = nbr[..., 0]
    f2 = nbr[..., 1]
    f3 = nbr[..., 2]
    f4 = nbr[..., 3]
    # symmetric functions over the 1-ring neighborhood (MeshCNN create_GeMM)
    G = jnp.stack([x, f1 + f3, f2 + f4, jnp.abs(f1 - f3), jnp.abs(f2 - f4)], axis=3)  # [B, C, E, 5]
    # conv2d with kernel (1,5) over the 5-neighborhood == einsum
    out = jnp.einsum('bcek,ock->boe', G, W[:, :, 0, :]) + b[None, :, None]
    return out


def reference(fe, gemm_edges, W1, b1, W2, b2):
    # DownConv: conv1 -> relu -> conv2 -> relu (pool=None since convs has one stage)
    x1 = jax.nn.relu(_mesh_conv(fe, gemm_edges, W1, b1))
    x1 = jax.nn.relu(_mesh_conv(x1, gemm_edges, W2, b2))
    # MeshEncoder returns (fe, encoder_outs=[None], mask=[None], order=[None]); return the array output
    return x1

if __name__ == "__main__":
    import jax
    _d = setup_inputs()
    print(jax.jit(kernel)(*tuple(_d.values())))

</pallas_src>

<mosaic_0001>
#map = affine_map<(d0, d1) -> (0, 0)>
#map1 = affine_map<(d0, d1) -> (0, 0, 0, 0)>
module attributes {stable_mosaic.version = 14 : i64} {
  func.func @k(%arg0: i32, %arg1: i32, %arg2: memref<800000x16xf32, #tpu.memory_space<hbm>>, %arg3: memref<32x50x16x128xi32, #tpu.memory_space<hbm>>, %arg4: memref<1600x16x128x16xf32, #tpu.memory_space<hbm>>, %arg5: memref<2x16x128xi32, #tpu.memory_space<vmem>>, %arg6: memref<2x16x128x16xf32, #tpu.memory_space<vmem>>, %arg7: memref<!tpu.dma_semaphore, #tpu.memory_space<semaphore_mem>>, %arg8: memref<!tpu.dma_semaphore, #tpu.memory_space<semaphore_mem>>, %arg9: memref<!tpu.dma_semaphore, #tpu.memory_space<semaphore_mem>>, %arg10: memref<!tpu.dma_semaphore, #tpu.memory_space<semaphore_mem>>, %arg11: memref<!tpu.dma_semaphore, #tpu.memory_space<semaphore_mem>>, %arg12: memref<!tpu.dma_semaphore, #tpu.memory_space<semaphore_mem>>) attributes {dimension_semantics = [#tpu.dimension_semantics<core_parallel>, #tpu.dimension_semantics<subcore_parallel>], iteration_bounds = array<i64: 2, 16>, scalar_prefetch = 0 : i64, scratch_operands = 8 : i64, tpu.core_type = #tpu.core_type<sc_vector_subcore>, window_params = [{transform_indices = #map}, {transform_indices = #map1}, {transform_indices = #map1}]} {
    %mul3A = arith.constant 2 : i32
    %mul3A_0 = arith.muli %arg1, %mul3A : i32
    %add3A = arith.addi %mul3A_0, %arg0 : i32
    %scan3A = arith.constant 0 : i32
    %scan3A_1 = arith.constant 25 : i32
    %scan3A_2 = arith.addi %scan3A, %scan3A_1 : i32
    %scan3A_3 = arith.constant 1 : i32
    scf.for %scan3A_95 = %scan3A to %scan3A_2 step %scan3A_3  : i32 {
      %mul3A_96 = arith.constant 2 : i32
      %mul3A_97 = arith.muli %mul3A_96, %scan3A_95 : i32
      %gt3A = arith.constant 0 : i32
      %gt3A_98 = arith.cmpi sgt, %scan3A_95, %gt3A : i32
      %convert_element_type3A = arith.extui %gt3A_98 : i1 to i32
      %cond3A = arith.constant 0 : i32
      %cond3A_99 = arith.cmpi ne, %convert_element_type3A, %cond3A : i32
      scf.if %cond3A_99 {
        %dma_wait3A_612 = arith.constant 0 : i32
        %dma_wait3A_613 = arith.constant 0 : i32
        %dma_wait3A_614 = arith.constant 0 : i32
        %dma_wait3A_615 = arith.constant 0 : i32
        %dma_wait3A_616 = arith.constant 0 : i32
        %dma_wait3A_617 = tpu.memref_slice %arg6[%dma_wait3A_613, %dma_wait3A_614, %dma_wait3A_615, %dma_wait3A_616] : memref<2x16x128x16xf32, #tpu.memory_space<vmem>> -> memref<1x16x128x16xf32, #tpu.memory_space<vmem>>
        %dma_wait3A_618 = tpu.memref_squeeze %dma_wait3A_617 : memref<1x16x128x16xf32, #tpu.memory_space<vmem>> -> memref<16x128x16xf32, #tpu.memory_space<vmem>>
        %dma_wait3A_619 = arith.constant 0 : i32
        %dma_wait3A_620 = arith.constant 0 : i32
        %dma_wait3A_621 = arith.constant 0 : i32
        %dma_wait3A_622 = tpu.memref_slice %arg4[%dma_wait3A_612, %dma_wait3A_619, %dma_wait3A_620, %dma_wait3A_621] : memref<1600x16x128x16xf32, #tpu.memory_space<hbm>> -> memref<1x16x128x16xf32, #tpu.memory_space<hbm>>
        %dma_wait3A_623 = tpu.memref_squeeze %dma_wait3A_622 : memref<1x16x128x16xf32, #tpu.memory_space<hbm>> -> memref<16x128x16xf32, #tpu.memory_space<hbm>>
        %dma_wait3A_624 = arith.constant 0 : i32
        %dma_wait3A_625 = arith.constant 0 : i32
        %dma_wait3A_626 = arith.constant 0 : i32
        %dma_wait3A_627 = tpu.memref_slice %arg6[%dma_wait3A_613, %dma_wait3A_624, %dma_wait3A_625, %dma_wait3A_626] : memref<2x16x128x16xf32, #tpu.memory_space<vmem>> -> memref<1x16x128x16xf32, #tpu.memory_space<vmem>>
        %dma_wait3A_628 = tpu.memref_squeeze %dma_wait3A_627 : memref<1x16x128x16xf32, #tpu.memory_space<vmem>> -> memref<16x128x16xf32, #tpu.memory_space<vmem>>
        %dma_wait3A_629 = arith.constant 0 : i32
        %dma_wait3A_630 = arith.constant 0 : i32
        %dma_wait3A_631 = arith.constant 0 : i32
        %dma_wait3A_632 = tpu.memref_slice %arg4[%dma_wait3A_612, %dma_wait3A_629, %dma_wait3A_630, %dma_wait3A_631] : memref<1600x16x128x16xf32, #tpu.memory_space<hbm>> -> memref<1x16x128x16xf32, #tpu.memory_space<hbm>>
        %dma_wait3A_633 = tpu.memref_squeeze %dma_wait3A_632 : memref<1x16x128x16xf32, #tpu.memory_space<hbm>> -> memref<16x128x16xf32, #tpu.memory_space<hbm>>
        tpu.wait_dma2 semaphore(%arg11 : memref<!tpu.dma_semaphore, #tpu.memory_space<semaphore_mem>>) src(%dma_wait3A_633 : memref<16x128x16xf32, #tpu.memory_space<hbm>>) dst(%dma_wait3A_628 : memref<16x128x16xf32, #tpu.memory_space<vmem>>)
        %dma_wait3A_634 = arith.constant 0 : i32
        %dma_wait3A_635 = arith.constant 0 : i32
        %dma_wait3A_636 = arith.constant 0 : i32
        %dma_wait3A_637 = arith.constant 0 : i32
        %dma_wait3A_638 = tpu.memref_slice %arg5[%dma_wait3A_635, %dma_wait3A_636, %dma_wait3A_637] : memref<2x16x128xi32, #tpu.memory_space<vmem>> -> memref<1x16x128xi32, #tpu.memory_space<vmem>>
        %dma_wait3A_639 = tpu.memref_squeeze %dma_wait3A_638 : memref<1x16x128xi32, #tpu.memory_space<vmem>> -> memref<16x128xi32, #tpu.memory_space<vmem>>
        %dma_wait3A_640 = arith.constant 0 : i32
        %dma_wait3A_641 = arith.constant 0 : i32
        %dma_wait3A_642 = tpu.memref_slice %arg3[%add3A, %dma_wait3A_634, %dma_wait3A_640, %dma_wait3A_641] : memref<32x50x16x128xi32, #tpu.memory_space<hbm>> -> memref<1x1x16x128xi32, #tpu.memory_space<hbm>>
        %dma_wait3A_643 = tpu.memref_squeeze %dma_wait3A_642 : memref<1x1x16x128xi32, #tpu.memory_space<hbm>> -> memref<16x128xi32, #tpu.memory_space<hbm>>
        %dma_wait3A_644 = arith.constant 0 : i32
        %dma_wait3A_645 = arith.constant 0 : i32
        %dma_wait3A_646 = tpu.memref_slice %arg5[%dma_wait3A_635, %dma_wait3A_644, %dma_wait3A_645] : memref<2x16x128xi32, #tpu.memory_space<vmem>> -> memref<1x16x128xi32, #tpu.memory_space<vmem>>
        %dma_wait3A_647 = tpu.memref_squeeze %dma_wait3A_646 : memref<1x16x128xi32, #tpu.memory_space<vmem>> -> memref<16x128xi32, #tpu.memory_space<vmem>>
        %dma_wait3A_648 = arith.constant 0 : i32
        %dma_wait3A_649 = arith.constant 0 : i32
        %dma_wait3A_650 = tpu.memref_slice %arg3[%add3A, %dma_wait3A_634, %dma_wait3A_648, %dma_wait3A_649] : memref<32x50x16x128xi32, #tpu.memory_space<hbm>> -> memref<1x1x16x128xi32, #tpu.memory_space<hbm>>
        %dma_wait3A_651 = tpu.memref_squeeze %dma_wait3A_650 : memref<1x1x16x128xi32, #tpu.memory_space<hbm>> -> memref<16x128xi32, #tpu.memory_space<hbm>>
        tpu.wait_dma2 semaphore(%arg7 : memref<!tpu.dma_semaphore, #tpu.memory_space<semaphore_mem>>) src(%dma_wait3A_651 : memref<16x128xi32, #tpu.memory_space<hbm>>) dst(%dma_wait3A_647 : memref<16x128xi32, #tpu.memory_space<vmem>>)
      } else {
      }
      %eq3A = arith.constant 0 : i32
      %eq3A_100 = arith.cmpi eq, %scan3A_95, %eq3A : i32
      %convert_element_type3A_101 = arith.extui %eq3A_100 : i1 to i32
      %cond3A_102 = arith.constant 0 : i32
      %cond3A_103 = arith.cmpi ne, %convert_element_type3A_101, %cond3A_102 : i32
      scf.if %cond3A_103 {
        %run_scoped3A = arith.constant 0 : i32
        "tpu.region"() ({
          %run_scoped3A_612 = tpu.sem_alloc : memref<!tpu.dma_semaphore, #tpu.memory_space<semaphore_mem>>
          %dma_start3A_613 = arith.constant 0 : i32
          %dma_start3A_614 = arith.constant 0 : i32
          %dma_start3A_615 = tpu.memref_slice %arg5[%run_scoped3A, %dma_start3A_613, %dma_start3A_614] : memref<2x16x128xi32, #tpu.memory_space<vmem>> -> memref<1x16x128xi32, #tpu.memory_space<vmem>>
          %dma_start3A_616 = tpu.memref_squeeze %dma_start3A_615 : memref<1x16x128xi32, #tpu.memory_space<vmem>> -> memref<16x128xi32, #tpu.memory_space<vmem>>
          %dma_start3A_617 = arith.constant 0 : i32
          %dma_start3A_618 = arith.constant 0 : i32
          %dma_start3A_619 = tpu.memref_slice %arg3[%add3A, %mul3A_97, %dma_start3A_617, %dma_start3A_618] : memref<32x50x16x128xi32, #tpu.memory_space<hbm>> -> memref<1x1x16x128xi32, #tpu.memory_space<hbm>>
          %dma_start3A_620 = tpu.memref_squeeze %dma_start3A_619 : memref<1x1x16x128xi32, #tpu.memory_space<hbm>> -> memref<16x128xi32, #tpu.memory_space<hbm>>
          %dma_start3A_621 = arith.constant 0 : i32
          %dma_start3A_622 = arith.constant 0 : i32
          %dma_start3A_623 = tpu.memref_slice %arg5[%run_scoped3A, %dma_start3A_621, %dma_start3A_622] : memref<2x16x128xi32, #tpu.memory_space<vmem>> -> memref<1x16x128xi32, #tpu.memory_space<vmem>>
          %dma_start3A_624 = tpu.memref_squeeze %dma_start3A_623 : memref<1x16x128xi32, #tpu.memory_space<vmem>> -> memref<16x128xi32, #tpu.memory_space<vmem>>
          %dma_start3A_625 = arith.constant 0 : i32
          %dma_start3A_626 = arith.constant 0 : i32
          %dma_start3A_627 = tpu.memref_slice %arg3[%add3A, %mul3A_97, %dma_start3A_625, %dma_start3A_626] : memref<32x50x16x128xi32, #tpu.memory_space<hbm>> -> memref<1x1x16x128xi32, #tpu.memory_space<hbm>>
          %dma_start3A_628 = tpu.memref_squeeze %dma_start3A_627 : memref<1x1x16x128xi32, #tpu.memory_space<hbm>> -> memref<16x128xi32, #tpu.memory_space<hbm>>
          tpu.enqueue_dma source(%dma_start3A_628 : memref<16x128xi32, #tpu.memory_space<hbm>>) target(%dma_start3A_624 : memref<16x128xi32, #tpu.memory_space<vmem>>) target_semaphore(%run_scoped3A_612 : memref<!tpu.dma_semaphore, #tpu.memory_space<semaphore_mem>>)
          %dma_wait3A_629 = arith.constant 0 : i32
          %dma_wait3A_630 = arith.constant 0 : i32
          %dma_wait3A_631 = tpu.memref_slice %arg5[%run_scoped3A, %dma_wait3A_629, %dma_wait3A_630] : memref<2x16x128xi32, #tpu.memory_space<vmem>> -> memref<1x16x128xi32, #tpu.memory_space<vmem>>
          %dma_wait3A_632 = tpu.memref_squeeze %dma_wait3A_631 : memref<1x16x128xi32, #tpu.memory_space<vmem>> -> memref<16x128xi32, #tpu.memory_space<vmem>>
          %dma_wait3A_633 = arith.constant 0 : i32
          %dma_wait3A_634 = arith.constant 0 : i32
          %dma_wait3A_635 = tpu.memref_slice %arg3[%add3A, %mul3A_97, %dma_wait3A_633, %dma_wait3A_634] : memref<32x50x16x128xi32, #tpu.memory_space<hbm>> -> memref<1x1x16x128xi32, #tpu.memory_space<hbm>>
          %dma_wait3A_636 = tpu.memref_squeeze %dma_wait3A_635 : memref<1x1x16x128xi32, #tpu.memory_space<hbm>> -> memref<16x128xi32, #tpu.memory_space<hbm>>
          %dma_wait3A_637 = arith.constant 0 : i32
          %dma_wait3A_638 = arith.constant 0 : i32
          %dma_wait3A_639 = tpu.memref_slice %arg5[%run_scoped3A, %dma_wait3A_637, %dma_wait3A_638] : memref<2x16x128xi32, #tpu.memory_space<vmem>> -> memref<1x16x128xi32, #tpu.memory_space<vmem>>
          %dma_wait3A_640 = tpu.memref_squeeze %dma_wait3A_639 : memref<1x16x128xi32, #tpu.memory_space<vmem>> -> memref<16x128xi32, #tpu.memory_space<vmem>>
          %dma_wait3A_641 = arith.constant 0 : i32
          %dma_wait3A_642 = arith.constant 0 : i32
          %dma_wait3A_643 = tpu.memref_slice %arg3[%add3A, %mul3A_97, %dma_wait3A_641, %dma_wait3A_642] : memref<32x50x16x128xi32, #tpu.memory_space<hbm>> -> memref<1x1x16x128xi32, #tpu.memory_space<hbm>>
          %dma_wait3A_644 = tpu.memref_squeeze %dma_wait3A_643 : memref<1x1x16x128xi32, #tpu.memory_space<hbm>> -> memref<16x128xi32, #tpu.memory_space<hbm>>
          tpu.wait_dma2 semaphore(%run_scoped3A_612 : memref<!tpu.dma_semaphore, #tpu.memory_space<semaphore_mem>>) src(%dma_wait3A_644 : memref<16x128xi32, #tpu.memory_space<hbm>>) dst(%dma_wait3A_640 : memref<16x128xi32, #tpu.memory_space<vmem>>)
          tpu.yield
        }) : () -> ()
      } else {
      }
      %dma_start3A_104 = arith.constant 0 : i32
      %dma_start3A_105 = arith.constant 0 : i32
      %dma_start3A_106 = arith.constant 0 : i32
      %dma_start3A_107 = arith.constant 0 : i32
      %dma_start3A_108 = arith.constant 0 : i32
      %dma_start3A_109 = arith.constant 0 : i32
      %dma_start3A_110 = tpu.memref_slice %arg6[%dma_start3A_106, %dma_start3A_107, %dma_start3A_108, %dma_start3A_109] : memref<2x16x128x16xf32, #tpu.memory_space<vmem>> -> memref<1x1x128x16xf32, #tpu.memory_space<vmem>>
      %dma_start3A_111 = tpu.memref_squeeze %dma_start3A_110 : memref<1x1x128x16xf32, #tpu.memory_space<vmem>> -> memref<128x16xf32, #tpu.memory_space<vmem>>
      %dma_start3A_112 = arith.constant 0 : i32
      %dma_start3A_113 = tpu.memref_slice %arg5[%dma_start3A_104, %dma_start3A_105, %dma_start3A_112] : memref<2x16x128xi32, #tpu.memory_space<vmem>> -> memref<1x1x128xi32, #tpu.memory_space<vmem>>
      %dma_start3A_114 = tpu.memref_squeeze %dma_start3A_113 : memref<1x1x128xi32, #tpu.memory_space<vmem>> -> memref<128xi32, #tpu.memory_space<vmem>>
      %dma_start3A_115 = arith.constant 0 : i32
      %dma_start3A_116 = arith.constant 0 : i32
      %dma_start3A_117 = tpu.memref_slice %arg2[%dma_start3A_115, %dma_start3A_116] : memref<800000x16xf32, #tpu.memory_space<hbm>> -> memref<800000x16xf32, #tpu.memory_space<hbm>>
      tpu.enqueue_indirect_dma source(%dma_start3A_117 : memref<800000x16xf32, #tpu.memory_space<hbm>>) target(%dma_start3A_111 : memref<128x16xf32, #tpu.memory_space<vmem>>) offsets(%dma_start3A_114 : memref<128xi32, #tpu.memory_space<vmem>>) semaphore(%arg9 : memref<!tpu.dma_semaphore, #tpu.memory_space<semaphore_mem>>)
      %dma_start3A_118 = arith.constant 0 : i32
      %dma_start3A_119 = arith.constant 1 : i32
      %dma_start3A_120 = arith.constant 0 : i32
      %dma_start3A_121 = arith.constant 1 : i32
      %dma_start3A_122 = arith.constant 0 : i32
      %dma_start3A_123 = arith.constant 0 : i32
      %dma_start3A_124 = tpu.memref_slice %arg6[%dma_start3A_120, %dma_start3A_121, %dma_start3A_122, %dma_start3A_123] : memref<2x16x128x16xf32, #tpu.memory_space<vmem>> -> memref<1x1x128x16xf32, #tpu.memory_space<vmem>>
      %dma_start3A_125 = tpu.memref_squeeze %dma_start3A_124 : memref<1x1x128x16xf32, #tpu.memory_space<vmem>> -> memref<128x16xf32, #tpu.memory_space<vmem>>
      %dma_start3A_126 = arith.constant 0 : i32
      %dma_start3A_127 = tpu.memref_slice %arg5[%dma_start3A_118, %dma_start3A_119, %dma_start3A_126] : memref<2x16x128xi32, #tpu.memory_space<vmem>> -> memref<1x1x128xi32, #tpu.memory_space<vmem>>
      %dma_start3A_128 = tpu.memref_squeeze %dma_start3A_127 : memref<1x1x128xi32, #tpu.memory_space<vmem>> -> memref<128xi32, #tpu.memory_space<vmem>>
      %dma_start3A_129 = arith.constant 0 : i32
      %dma_start3A_130 = arith.constant 0 : i32
      %dma_start3A_131 = tpu.memref_slice %arg2[%dma_start3A_129, %dma_start3A_130] : memref<800000x16xf32, #tpu.memory_space<hbm>> -> memref<800000x16xf32, #tpu.memory_space<hbm>>
      tpu.enqueue_indirect_dma source(%dma_start3A_131 : memref<800000x16xf32, #tpu.memory_space<hbm>>) target(%dma_start3A_125 : memref<128x16xf32, #tpu.memory_space<vmem>>) offsets(%dma_start3A_128 : memref<128xi32, #tpu.memory_space<vmem>>) semaphore(%arg9 : memref<!tpu.dma_semaphore, #tpu.memory_space<semaphore_mem>>)
      %dma_start3A_132 = arith.constant 0 : i32
      %dma_start3A_133 = arith.constant 2 : i32
      %dma_start3A_134 = arith.constant 0 : i32
      %dma_start3A_135 = arith.constant 2 : i32
      %dma_start3A_136 = arith.constant 0 : i32
      %dma_start3A_137 = arith.constant 0 : i32
      %dma_start3A_138 = tpu.memref_slice %arg6[%dma_start3A_134, %dma_start3A_135, %dma_start3A_136, %dma_start3A_137] : memref<2x16x128x16xf32, #tpu.memory_space<vmem>> -> memref<1x1x128x16xf32, #tpu.memory_space<vmem>>
      %dma_start3A_139 = tpu.memref_squeeze %dma_start3A_138 : memref<1x1x128x16xf32, #tpu.memory_space<vmem>> -> memref<128x16xf32, #tpu.memory_space<vmem>>
      %dma_start3A_140 = arith.constant 0 : i32
      %dma_start3A_141 = tpu.memref_slice %arg5[%dma_start3A_132, %dma_start3A_133, %dma_start3A_140] : memref<2x16x128xi32, #tpu.memory_space<vmem>> -> memref<1x1x128xi32, #tpu.memory_space<vmem>>
      %dma_start3A_142 = tpu.memref_squeeze %dma_start3A_141 : memref<1x1x128xi32, #tpu.memory_space<vmem>> -> memref<128xi32, #tpu.memory_space<vmem>>
      %dma_start3A_143 = arith.constant 0 : i32
      %dma_start3A_144 = arith.constant 0 : i32
      %dma_start3A_145 = tpu.memref_slice %arg2[%dma_start3A_143, %dma_start3A_144] : memref<800000x16xf32, #tpu.memory_space<hbm>> -> memref<800000x16xf32, #tpu.memory_space<hbm>>
      tpu.enqueue_indirect_dma source(%dma_start3A_145 : memref<800000x16xf32, #tpu.memory_space<hbm>>) target(%dma_start3A_139 : memref<128x16xf32, #tpu.memory_space<vmem>>) offsets(%dma_start3A_142 : memref<128xi32, #tpu.memory_space<vmem>>) semaphore(%arg9 : memref<!tpu.dma_semaphore, #tpu.memory_space<semaphore_mem>>)
      %dma_start3A_146 = arith.constant 0 : i32
      %dma_start3A_147 = arith.constant 3 : i32
      %dma_start3A_148 = arith.constant 0 : i32
      %dma_start3A_149 = arith.constant 3 : i32
      %dma_start3A_150 = arith.constant 0 : i32
      %dma_start3A_151 = arith.constant 0 : i32
      %dma_start3A_152 = tpu.memref_slice %arg6[%dma_start3A_148, %dma_start3A_149, %dma_start3A_150, %dma_start3A_151] : memref<2x16x128x16xf32, #tpu.memory_space<vmem>> -> memref<1x1x128x16xf32, #tpu.memory_space<vmem>>
      %dma_start3A_153 = tpu.memref_squeeze %dma_start3A_152 : memref<1x1x128x16xf32, #tpu.memory_space<vmem>> -> memref<128x16xf32, #tpu.memory_space<vmem>>
      %dma_start3A_154 = arith.constant 0 : i32
      %dma_start3A_155 = tpu.memref_slice %arg5[%dma_start3A_146, %dma_start3A_147, %dma_start3A_154] : memref<2x16x128xi32, #tpu.memory_space<vmem>> -> memref<1x1x128xi32, #tpu.memory_space<vmem>>
      %dma_start3A_156 = tpu.memref_squeeze %dma_start3A_155 : memref<1x1x128xi32, #tpu.memory_space<vmem>> -> memref<128xi32, #tpu.memory_space<vmem>>
      %dma_start3A_157 = arith.constant 0 : i32
      %dma_start3A_158 = arith.constant 0 : i32
      %dma_start3A_159 = tpu.memref_slice %arg2[%dma_start3A_157, %dma_start3A_158] : memref<800000x16xf32, #tpu.memory_space<hbm>> -> memref<800000x16xf32, #tpu.memory_space<hbm>>
      tpu.enqueue_indirect_dma source(%dma_start3A_159 : memref<800000x16xf32, #tpu.memory_space<hbm>>) target(%dma_start3A_153 : memref<128x16xf32, #tpu.memory_space<vmem>>) offsets(%dma_start3A_156 : memref<128xi32, #tpu.memory_space<vmem>>) semaphore(%arg9 : memref<!tpu.dma_semaphore, #tpu.memory_space<semaphore_mem>>)
      %dma_start3A_160 = arith.constant 0 : i32
      %dma_start3A_161 = arith.constant 4 : i32
      %dma_start3A_162 = arith.constant 0 : i32
      %dma_start3A_163 = arith.constant 4 : i32
      %dma_start3A_164 = arith.constant 0 : i32
      %dma_start3A_165 = arith.constant 0 : i32
      %dma_start3A_166 = tpu.memref_slice %arg6[%dma_start3A_162, %dma_start3A_163, %dma_start3A_164, %dma_start3A_165] : memref<2x16x128x16xf32, #tpu.memory_space<vmem>> -> memref<1x1x128x16xf32, #tpu.memory_space<vmem>>
      %dma_start3A_167 = tpu.memref_squeeze %dma_start3A_166 : memref<1x1x128x16xf32, #tpu.memory_space<vmem>> -> memref<128x16xf32, #tpu.memory_space<vmem>>
      %dma_start3A_168 = arith.constant 0 : i32
      %dma_start3A_169 = tpu.memref_slice %arg5[%dma_start3A_160, %dma_start3A_161, %dma_start3A_168] : memref<2x16x128xi32, #tpu.memory_space<vmem>> -> memref<1x1x128xi32, #tpu.memory_space<vmem>>
      %dma_start3A_170 = tpu.memref_squeeze %dma_start3A_169 : memref<1x1x128xi32, #tpu.memory_space<vmem>> -> memref<128xi32, #tpu.memory_space<vmem>>
      %dma_start3A_171 = arith.constant 0 : i32
      %dma_start3A_172 = arith.constant 0 : i32
      %dma_start3A_173 = tpu.memref_slice %arg2[%dma_start3A_171, %dma_start3A_172] : memref<800000x16xf32, #tpu.memory_space<hbm>> -> memref<800000x16xf32, #tpu.memory_space<hbm>>
      tpu.enqueue_indirect_dma source(%dma_start3A_173 : memref<800000x16xf32, #tpu.memory_space<hbm>>) target(%dma_start3A_167 : memref<128x16xf32, #tpu.memory_space<vmem>>) offsets(%dma_start3A_170 : memref<128xi32, #tpu.memory_space<vmem>>) semaphore(%arg9 : memref<!tpu.dma_semaphore, #tpu.memory_space<semaphore_mem>>)
      %dma_start3A_174 = arith.constant 0 : i32
      %dma_start3A_175 = arith.constant 5 : i32
      %dma_start3A_176 = arith.constant 0 : i32
      %dma_start3A_177 = arith.constant 5 : i32
      %dma_start3A_178 = arith.constant 0 : i32
      %dma_start3A_179 = arith.constant 0 : i32
      %dma_start3A_180 = tpu.memref_slice %arg6[%dma_start3A_176, %dma_start3A_177, %dma_start3A_178, %dma_start3A_179] : memref<2x16x128x16xf32, #tpu.memory_space<vmem>> -> memref<1x1x128x16xf32, #tpu.memory_space<vmem>>
      %dma_start3A_181 = tpu.memref_squeeze %dma_start3A_180 : memref<1x1x128x16xf32, #tpu.memory_space<vmem>> -> memref<128x16xf32, #tpu.memory_space<vmem>>
      %dma_start3A_182 = arith.constant 0 : i32
      %dma_start3A_183 = tpu.memref_slice %arg5[%dma_start3A_174, %dma_start3A_175, %dma_start3A_182] : memref<2x16x128xi32, #tpu.memory_space<vmem>> -> memref<1x1x128xi32, #tpu.memory_space<vmem>>
      %dma_start3A_184 = tpu.memref_squeeze %dma_start3A_183 : memref<1x1x128xi32, #tpu.memory_space<vmem>> -> memref<128xi32, #tpu.memory_space<vmem>>
      %dma_start3A_185 = arith.constant 0 : i32
      %dma_start3A_186 = arith.constant 0 : i32
      %dma_start3A_187 = tpu.memref_slice %arg2[%dma_start3A_185, %dma_start3A_186] : memref<800000x16xf32, #tpu.memory_space<hbm>> -> memref<800000x16xf32, #tpu.memory_space<hbm>>
      tpu.enqueue_indirect_dma source(%dma_start3A_187 : memref<800000x16xf32, #tpu.memory_space<hbm>>) target(%dma_start3A_181 : memref<128x16xf32, #tpu.memory_space<vmem>>) offsets(%dma_start3A_184 : memref<128xi32, #tpu.memory_space<vmem>>) semaphore(%arg9 : memref<!tpu.dma_semaphore, #tpu.memory_space<semaphore_mem>>)
      %dma_start3A_188 = arith.constant 0 : i32
      %dma_start3A_189 = arith.constant 6 : i32
      %dma_start3A_190 = arith.constant 0 : i32
      %dma_start3A_191 = arith.constant 6 : i32
      %dma_start3A_192 = arith.constant 0 : i32
      %dma_start3A_193 = arith.constant 0 : i32
      %dma_start3A_194 = tpu.memref_slice %arg6[%dma_start3A_190, %dma_start3A_191, %dma_start3A_192, %dma_start3A_193] : memref<2x16x128x16xf32, #tpu.memory_space<vmem>> -> memref<1x1x128x16xf32, #tpu.memory_space<vmem>>
      %dma_start3A_195 = tpu.memref_squeeze %dma_start3A_194 : memref<1x1x128x16xf32, #tpu.memory_space<vmem>> -> memref<128x16xf32, #tpu.memory_space<vmem>>
      %dma_start3A_196 = arith.constant 0 : i32
      %dma_start3A_197 = tpu.memref_slice %arg5[%dma_start3A_188, %dma_start3A_189, %dma_start3A_196] : memref<2x16x128xi32, #tpu.memory_space<vmem>> -> memref<1x1x128xi32, #tpu.memory_space<vmem>>
      %dma_start3A_198 = tpu.memref_squeeze %dma_start3A_197 : memref<1x1x128xi32, #tpu.memory_space<vmem>> -> memref<128xi32, #tpu.memory_space<vmem>>
      %dma_start3A_199 = arith.constant 0 : i32
      %dma_start3A_200 = arith.constant 0 : i32
      %dma_start3A_201 = tpu.memref_slice %arg2[%dma_start3A_199, %dma_start3A_200] : memref<800000x16xf32, #tpu.memory_space<hbm>> -> memref<800000x16xf32, #tpu.memory_space<hbm>>
      tpu.enqueue_indirect_dma source(%dma_start3A_201 : memref<800000x16xf32, #tpu.memory_space<hbm>>) target(%dma_start3A_195 : memref<128x16xf32, #tpu.memory_space<vmem>>) offsets(%dma_start3A_198 : memref<128xi32, #tpu.memory_space<vmem>>) semaphore(%arg9 : memref<!tpu.dma_semaphore, #tpu.memory_space<semaphore_mem>>)
      %dma_start3A_202 = arith.constant 0 : i32
      %dma_start3A_203 = arith.constant 7 : i32
      %dma_start3A_204 = arith.constant 0 : i32
      %dma_start3A_205 = arith.constant 7 : i32
      %dma_start3A_206 = arith.constant 0 : i32
      %dma_start3A_207 = arith.constant 0 : i32
      %dma_start3A_208 = tpu.memref_slice %arg6[%dma_start3A_204, %dma_start3A_205, %dma_start3A_206, %dma_start3A_207] : memref<2x16x128x16xf32, #tpu.memory_space<vmem>> -> memref<1x1x128x16xf32, #tpu.memory_space<vmem>>
      %dma_start3A_209 = tpu.memref_squeeze %dma_start3A_208 : memref<1x1x128x16xf32, #tpu.memory_space<vmem>> -> memref<128x16xf32, #tpu.memory_space<vmem>>
      %dma_start3A_210 = arith.constant 0 : i32
      %dma_start3A_211 = tpu.memref_slice %arg5[%dma_start3A_202, %dma_start3A_203, %dma_start3A_210] : memref<2x16x128xi32, #tpu.memory_space<vmem>> -> memref<1x1x128xi32, #tpu.memory_space<vmem>>
      %dma_start3A_212 = tpu.memref_squeeze %dma_start3A_211 : memref<1x1x128xi32, #tpu.memory_space<vmem>> -> memref<128xi32, #tpu.memory_space<vmem>>
      %dma_start3A_213 = arith.constant 0 : i32
      %dma_start3A_214 = arith.constant 0 : i32
      %dma_start3A_215 = tpu.memref_slice %arg2[%dma_start3A_213, %dma_start3A_214] : memref<800000x16xf32, #tpu.memory_space<hbm>> -> memref<800000x16xf32, #tpu.memory_space<hbm>>
      tpu.enqueue_indirect_dma source(%dma_start3A_215 : memref<800000x16xf32, #tpu.memory_space<hbm>>) target(%dma_start3A_209 : memref<128x16xf32, #tpu.memory_space<vmem>>) offsets(%dma_start3A_212 : memref<128xi32, #tpu.memory_space<vmem>>) semaphore(%arg9 : memref<!tpu.dma_semaphore, #tpu.memory_space<semaphore_mem>>)
      %dma_start3A_216 = arith.constant 0 : i32
      %dma_start3A_217 = arith.constant 8 : i32
      %dma_start3A_218 = arith.constant 0 : i32
      %dma_start3A_219 = arith.constant 8 : i32
      %dma_start3A_220 = arith.constant 0 : i32
      %dma_start3A_221 = arith.constant 0 : i32
      %dma_start3A_222 = tpu.memref_slice %arg6[%dma_start3A_218, %dma_start3A_219, %dma_start3A_220, %dma_start3A_221] : memref<2x16x128x16xf32, #tpu.memory_space<vmem>> -> memref<1x1x128x16xf32, #tpu.memory_space<vmem>>
      %dma_start3A_223 = tpu.memref_squeeze %dma_start3A_222 : memref<1x1x128x16xf32, #tpu.memory_space<vmem>> -> memref<128x16xf32, #tpu.memory_space<vmem>>
      %dma_start3A_224 = arith.constant 0 : i32
      %dma_start3A_225 = tpu.memref_slice %arg5[%dma_start3A_216, %dma_start3A_217, %dma_start3A_224] : memref<2x16x128xi32, #tpu.memory_space<vmem>> -> memref<1x1x128xi32, #tpu.memory_space<vmem>>
      %dma_start3A_226 = tpu.memref_squeeze %dma_start3A_225 : memref<1x1x128xi32, #tpu.memory_space<vmem>> -> memref<128xi32, #tpu.memory_space<vmem>>
      %dma_start3A_227 = arith.constant 0 : i32
      %dma_start3A_228 = arith.constant 0 : i32
      %dma_start3A_229 = tpu.memref_slice %arg2[%dma_start3A_227, %dma_start3A_228] : memref<800000x16xf32, #tpu.memory_space<hbm>> -> memref<800000x16xf32, #tpu.memory_space<hbm>>
      tpu.enqueue_indirect_dma source(%dma_start3A_229 : memref<800000x16xf32, #tpu.memory_space<hbm>>) target(%dma_start3A_223 : memref<128x16xf32, #tpu.memory_space<vmem>>) offsets(%dma_start3A_226 : memref<128xi32, #tpu.memory_space<vmem>>) semaphore(%arg9 : memref<!tpu.dma_semaphore, #tpu.memory_space<semaphore_mem>>)
      %dma_start3A_230 = arith.constant 0 : i32
      %dma_start3A_231 = arith.constant 9 : i32
      %dma_start3A_232 = arith.constant 0 : i32
      %dma_start3A_233 = arith.constant 9 : i32
      %dma_start3A_234 = arith.constant 0 : i32
      %dma_start3A_235 = arith.constant 0 : i32
      %dma_start3A_236 = tpu.memref_slice %arg6[%dma_start3A_232, %dma_start3A_233, %dma_start3A_234, %dma_start3A_235] : memref<2x16x128x16xf32, #tpu.memory_space<vmem>> -> memref<1x1x128x16xf32, #tpu.memory_space<vmem>>
      %dma_start3A_237 = tpu.memref_squeeze %dma_start3A_236 : memref<1x1x128x16xf32, #tpu.memory_space<vmem>> -> memref<128x16xf32, #tpu.memory_space<vmem>>
      %dma_start3A_238 = arith.constant 0 : i32
      %dma_start3A_239 = tpu.memref_slice %arg5[%dma_start3A_230, %dma_start3A_231, %dma_start3A_238] : memref<2x16x128xi32, #tpu.memory_space<vmem>> -> memref<1x1x128xi32, #tpu.memory_space<vmem>>
      %dma_start3A_240 = tpu.memref_squeeze %dma_start3A_239 : memref<1x1x128xi32, #tpu.memory_space<vmem>> -> memref<128xi32, #tpu.memory_space<vmem>>
      %dma_start3A_241 = arith.constant 0 : i32
      %dma_start3A_242 = arith.constant 0 : i32
      %dma_start3A_243 = tpu.memref_slice %arg2[%dma_start3A_241, %dma_start3A_242] : memref<800000x16xf32, #tpu.memory_space<hbm>> -> memref<800000x16xf32, #tpu.memory_space<hbm>>
      tpu.enqueue_indirect_dma source(%dma_start3A_243 : memref<800000x16xf32, #tpu.memory_space<hbm>>) target(%dma_start3A_237 : memref<128x16xf32, #tpu.memory_space<vmem>>) offsets(%dma_start3A_240 : memref<128xi32, #tpu.memory_space<vmem>>) semaphore(%arg9 : memref<!tpu.dma_semaphore, #tpu.memory_space<semaphore_mem>>)
      %dma_start3A_244 = arith.constant 0 : i32
      %dma_start3A_245 = arith.constant 10 : i32
      %dma_start3A_246 = arith.constant 0 : i32
      %dma_start3A_247 = arith.constant 10 : i32
      %dma_start3A_248 = arith.constant 0 : i32
      %dma_start3A_249 = arith.constant 0 : i32
      %dma_start3A_250 = tpu.memref_slice %arg6[%dma_start3A_246, %dma_start3A_247, %dma_start3A_248, %dma_start3A_249] : memref<2x16x128x16xf32, #tpu.memory_space<vmem>> -> memref<1x1x128x16xf32, #tpu.memory_space<vmem>>
      %dma_start3A_251 = tpu.memref_squeeze %dma_start3A_250 : memref<1x1x128x16xf32, #tpu.memory_space<vmem>> -> memref<128x16xf32, #tpu.memory_space<vmem>>
      %dma_start3A_252 = arith.constant 0 : i32
      %dma_start3A_253 = tpu.memref_slice %arg5[%dma_start3A_244, %dma_start3A_245, %dma_start3A_252] : memref<2x16x128xi32, #tpu.memory_space<vmem>> -> memref<1x1x128xi32, #tpu.memory_space<vmem>>
      %dma_start3A_254 = tpu.memref_squeeze %dma_start3A_253 : memref<1x1x128xi32, #tpu.memory_space<vmem>> -> memref<128xi32, #tpu.memory_space<vmem>>
      %dma_start3A_255 = arith.constant 0 : i32
      %dma_start3A_256 = arith.constant 0 : i32
      %dma_start3A_257 = tpu.memref_slice %arg2[%dma_start3A_255, %dma_start3A_256] : memref<800000x16xf32, #tpu.memory_space<hbm>> -> memref<800000x16xf32, #tpu.memory_space<hbm>>
      tpu.enqueue_indirect_dma source(%dma_start3A_257 : memref<800000x16xf32, #tpu.memory_space<hbm>>) target(%dma_start3A_251 : memref<128x16xf32, #tpu.memory_space<vmem>>) offsets(%dma_start3A_254 : memref<128xi32, #tpu.memory_space<vmem>>) semaphore(%arg9 : memref<!tpu.dma_semaphore, #tpu.memory_space<semaphore_mem>>)
      %dma_start3A_258 = arith.constant 0 : i32
      %dma_start3A_259 = arith.constant 11 : i32
      %dma_start3A_260 = arith.constant 0 : i32
      %dma_start3A_261 = arith.constant 11 : i32
      %dma_start3A_262 = arith.constant 0 : i32
      %dma_start3A_263 = arith.constant 0 : i32
      %dma_start3A_264 = tpu.memref_slice %arg6[%dma_start3A_260, %dma_start3A_261, %dma_start3A_262, %dma_start3A_263] : memref<2x16x128x16xf32, #tpu.memory_space<vmem>> -> memref<1x1x128x16xf32, #tpu.memory_space<vmem>>
      %dma_start3A_265 = tpu.memref_squeeze %dma_start3A_264 : memref<1x1x128x16xf32, #tpu.memory_space<vmem>> -> memref<128x16xf32, #tpu.memory_space<vmem>>
      %dma_start3A_266 = arith.constant 0 : i32
      %dma_start3A_267 = tpu.memref_slice %arg5[%dma_start3A_258, %dma_start3A_259, %dma_start3A_266] : memref<2x16x128xi32, #tpu.memory_space<vmem>> -> memref<1x1x128xi32, #tpu.memory_space<vmem>>
      %dma_start3A_268 = tpu.memref_squeeze %dma_start3A_267 : memref<1x1x128xi32, #tpu.memory_space<vmem>> -> memref<128xi32, #tpu.memory_space<vmem>>
      %dma_start3A_269 = arith.constant 0 : i32
      %dma_start3A_270 = arith.constant 0 : i32
      %dma_start3A_271 = tpu.memref_slice %arg2[%dma_start3A_269, %dma_start3A_270] : memref<800000x16xf32, #tpu.memory_space<hbm>> -> memref<800000x16xf32, #tpu.memory_space<hbm>>
      tpu.enqueue_indirect_dma source(%dma_start3A_271 : memref<800000x16xf32, #tpu.memory_space<hbm>>) target(%dma_start3A_265 : memref<128x16xf32, #tpu.memory_space<vmem>>) offsets(%dma_start3A_268 : memref<128xi32, #tpu.memory_space<vmem>>) semaphore(%arg9 : memref<!tpu.dma_semaphore, #tpu.memory_space<semaphore_mem>>)
      %dma_start3A_272 = arith.constant 0 : i32
      %dma_start3A_273 = arith.constant 12 : i32
      %dma_start3A_274 = arith.constant 0 : i32
      %dma_start3A_275 = arith.constant 12 : i32
      %dma_start3A_276 = arith.constant 0 : i32
      %dma_start3A_277 = arith.constant 0 : i32
      %dma_start3A_278 = tpu.memref_slice %arg6[%dma_start3A_274, %dma_start3A_275, %dma_start3A_276, %dma_start3A_277] : memref<2x16x128x16xf32, #tpu.memory_space<vmem>> -> memref<1x1x128x16xf32, #tpu.memory_space<vmem>>
      %dma_start3A_279 = tpu.memref_squeeze %dma_start3A_278 : memref<1x1x128x16xf32, #tpu.memory_space<vmem>> -> memref<128x16xf32, #tpu.memory_space<vmem>>
      %dma_start3A_280 = arith.constant 0 : i32
      %dma_start3A_281 = tpu.memref_slice %arg5[%dma_start3A_272, %dma_start3A_273, %dma_start3A_280] : memref<2x16x128xi32, #tpu.memory_space<vmem>> -> memref<1x1x128xi32, #tpu.memory_space<vmem>>
      %dma_start3A_282 = tpu.memref_squeeze %dma_start3A_281 : memref<1x1x128xi32, #tpu.memory_space<vmem>> -> memref<128xi32, #tpu.memory_space<vmem>>
      %dma_start3A_283 = arith.constant 0 : i32
      %dma_start3A_284 = arith.constant 0 : i32
      %dma_start3A_285 = tpu.memref_slice %arg2[%dma_start3A_283, %dma_start3A_284] : memref<800000x16xf32, #tpu.memory_space<hbm>> -> memref<800000x16xf32, #tpu.memory_space<hbm>>
      tpu.enqueue_indirect_dma source(%dma_start3A_285 : memref<800000x16xf32, #tpu.memory_space<hbm>>) target(%dma_start3A_279 : memref<128x16xf32, #tpu.memory_space<vmem>>) offsets(%dma_start3A_282 : memref<128xi32, #tpu.memory_space<vmem>>) semaphore(%arg9 : memref<!tpu.dma_semaphore, #tpu.memory_space<semaphore_mem>>)
      %dma_start3A_286 = arith.constant 0 : i32
      %dma_start3A_287 = arith.constant 13 : i32
      %dma_start3A_288 = arith.constant 0 : i32
      %dma_start3A_289 = arith.constant 13 : i32
      %dma_start3A_290 = arith.constant 0 : i32
      %dma_start3A_291 = arith.constant 0 : i32
      %dma_start3A_292 = tpu.memref_slice %arg6[%dma_start3A_288, %dma_start3A_289, %dma_start3A_290, %dma_start3A_291] : memref<2x16x128x16xf32, #tpu.memory_space<vmem>> -> memref<1x1x128x16xf32, #tpu.memory_space<vmem>>
      %dma_start3A_293 = tpu.memref_squeeze %dma_start3A_292 : memref<1x1x128x16xf32, #tpu.memory_space<vmem>> -> memref<128x16xf32, #tpu.memory_space<vmem>>
      %dma_start3A_294 = arith.constant 0 : i32
      %dma_start3A_295 = tpu.memref_slice %arg5[%dma_start3A_286, %dma_start3A_287, %dma_start3A_294] : memref<2x16x128xi32, #tpu.memory_space<vmem>> -> memref<1x1x128xi32, #tpu.memory_space<vmem>>
      %dma_start3A_296 = tpu.memref_squeeze %dma_start3A_295 : memref<1x1x128xi32, #tpu.memory_space<vmem>> -> memref<128xi32, #tpu.memory_space<vmem>>
      %dma_start3A_297 = arith.constant 0 : i32
      %dma_start3A_298 = arith.constant 0 : i32
      %dma_start3A_299 = tpu.memref_slice %arg2[%dma_start3A_297, %dma_start3A_298] : memref<800000x16xf32, #tpu.memory_space<hbm>> -> memref<800000x16xf32, #tpu.memory_space<hbm>>
      tpu.enqueue_indirect_dma source(%dma_start3A_299 : memref<800000x16xf32, #tpu.memory_space<hbm>>) target(%dma_start3A_293 : memref<128x16xf32, #tpu.memory_space<vmem>>) offsets(%dma_start3A_296 : memref<128xi32, #tpu.memory_space<vmem>>) semaphore(%arg9 : memref<!tpu.dma_semaphore, #tpu.memory_space<semaphore_mem>>)
      %dma_start3A_300 = arith.constant 0 : i32
      %dma_start3A_301 = arith.constant 14 : i32
      %dma_start3A_302 = arith.constant 0 : i32
      %dma_start3A_303 = arith.constant 14 : i32
      %dma_start3A_304 = arith.constant 0 : i32
      %dma_start3A_305 = arith.constant 0 : i32
      %dma_start3A_306 = tpu.memref_slice %arg6[%dma_start3A_302, %dma_start3A_303, %dma_start3A_304, %dma_start3A_305] : memref<2x16x128x16xf32, #tpu.memory_space<vmem>> -> memref<1x1x128x16xf32, #tpu.memory_space<vmem>>
      %dma_start3A_307 = tpu.memref_squeeze %dma_start3A_306 : memref<1x1x128x16xf32, #tpu.memory_space<vmem>> -> memref<128x16xf32, #tpu.memory_space<vmem>>
      %dma_start3A_308 = arith.constant 0 : i32
      %dma_start3A_309 = tpu.memref_slice %arg5[%dma_start3A_300, %dma_start3A_301, %dma_start3A_308] : memref<2x16x128xi32, #tpu.memory_space<vmem>> -> memref<1x1x128xi32, #tpu.memory_space<vmem>>
      %dma_start3A_310 = tpu.memref_squeeze %dma_start3A_309 : memref<1x1x128xi32, #tpu.memory_space<vmem>> -> memref<128xi32, #tpu.memory_space<vmem>>
      %dma_start3A_311 = arith.constant 0 : i32
      %dma_start3A_312 = arith.constant 0 : i32
      %dma_start3A_313 = tpu.memref_slice %arg2[%dma_start3A_311, %dma_start3A_312] : memref<800000x16xf32, #tpu.memory_space<hbm>> -> memref<800000x16xf32, #tpu.memory_space<hbm>>
      tpu.enqueue_indirect_dma source(%dma_start3A_313 : memref<800000x16xf32, #tpu.memory_space<hbm>>) target(%dma_start3A_307 : memref<128x16xf32, #tpu.memory_space<vmem>>) offsets(%dma_start3A_310 : memref<128xi32, #tpu.memory_space<vmem>>) semaphore(%arg9 : memref<!tpu.dma_semaphore, #tpu.memory_space<semaphore_mem>>)
      %dma_start3A_314 = arith.constant 0 : i32
      %dma_start3A_315 = arith.constant 15 : i32
      %dma_start3A_316 = arith.constant 0 : i32
      %dma_start3A_317 = arith.constant 15 : i32
      %dma_start3A_318 = arith.constant 0 : i32
      %dma_start3A_319 = arith.constant 0 : i32
      %dma_start3A_320 = tpu.memref_slice %arg6[%dma_start3A_316, %dma_start3A_317, %dma_start3A_318, %dma_start3A_319] : memref<2x16x128x16xf32, #tpu.memory_space<vmem>> -> memref<1x1x128x16xf32, #tpu.memory_space<vmem>>
      %dma_start3A_321 = tpu.memref_squeeze %dma_start3A_320 : memref<1x1x128x16xf32, #tpu.memory_space<vmem>> -> memref<128x16xf32, #tpu.memory_space<vmem>>
      %dma_start3A_322 = arith.constant 0 : i32
      %dma_start3A_323 = tpu.memref_slice %arg5[%dma_start3A_314, %dma_start3A_315, %dma_start3A_322] : memref<2x16x128xi32, #tpu.memory_space<vmem>> -> memref<1x1x128xi32, #tpu.memory_space<vmem>>
      %dma_start3A_324 = tpu.memref_squeeze %dma_start3A_323 : memref<1x1x128xi32, #tpu.memory_space<vmem>> -> memref<128xi32, #tpu.memory_space<vmem>>
      %dma_start3A_325 = arith.constant 0 : i32
      %dma_start3A_326 = arith.constant 0 : i32
      %dma_start3A_327 = tpu.memref_slice %arg2[%dma_start3A_325, %dma_start3A_326] : memref<800000x16xf32, #tpu.memory_space<hbm>> -> memref<800000x16xf32, #tpu.memory_space<hbm>>
      tpu.enqueue_indirect_dma source(%dma_start3A_327 : memref<800000x16xf32, #tpu.memory_space<hbm>>) target(%dma_start3A_321 : memref<128x16xf32, #tpu.memory_space<vmem>>) offsets(%dma_start3A_324 : memref<128xi32, #tpu.memory_space<vmem>>) semaphore(%arg9 : memref<!tpu.dma_semaphore, #tpu.memory_space<semaphore_mem>>)
      %gt3A_328 = arith.constant 0 : i32
      %gt3A_329 = arith.cmpi sgt, %scan3A_95, %gt3A_328 : i32
      %convert_element_type3A_330 = arith.extui %gt3A_329 : i1 to i32
      %cond3A_331 = arith.constant 0 : i32
      %cond3A_332 = arith.cmpi ne, %convert_element_type3A_330, %cond3A_331 : i32
      scf.if %cond3A_332 {
        %dma_wait3A_612 = arith.constant 0 : i32
        %dma_wait3A_613 = arith.constant 0 : i32
        %dma_wait3A_614 = arith.constant 0 : i32
        %dma_wait3A_615 = arith.constant 0 : i32
        %dma_wait3A_616 = arith.constant 0 : i32
        %dma_wait3A_617 = tpu.memref_slice %arg6[%dma_wait3A_613, %dma_wait3A_614, %dma_wait3A_615, %dma_wait3A_616] : memref<2x16x128x16xf32, #tpu.memory_space<vmem>> -> memref<1x16x128x16xf32, #tpu.memory_space<vmem>>
        %dma_wait3A_618 = tpu.memref_squeeze %dma_wait3A_617 : memref<1x16x128x16xf32, #tpu.memory_space<vmem>> -> memref<16x128x16xf32, #tpu.memory_space<vmem>>
        %dma_wait3A_619 = arith.constant 0 : i32
        %dma_wait3A_620 = arith.constant 0 : i32
        %dma_wait3A_621 = arith.constant 0 : i32
        %dma_wait3A_622 = tpu.memref_slice %arg4[%dma_wait3A_612, %dma_wait3A_619, %dma_wait3A_620, %dma_wait3A_621] : memref<1600x16x128x16xf32, #tpu.memory_space<hbm>> -> memref<1x16x128x16xf32, #tpu.memory_space<hbm>>
        %dma_wait3A_623 = tpu.memref_squeeze %dma_wait3A_622 : memref<1x16x128x16xf32, #tpu.memory_space<hbm>> -> memref<16x128x16xf32, #tpu.memory_space<hbm>>
        %dma_wait3A_624 = arith.constant 0 : i32
        %dma_wait3A_625 = arith.constant 0 : i32
        %dma_wait3A_626 = arith.constant 0 : i32
        %dma_wait3A_627 = tpu.memref_slice %arg6[%dma_wait3A_613, %dma_wait3A_624, %dma_wait3A_625, %dma_wait3A_626] : memref<2x16x128x16xf32, #tpu.memory_space<vmem>> -> memref<1x16x128x16xf32, #tpu.memory_space<vmem>>
        %dma_wait3A_628 = tpu.memref_squeeze %dma_wait3A_627 : memref<1x16x128x16xf32, #tpu.memory_space<vmem>> -> memref<16x128x16xf32, #tpu.memory_space<vmem>>
        %dma_wait3A_629 = arith.constant 0 : i32
        %dma_wait3A_630 = arith.constant 0 : i32
        %dma_wait3A_631 = arith.constant 0 : i32
        %dma_wait3A_632 = tpu.memref_slice %arg4[%dma_wait3A_612, %dma_wait3A_629, %dma_wait3A_630, %dma_wait3A_631] : memref<1600x16x128x16xf32, #tpu.memory_space<hbm>> -> memref<1x16x128x16xf32, #tpu.memory_space<hbm>>
        %dma_wait3A_633 = tpu.memref_squeeze %dma_wait3A_632 : memref<1x16x128x16xf32, #tpu.memory_space<hbm>> -> memref<16x128x16xf32, #tpu.memory_space<hbm>>
        tpu.wait_dma2 semaphore(%arg10 : memref<!tpu.dma_semaphore, #tpu.memory_space<semaphore_mem>>) src(%dma_wait3A_633 : memref<16x128x16xf32, #tpu.memory_space<hbm>>) dst(%dma_wait3A_628 : memref<16x128x16xf32, #tpu.memory_space<vmem>>)
        %add3A_634 = arith.constant 1 : i32
        %add3A_635 = arith.addi %mul3A_97, %add3A_634 : i32
        %dma_start3A_636 = arith.constant 1 : i32
        %dma_start3A_637 = arith.constant 0 : i32
        %dma_start3A_638 = arith.constant 0 : i32
        %dma_start3A_639 = tpu.memref_slice %arg5[%dma_start3A_636, %dma_start3A_637, %dma_start3A_638] : memref<2x16x128xi32, #tpu.memory_space<vmem>> -> memref<1x16x128xi32, #tpu.memory_space<vmem>>
        %dma_start3A_640 = tpu.memref_squeeze %dma_start3A_639 : memref<1x16x128xi32, #tpu.memory_space<vmem>> -> memref<16x128xi32, #tpu.memory_space<vmem>>
        %dma_start3A_641 = arith.constant 0 : i32
        %dma_start3A_642 = arith.constant 0 : i32
        %dma_start3A_643 = tpu.memref_slice %arg3[%add3A, %add3A_635, %dma_start3A_641, %dma_start3A_642] : memref<32x50x16x128xi32, #tpu.memory_space<hbm>> -> memref<1x1x16x128xi32, #tpu.memory_space<hbm>>
        %dma_start3A_644 = tpu.memref_squeeze %dma_start3A_643 : memref<1x1x16x128xi32, #tpu.memory_space<hbm>> -> memref<16x128xi32, #tpu.memory_space<hbm>>
        %dma_start3A_645 = arith.constant 0 : i32
        %dma_start3A_646 = arith.constant 0 : i32
        %dma_start3A_647 = tpu.memref_slice %arg5[%dma_start3A_636, %dma_start3A_645, %dma_start3A_646] : memref<2x16x128xi32, #tpu.memory_space<vmem>> -> memref<1x16x128xi32, #tpu.memory_space<vmem>>
        %dma_start3A_648 = tpu.memref_squeeze %dma_start3A_647 : memref<1x16x128xi32, #tpu.memory_space<vmem>> -> memref<16x128xi32, #tpu.memory_space<vmem>>
        %dma_start3A_649 = arith.constant 0 : i32
        %dma_start3A_650 = arith.constant 0 : i32
        %dma_start3A_651 = tpu.memref_slice %arg3[%add3A, %add3A_635, %dma_start3A_649, %dma_start3A_650] : memref<32x50x16x128xi32, #tpu.memory_space<hbm>> -> memref<1x1x16x128xi32, #tpu.memory_space<hbm>>
        %dma_start3A_652 = tpu.memref_squeeze %dma_start3A_651 : memref<1x1x16x128xi32, #tpu.memory_space<hbm>> -> memref<16x128xi32, #tpu.memory_space<hbm>>
        tpu.enqueue_dma source(%dma_start3A_652 : memref<16x128xi32, #tpu.memory_space<hbm>>) target(%dma_start3A_648 : memref<16x128xi32, #tpu.memory_space<vmem>>) target_semaphore(%arg8 : memref<!tpu.dma_semaphore, #tpu.memory_space<semaphore_mem>>)
        %mul3A_653 = arith.constant 50 : i32
        %mul3A_654 = arith.muli %add3A, %mul3A_653 : i32
        %add3A_655 = arith.addi %mul3A_654, %mul3A_97 : i32
        %sub3A_656 = arith.constant 1 : i32
        %sub3A_657 = arith.subi %add3A_655, %sub3A_656 : i32
        %dma_start3A_658 = arith.constant 1 : i32
        %dma_start3A_659 = arith.constant 0 : i32
        %dma_start3A_660 = arith.constant 0 : i32
        %dma_start3A_661 = arith.constant 0 : i32
        %dma_start3A_662 = tpu.memref_slice %arg6[%dma_start3A_658, %dma_start3A_659, %dma_start3A_660, %dma_start3A_661] : memref<2x16x128x16xf32, #tpu.memory_space<vmem>> -> memref<1x16x128x16xf32, #tpu.memory_space<vmem>>
        %dma_start3A_663 = tpu.memref_squeeze %dma_start3A_662 : memref<1x16x128x16xf32, #tpu.memory_space<vmem>> -> memref<16x128x16xf32, #tpu.memory_space<vmem>>
        %dma_start3A_664 = arith.constant 0 : i32
        %dma_start3A_665 = arith.constant 0 : i32
        %dma_start3A_666 = arith.constant 0 : i32
        %dma_start3A_667 = tpu.memref_slice %arg4[%sub3A_657, %dma_start3A_664, %dma_start3A_665, %dma_start3A_666] : memref<1600x16x128x16xf32, #tpu.memory_space<hbm>> -> memref<1x16x128x16xf32, #tpu.memory_space<hbm>>
        %dma_start3A_668 = tpu.memref_squeeze %dma_start3A_667 : memref<1x16x128x16xf32, #tpu.memory_space<hbm>> -> memref<16x128x16xf32, #tpu.memory_space<hbm>>
        %dma_start3A_669 = arith.constant 0 : i32
        %dma_start3A_670 = arith.constant 0 : i32
        %dma_start3A_671 = arith.constant 0 : i32
        %dma_start3A_672 = tpu.memref_slice %arg4[%sub3A_657, %dma_start3A_669, %dma_start3A_670, %dma_start3A_671] : memref<1600x16x128x16xf32, #tpu.memory_space<hbm>> -> memref<1x16x128x16xf32, #tpu.memory_space<hbm>>
        %dma_start3A_673 = tpu.memref_squeeze %dma_start3A_672 : memref<1x16x128x16xf32, #tpu.memory_space<hbm>> -> memref<16x128x16xf32, #tpu.memory_space<hbm>>
        %dma_start3A_674 = arith.constant 0 : i32
        %dma_start3A_675 = arith.constant 0 : i32
        %dma_start3A_676 = arith.constant 0 : i32
        %dma_start3A_677 = tpu.memref_slice %arg6[%dma_start3A_658, %dma_start3A_674, %dma_start3A_675, %dma_start3A_676] : memref<2x16x128x16xf32, #tpu.memory_space<vmem>> -> memref<1x16x128x16xf32, #tpu.memory_space<vmem>>
        %dma_start3A_678 = tpu.memref_squeeze %dma_start3A_677 : memref<1x16x128x16xf32, #tpu.memory_space<vmem>> -> memref<16x128x16xf32, #tpu.memory_space<vmem>>
        tpu.enqueue_dma source(%dma_start3A_678 : memref<16x128x16xf32, #tpu.memory_space<vmem>>) target(%dma_start3A_673 : memref<16x128x16xf32, #tpu.memory_space<hbm>>) target_semaphore(%arg12 : memref<!tpu.dma_semaphore, #tpu.memory_space<semaphore_mem>>)
        %dma_wait3A_679 = arith.constant 0 : i32
        %dma_wait3A_680 = arith.constant 0 : i32
        %dma_wait3A_681 = arith.constant 0 : i32
        %dma_wait3A_682 = arith.constant 0 : i32
        %dma_wait3A_683 = arith.constant 0 : i32
        %dma_wait3A_684 = tpu.memref_slice %arg6[%dma_wait3A_680, %dma_wait3A_681, %dma_wait3A_682, %dma_wait3A_683] : memref<2x16x128x16xf32, #tpu.memory_space<vmem>> -> memref<1x16x128x16xf32, #tpu.memory_space<vmem>>
        %dma_wait3A_685 = tpu.memref_squeeze %dma_wait3A_684 : memref<1x16x128x16xf32, #tpu.memory_space<vmem>> -> memref<16x128x16xf32, #tpu.memory_space<vmem>>
        %dma_wait3A_686 = arith.constant 0 : i32
        %dma_wait3A_687 = arith.constant 0 : i32
        %dma_wait3A_688 = arith.constant 0 : i32
        %dma_wait3A_689 = tpu.memref_slice %arg4[%dma_wait3A_679, %dma_wait3A_686, %dma_wait3A_687, %dma_wait3A_688] : memref<1600x16x128x16xf32, #tpu.memory_space<hbm>> -> memref<1x16x128x16xf32, #tpu.memory_space<hbm>>
        %dma_wait3A_690 = tpu.memref_squeeze %dma_wait3A_689 : memref<1x16x128x16xf32, #tpu.memory_space<hbm>> -> memref<16x128x16xf32, #tpu.memory_space<hbm>>
        %dma_wait3A_691 = arith.constant 0 : i32
        %dma_wait3A_692 = arith.constant 0 : i32
        %dma_wait3A_693 = arith.constant 0 : i32
        %dma_wait3A_694 = tpu.memref_slice %arg6[%dma_wait3A_680, %dma_wait3A_691, %dma_wait3A_692, %dma_wait3A_693] : memref<2x16x128x16xf32, #tpu.memory_space<vmem>> -> memref<1x16x128x16xf32, #tpu.memory_space<vmem>>
        %dma_wait3A_695 = tpu.memref_squeeze %dma_wait3A_694 : memref<1x16x128x16xf32, #tpu.memory_space<vmem>> -> memref<16x128x16xf32, #tpu.memory_space<vmem>>
        %dma_wait3A_696 = arith.constant 0 : i32
        %dma_wait3A_697 = arith.constant 0 : i32
        %dma_wait3A_698 = arith.constant 0 : i32
        %dma_wait3A_699 = tpu.memref_slice %arg4[%dma_wait3A_679, %dma_wait3A_696, %dma_wait3A_697, %dma_wait3A_698] : memref<1600x16x128x16xf32, #tpu.memory_space<hbm>> -> memref<1x16x128x16xf32, #tpu.memory_space<hbm>>
        %dma_wait3A_700 = tpu.memref_squeeze %dma_wait3A_699 : memref<1x16x128x16xf32, #tpu.memory_space<hbm>> -> memref<16x128x16xf32, #tpu.memory_space<hbm>>
        tpu.wait_dma2 semaphore(%arg12 : memref<!tpu.dma_semaphore, #tpu.memory_space<semaphore_mem>>) src(%dma_wait3A_700 : memref<16x128x16xf32, #tpu.memory_space<hbm>>) dst(%dma_wait3A_695 : memref<16x128x16xf32, #tpu.memory_space<vmem>>)
        %dma_wait3A_701 = arith.constant 0 : i32
        %dma_wait3A_702 = arith.constant 0 : i32
        %dma_wait3A_703 = arith.constant 0 : i32
        %dma_wait3A_704 = arith.constant 0 : i32
        %dma_wait3A_705 = tpu.memref_slice %arg5[%dma_wait3A_702, %dma_wait3A_703, %dma_wait3A_704] : memref<2x16x128xi32, #tpu.memory_space<vmem>> -> memref<1x16x128xi32, #tpu.memory_space<vmem>>
        %dma_wait3A_706 = tpu.memref_squeeze %dma_wait3A_705 : memref<1x16x128xi32, #tpu.memory_space<vmem>> -> memref<16x128xi32, #tpu.memory_space<vmem>>
        %dma_wait3A_707 = arith.constant 0 : i32
        %dma_wait3A_708 = arith.constant 0 : i32
        %dma_wait3A_709 = tpu.memref_slice %arg3[%add3A, %dma_wait3A_701, %dma_wait3A_707, %dma_wait3A_708] : memref<32x50x16x128xi32, #tpu.memory_space<hbm>> -> memref<1x1x16x128xi32, #tpu.memory_space<hbm>>
        %dma_wait3A_710 = tpu.memref_squeeze %dma_wait3A_709 : memref<1x1x16x128xi32, #tpu.memory_space<hbm>> -> memref<16x128xi32, #tpu.memory_space<hbm>>
        %dma_wait3A_711 = arith.constant 0 : i32
        %dma_wait3A_712 = arith.constant 0 : i32
        %dma_wait3A_713 = tpu.memref_slice %arg5[%dma_wait3A_702, %dma_wait3A_711, %dma_wait3A_712] : memref<2x16x128xi32, #tpu.memory_space<vmem>> -> memref<1x16x128xi32, #tpu.memory_space<vmem>>
        %dma_wait3A_714 = tpu.memref_squeeze %dma_wait3A_713 : memref<1x16x128xi32, #tpu.memory_space<vmem>> -> memref<16x128xi32, #tpu.memory_space<vmem>>
        %dma_wait3A_715 = arith.constant 0 : i32
        %dma_wait3A_716 = arith.constant 0 : i32
        %dma_wait3A_717 = tpu.memref_slice %arg3[%add3A, %dma_wait3A_701, %dma_wait3A_715, %dma_wait3A_716] : memref<32x50x16x128xi32, #tpu.memory_space<hbm>> -> memref<1x1x16x128xi32, #tpu.memory_space<hbm>>
        %dma_wait3A_718 = tpu.memref_squeeze %dma_wait3A_717 : memref<1x1x16x128xi32, #tpu.memory_space<hbm>> -> memref<16x128xi32, #tpu.memory_space<hbm>>
        tpu.wait_dma2 semaphore(%arg8 : memref<!tpu.dma_semaphore, #tpu.memory_space<semaphore_mem>>) src(%dma_wait3A_718 : memref<16x128xi32, #tpu.memory_space<hbm>>) dst(%dma_wait3A_714 : memref<16x128xi32, #tpu.memory_space<vmem>>)
      } else {
      }
      %eq3A_333 = arith.constant 0 : i32
      %eq3A_334 = arith.cmpi eq, %scan3A_95, %eq3A_333 : i32
      %convert_element_type3A_335 = arith.extui %eq3A_334 : i1 to i32
      %cond3A_336 = arith.constant 0 : i32
      %cond3A_337 = arith.cmpi ne, %convert_element_type3A_335, %cond3A_336 : i32
      scf.if %cond3A_337 {
        %add3A_612 = arith.constant 1 : i32
        %add3A_613 = arith.addi %mul3A_97, %add3A_612 : i32
        %run_scoped3A = arith.constant 1 : i32
        "tpu.region"() ({
          %run_scoped3A_614 = tpu.sem_alloc : memref<!tpu.dma_semaphore, #tpu.memory_space<semaphore_mem>>
          %dma_start3A_615 = arith.constant 0 : i32
          %dma_start3A_616 = arith.constant 0 : i32
          %dma_start3A_617 = tpu.memref_slice %arg5[%run_scoped3A, %dma_start3A_615, %dma_start3A_616] : memref<2x16x128xi32, #tpu.memory_space<vmem>> -> memref<1x16x128xi32, #tpu.memory_space<vmem>>
          %dma_start3A_618 = tpu.memref_squeeze %dma_start3A_617 : memref<1x16x128xi32, #tpu.memory_space<vmem>> -> memref<16x128xi32, #tpu.memory_space<vmem>>
          %dma_start3A_619 = arith.constant 0 : i32
          %dma_start3A_620 = arith.constant 0 : i32
          %dma_start3A_621 = tpu.memref_slice %arg3[%add3A, %add3A_613, %dma_start3A_619, %dma_start3A_620] : memref<32x50x16x128xi32, #tpu.memory_space<hbm>> -> memref<1x1x16x128xi32, #tpu.memory_space<hbm>>
          %dma_start3A_622 = tpu.memref_squeeze %dma_start3A_621 : memref<1x1x16x128xi32, #tpu.memory_space<hbm>> -> memref<16x128xi32, #tpu.memory_space<hbm>>
          %dma_start3A_623 = arith.constant 0 : i32
          %dma_start3A_624 = arith.constant 0 : i32
          %dma_start3A_625 = tpu.memref_slice %arg5[%run_scoped3A, %dma_start3A_623, %dma_start3A_624] : memref<2x16x128xi32, #tpu.memory_space<vmem>> -> memref<1x16x128xi32, #tpu.memory_space<vmem>>
          %dma_start3A_626 = tpu.memref_squeeze %dma_start3A_625 : memref<1x16x128xi32, #tpu.memory_space<vmem>> -> memref<16x128xi32, #tpu.memory_space<vmem>>
          %dma_start3A_627 = arith.constant 0 : i32
          %dma_start3A_628 = arith.constant 0 : i32
          %dma_start3A_629 = tpu.memref_slice %arg3[%add3A, %add3A_613, %dma_start3A_627, %dma_start3A_628] : memref<32x50x16x128xi32, #tpu.memory_space<hbm>> -> memref<1x1x16x128xi32, #tpu.memory_space<hbm>>
          %dma_start3A_630 = tpu.memref_squeeze %dma_start3A_629 : memref<1x1x16x128xi32, #tpu.memory_space<hbm>> -> memref<16x128xi32, #tpu.memory_space<hbm>>
          tpu.enqueue_dma source(%dma_start3A_630 : memref<16x128xi32, #tpu.memory_space<hbm>>) target(%dma_start3A_626 : memref<16x128xi32, #tpu.memory_space<vmem>>) target_semaphore(%run_scoped3A_614 : memref<!tpu.dma_semaphore, #tpu.memory_space<semaphore_mem>>)
          %dma_wait3A_631 = arith.constant 0 : i32
          %dma_wait3A_632 = arith.constant 0 : i32
          %dma_wait3A_633 = tpu.memref_slice %arg5[%run_scoped3A, %dma_wait3A_631, %dma_wait3A_632] : memref<2x16x128xi32, #tpu.memory_space<vmem>> -> memref<1x16x128xi32, #tpu.memory_space<vmem>>
          %dma_wait3A_634 = tpu.memref_squeeze %dma_wait3A_633 : memref<1x16x128xi32, #tpu.memory_space<vmem>> -> memref<16x128xi32, #tpu.memory_space<vmem>>
          %dma_wait3A_635 = arith.constant 0 : i32
          %dma_wait3A_636 = arith.constant 0 : i32
          %dma_wait3A_637 = tpu.memref_slice %arg3[%add3A, %add3A_613, %dma_wait3A_635, %dma_wait3A_636] : memref<32x50x16x128xi32, #tpu.memory_space<hbm>> -> memref<1x1x16x128xi32, #tpu.memory_space<hbm>>
          %dma_wait3A_638 = tpu.memref_squeeze %dma_wait3A_637 : memref<1x1x16x128xi32, #tpu.memory_space<hbm>> -> memref<16x128xi32, #tpu.memory_space<hbm>>
          %dma_wait3A_639 = arith.constant 0 : i32
          %dma_wait3A_640 = arith.constant 0 : i32
          %dma_wait3A_641 = tpu.memref_slice %arg5[%run_scoped3A, %dma_wait3A_639, %dma_wait3A_640] : memref<2x16x128xi32, #tpu.memory_space<vmem>> -> memref<1x16x128xi32, #tpu.memory_space<vmem>>
          %dma_wait3A_642 = tpu.memref_squeeze %dma_wait3A_641 : memref<1x16x128xi32, #tpu.memory_space<vmem>> -> memref<16x128xi32, #tpu.memory_space<vmem>>
          %dma_wait3A_643 = arith.constant 0 : i32
          %dma_wait3A_644 = arith.constant 0 : i32
          %dma_wait3A_645 = tpu.memref_slice %arg3[%add3A, %add3A_613, %dma_wait3A_643, %dma_wait3A_644] : memref<32x50x16x128xi32, #tpu.memory_space<hbm>> -> memref<1x1x16x128xi32, #tpu.memory_space<hbm>>
          %dma_wait3A_646 = tpu.memref_squeeze %dma_wait3A_645 : memref<1x1x16x128xi32, #tpu.memory_space<hbm>> -> memref<16x128xi32, #tpu.memory_space<hbm>>
          tpu.wait_dma2 semaphore(%run_scoped3A_614 : memref<!tpu.dma_semaphore, #tpu.memory_space<semaphore_mem>>) src(%dma_wait3A_646 : memref<16x128xi32, #tpu.memory_space<hbm>>) dst(%dma_wait3A_642 : memref<16x128xi32, #tpu.memory_space<vmem>>)
          tpu.yield
        }) : () -> ()
      } else {
      }
      %dma_start3A_338 = arith.constant 1 : i32
      %dma_start3A_339 = arith.constant 0 : i32
      %dma_start3A_340 = arith.constant 1 : i32
      %dma_start3A_341 = arith.constant 0 : i32
      %dma_start3A_342 = arith.constant 0 : i32
      %dma_start3A_343 = arith.constant 0 : i32
      %dma_start3A_344 = tpu.memref_slice %arg6[%dma_start3A_340, %dma_start3A_341, %dma_start3A_342, %dma_start3A_343] : memref<2x16x128x16xf32, #tpu.memory_space<vmem>> -> memref<1x1x128x16xf32, #tpu.memory_space<vmem>>
      %dma_start3A_345 = tpu.memref_squeeze %dma_start3A_344 : memref<1x1x128x16xf32, #tpu.memory_space<vmem>> -> memref<128x16xf32, #tpu.memory_space<vmem>>
      %dma_start3A_346 = arith.constant 0 : i32
      %dma_start3A_347 = tpu.memref_slice %arg5[%dma_start3A_338, %dma_start3A_339, %dma_start3A_346] : memref<2x16x128xi32, #tpu.memory_space<vmem>> -> memref<1x1x128xi32, #tpu.memory_space<vmem>>
      %dma_start3A_348 = tpu.memref_squeeze %dma_start3A_347 : memref<1x1x128xi32, #tpu.memory_space<vmem>> -> memref<128xi32, #tpu.memory_space<vmem>>
      %dma_start3A_349 = arith.constant 0 : i32
      %dma_start3A_350 = arith.constant 0 : i32
      %dma_start3A_351 = tpu.memref_slice %arg2[%dma_start3A_349, %dma_start3A_350] : memref<800000x16xf32, #tpu.memory_space<hbm>> -> memref<800000x16xf32, #tpu.memory_space<hbm>>
      tpu.enqueue_indirect_dma source(%dma_start3A_351 : memref<800000x16xf32, #tpu.memory_space<hbm>>) target(%dma_start3A_345 : memref<128x16xf32, #tpu.memory_space<vmem>>) offsets(%dma_start3A_348 : memref<128xi32, #tpu.memory_space<vmem>>) semaphore(%arg10 : memref<!tpu.dma_semaphore, #tpu.memory_space<semaphore_mem>>)
      %dma_start3A_352 = arith.constant 1 : i32
      %dma_start3A_353 = arith.constant 1 : i32
      %dma_start3A_354 = arith.constant 1 : i32
      %dma_start3A_355 = arith.constant 1 : i32
      %dma_start3A_356 = arith.constant 0 : i32
      %dma_start3A_357 = arith.constant 0 : i32
      %dma_start3A_358 = tpu.memref_slice %arg6[%dma_start3A_354, %dma_start3A_355, %dma_start3A_356, %dma_start3A_357] : memref<2x16x128x16xf32, #tpu.memory_space<vmem>> -> memref<1x1x128x16xf32, #tpu.memory_space<vmem>>
      %dma_start3A_359 = tpu.memref_squeeze %dma_start3A_358 : memref<1x1x128x16xf32, #tpu.memory_space<vmem>> -> memref<128x16xf32, #tpu.memory_space<vmem>>
      %dma_start3A_360 = arith.constant 0 : i32
      %dma_start3A_361 = tpu.memref_slice %arg5[%dma_start3A_352, %dma_start3A_353, %dma_start3A_360] : memref<2x16x128xi32, #tpu.memory_space<vmem>> -> memref<1x1x128xi32, #tpu.memory_space<vmem>>
      %dma_start3A_362 = tpu.memref_squeeze %dma_start3A_361 : memref<1x1x128xi32, #tpu.memory_space<vmem>> -> memref<128xi32, #tpu.memory_space<vmem>>
      %dma_start3A_363 = arith.constant 0 : i32
      %dma_start3A_364 = arith.constant 0 : i32
      %dma_start3A_365 = tpu.memref_slice %arg2[%dma_start3A_363, %dma_start3A_364] : memref<800000x16xf32, #tpu.memory_space<hbm>> -> memref<800000x16xf32, #tpu.memory_space<hbm>>
      tpu.enqueue_indirect_dma source(%dma_start3A_365 : memref<800000x16xf32, #tpu.memory_space<hbm>>) target(%dma_start3A_359 : memref<128x16xf32, #tpu.memory_space<vmem>>) offsets(%dma_start3A_362 : memref<128xi32, #tpu.memory_space<vmem>>) semaphore(%arg10 : memref<!tpu.dma_semaphore, #tpu.memory_space<semaphore_mem>>)
      %dma_start3A_366 = arith.constant 1 : i32
      %dma_start3A_367 = arith.constant 2 : i32
      %dma_start3A_368 = arith.constant 1 : i32
      %dma_start3A_369 = arith.constant 2 : i32
      %dma_start3A_370 = arith.constant 0 : i32
      %dma_start3A_371 = arith.constant 0 : i32
      %dma_start3A_372 = tpu.memref_slice %arg6[%dma_start3A_368, %dma_start3A_369, %dma_start3A_370, %dma_start3A_371] : memref<2x16x128x16xf32, #tpu.memory_space<vmem>> -> memref<1x1x128x16xf32, #tpu.memory_space<vmem>>
      %dma_start3A_373 = tpu.memref_squeeze %dma_start3A_372 : memref<1x1x128x16xf32, #tpu.memory_space<vmem>> -> memref<128x16xf32, #tpu.memory_space<vmem>>
      %dma_start3A_374 = arith.constant 0 : i32
      %dma_start3A_375 = tpu.memref_slice %arg5[%dma_start3A_366, %dma_start3A_367, %dma_start3A_374] : memref<2x16x128xi32, #tpu.memory_space<vmem>> -> memref<1x1x128xi32, #tpu.memory_space<vmem>>
      %dma_start3A_376 = tpu.memref_squeeze %dma_start3A_375 : memref<1x1x128xi32, #tpu.memory_space<vmem>> -> memref<128xi32, #tpu.memory_space<vmem>>
      %dma_start3A_377 = arith.constant 0 : i32
      %dma_start3A_378 = arith.constant 0 : i32
      %dma_start3A_379 = tpu.memref_slice %arg2[%dma_start3A_377, %dma_start3A_378] : memref<800000x16xf32, #tpu.memory_space<hbm>> -> memref<800000x16xf32, #tpu.memory_space<hbm>>
      tpu.enqueue_indirect_dma source(%dma_start3A_379 : memref<800000x16xf32, #tpu.memory_space<hbm>>) target(%dma_start3A_373 : memref<128x16xf32, #tpu.memory_space<vmem>>) offsets(%dma_start3A_376 : memref<128xi32, #tpu.memory_space<vmem>>) semaphore(%arg10 : memref<!tpu.dma_semaphore, #tpu.memory_space<semaphore_mem>>)
      %dma_start3A_380 = arith.constant 1 : i32
      %dma_start3A_381 = arith.constant 3 : i32
      %dma_start3A_382 = arith.constant 1 : i32
      %dma_start3A_383 = arith.constant 3 : i32
      %dma_start3A_384 = arith.constant 0 : i32
      %dma_start3A_385 = arith.constant 0 : i32
      %dma_start3A_386 = tpu.memref_slice %arg6[%dma_start3A_382, %dma_start3A_383, %dma_start3A_384, %dma_start3A_385] : memref<2x16x128x16xf32, #tpu.memory_space<vmem>> -> memref<1x1x128x16xf32, #tpu.memory_space<vmem>>
      %dma_start3A_387 = tpu.memref_squeeze %dma_start3A_386 : memref<1x1x128x16xf32, #tpu.memory_space<vmem>> -> memref<128x16xf32, #tpu.memory_space<vmem>>
      %dma_start3A_388 = arith.constant 0 : i32
      %dma_start3A_389 = tpu.memref_slice %arg5[%dma_start3A_380, %dma_start3A_381, %dma_start3A_388] : memref<2x16x128xi32, #tpu.memory_space<vmem>> -> memref<1x1x128xi32, #tpu.memory_space<vmem>>
      %dma_start3A_390 = tpu.memref_squeeze %dma_start3A_389 : memref<1x1x128xi32, #tpu.memory_space<vmem>> -> memref<128xi32, #tpu.memory_space<vmem>>
      %dma_start3A_391 = arith.constant 0 : i32
      %dma_start3A_392 = arith.constant 0 : i32
      %dma_start3A_393 = tpu.memref_slice %arg2[%dma_start3A_391, %dma_start3A_392] : memref<800000x16xf32, #tpu.memory_space<hbm>> -> memref<800000x16xf32, #tpu.memory_space<hbm>>
      tpu.enqueue_indirect_dma source(%dma_start3A_393 : memref<800000x16xf32, #tpu.memory_space<hbm>>) target(%dma_start3A_387 : memref<128x16xf32, #tpu.memory_space<vmem>>) offsets(%dma_start3A_390 : memref<128xi32, #tpu.memory_space<vmem>>) semaphore(%arg10 : memref<!tpu.dma_semaphore, #tpu.memory_space<semaphore_mem>>)
      %dma_start3A_394 = arith.constant 1 : i32
      %dma_start3A_395 = arith.constant 4 : i32
      %dma_start3A_396 = arith.constant 1 : i32
      %dma_start3A_397 = arith.constant 4 : i32
      %dma_start3A_398 = arith.constant 0 : i32
      %dma_start3A_399 = arith.constant 0 : i32
      %dma_start3A_400 = tpu.memref_slice %arg6[%dma_start3A_396, %dma_start3A_397, %dma_start3A_398, %dma_start3A_399] : memref<2x16x128x16xf32, #tpu.memory_space<vmem>> -> memref<1x1x128x16xf32, #tpu.memory_space<vmem>>
      %dma_start3A_401 = tpu.memref_squeeze %dma_start3A_400 : memref<1x1x128x16xf32, #tpu.memory_space<vmem>> -> memref<128x16xf32, #tpu.memory_space<vmem>>
      %dma_start3A_402 = arith.constant 0 : i32
      %dma_start3A_403 = tpu.memref_slice %arg5[%dma_start3A_394, %dma_start3A_395, %dma_start3A_402] : memref<2x16x128xi32, #tpu.memory_space<vmem>> -> memref<1x1x128xi32, #tpu.memory_space<vmem>>
      %dma_start3A_404 = tpu.memref_squeeze %dma_start3A_403 : memref<1x1x128xi32, #tpu.memory_space<vmem>> -> memref<128xi32, #tpu.memory_space<vmem>>
      %dma_start3A_405 = arith.constant 0 : i32
      %dma_start3A_406 = arith.constant 0 : i32
      %dma_start3A_407 = tpu.memref_slice %arg2[%dma_start3A_405, %dma_start3A_406] : memref<800000x16xf32, #tpu.memory_space<hbm>> -> memref<800000x16xf32, #tpu.memory_space<hbm>>
      tpu.enqueue_indirect_dma source(%dma_start3A_407 : memref<800000x16xf32, #tpu.memory_space<hbm>>) target(%dma_start3A_401 : memref<128x16xf32, #tpu.memory_space<vmem>>) offsets(%dma_start3A_404 : memref<128xi32, #tpu.memory_space<vmem>>) semaphore(%arg10 : memref<!tpu.dma_semaphore, #tpu.memory_space<semaphore_mem>>)
      %dma_start3A_408 = arith.constant 1 : i32
      %dma_start3A_409 = arith.constant 5 : i32
      %dma_start3A_410 = arith.constant 1 : i32
      %dma_start3A_411 = arith.constant 5 : i32
      %dma_start3A_412 = arith.constant 0 : i32
      %dma_start3A_413 = arith.constant 0 : i32
      %dma_start3A_414 = tpu.memref_slice %arg6[%dma_start3A_410, %dma_start3A_411, %dma_start3A_412, %dma_start3A_413] : memref<2x16x128x16xf32, #tpu.memory_space<vmem>> -> memref<1x1x128x16xf32, #tpu.memory_space<vmem>>
      %dma_start3A_415 = tpu.memref_squeeze %dma_start3A_414 : memref<1x1x128x16xf32, #tpu.memory_space<vmem>> -> memref<128x16xf32, #tpu.memory_space<vmem>>
      %dma_start3A_416 = arith.constant 0 : i32
      %dma_start3A_417 = tpu.memref_slice %arg5[%dma_start3A_408, %dma_start3A_409, %dma_start3A_416] : memref<2x16x128xi32, #tpu.memory_space<vmem>> -> memref<1x1x128xi32, #tpu.memory_space<vmem>>
      %dma_start3A_418 = tpu.memref_squeeze %dma_start3A_417 : memref<1x1x128xi32, #tpu.memory_space<vmem>> -> memref<128xi32, #tpu.memory_space<vmem>>
      %dma_start3A_419 = arith.constant 0 : i32
      %dma_start3A_420 = arith.constant 0 : i32
      %dma_start3A_421 = tpu.memref_slice %arg2[%dma_start3A_419, %dma_start3A_420] : memref<800000x16xf32, #tpu.memory_space<hbm>> -> memref<800000x16xf32, #tpu.memory_space<hbm>>
      tpu.enqueue_indirect_dma source(%dma_start3A_421 : memref<800000x16xf32, #tpu.memory_space<hbm>>) target(%dma_start3A_415 : memref<128x16xf32, #tpu.memory_space<vmem>>) offsets(%dma_start3A_418 : memref<128xi32, #tpu.memory_space<vmem>>) semaphore(%arg10 : memref<!tpu.dma_semaphore, #tpu.memory_space<semaphore_mem>>)
      %dma_start3A_422 = arith.constant 1 : i32
      %dma_start3A_423 = arith.constant 6 : i32
      %dma_start3A_424 = arith.constant 1 : i32
      %dma_start3A_425 = arith.constant 6 : i32
      %dma_start3A_426 = arith.constant 0 : i32
      %dma_start3A_427 = arith.constant 0 : i32
      %dma_start3A_428 = tpu.memref_slice %arg6[%dma_start3A_424, %dma_start3A_425, %dma_start3A_426, %dma_start3A_427] : memref<2x16x128x16xf32, #tpu.memory_space<vmem>> -> memref<1x1x128x16xf32, #tpu.memory_space<vmem>>
      %dma_start3A_429 = tpu.memref_squeeze %dma_start3A_428 : memref<1x1x128x16xf32, #tpu.memory_space<vmem>> -> memref<128x16xf32, #tpu.memory_space<vmem>>
      %dma_start3A_430 = arith.constant 0 : i32
      %dma_start3A_431 = tpu.memref_slice %arg5[%dma_start3A_422, %dma_start3A_423, %dma_start3A_430] : memref<2x16x128xi32, #tpu.memory_space<vmem>> -> memref<1x1x128xi32, #tpu.memory_space<vmem>>
      %dma_start3A_432 = tpu.memref_squeeze %dma_start3A_431 : memref<1x1x128xi32, #tpu.memory_space<vmem>> -> memref<128xi32, #tpu.memory_space<vmem>>
      %dma_start3A_433 = arith.constant 0 : i32
      %dma_start3A_434 = arith.constant 0 : i32
      %dma_start3A_435 = tpu.memref_slice %arg2[%dma_start3A_433, %dma_start3A_434] : memref<800000x16xf32, #tpu.memory_space<hbm>> -> memref<800000x16xf32, #tpu.memory_space<hbm>>
      tpu.enqueue_indirect_dma source(%dma_start3A_435 : memref<800000x16xf32, #tpu.memory_space<hbm>>) target(%dma_start3A_429 : memref<128x16xf32, #tpu.memory_space<vmem>>) offsets(%dma_start3A_432 : memref<128xi32, #tpu.memory_space<vmem>>) semaphore(%arg10 : memref<!tpu.dma_semaphore, #tpu.memory_space<semaphore_mem>>)
      %dma_start3A_436 = arith.constant 1 : i32
      %dma_start3A_437 = arith.constant 7 : i32
      %dma_start3A_438 = arith.constant 1 : i32
      %dma_start3A_439 = arith.constant 7 : i32
      %dma_start3A_440 = arith.constant 0 : i32
      %dma_start3A_441 = arith.constant 0 : i32
      %dma_start3A_442 = tpu.memref_slice %arg6[%dma_start3A_438, %dma_start3A_439, %dma_start3A_440, %dma_start3A_441] : memref<2x16x128x16xf32, #tpu.memory_space<vmem>> -> memref<1x1x128x16xf32, #tpu.memory_space<vmem>>
      %dma_start3A_443 = tpu.memref_squeeze %dma_start3A_442 : memref<1x1x128x16xf32, #tpu.memory_space<vmem>> -> memref<128x16xf32, #tpu.memory_space<vmem>>
      %dma_start3A_444 = arith.constant 0 : i32
      %dma_start3A_445 = tpu.memref_slice %arg5[%dma_start3A_436, %dma_start3A_437, %dma_start3A_444] : memref<2x16x128xi32, #tpu.memory_space<vmem>> -> memref<1x1x128xi32, #tpu.memory_space<vmem>>
      %dma_start3A_446 = tpu.memref_squeeze %dma_start3A_445 : memref<1x1x128xi32, #tpu.memory_space<vmem>> -> memref<128xi32, #tpu.memory_space<vmem>>
      %dma_start3A_447 = arith.constant 0 : i32
      %dma_start3A_448 = arith.constant 0 : i32
      %dma_start3A_449 = tpu.memref_slice %arg2[%dma_start3A_447, %dma_start3A_448] : memref<800000x16xf32, #tpu.memory_space<hbm>> -> memref<800000x16xf32, #tpu.memory_space<hbm>>
      tpu.enqueue_indirect_dma source(%dma_start3A_449 : memref<800000x16xf32, #tpu.memory_space<hbm>>) target(%dma_start3A_443 : memref<128x16xf32, #tpu.memory_space<vmem>>) offsets(%dma_start3A_446 : memref<128xi32, #tpu.memory_space<vmem>>) semaphore(%arg10 : memref<!tpu.dma_semaphore, #tpu.memory_space<semaphore_mem>>)
      %dma_start3A_450 = arith.constant 1 : i32
      %dma_start3A_451 = arith.constant 8 : i32
      %dma_start3A_452 = arith.constant 1 : i32
      %dma_start3A_453 = arith.constant 8 : i32
      %dma_start3A_454 = arith.constant 0 : i32
      %dma_start3A_455 = arith.constant 0 : i32
      %dma_start3A_456 = tpu.memref_slice %arg6[%dma_start3A_452, %dma_start3A_453, %dma_start3A_454, %dma_start3A_455] : memref<2x16x128x16xf32, #tpu.memory_space<vmem>> -> memref<1x1x128x16xf32, #tpu.memory_space<vmem>>
      %dma_start3A_457 = tpu.memref_squeeze %dma_start3A_456 : memref<1x1x128x16xf32, #tpu.memory_space<vmem>> -> memref<128x16xf32, #tpu.memory_space<vmem>>
      %dma_start3A_458 = arith.constant 0 : i32
      %dma_start3A_459 = tpu.memref_slice %arg5[%dma_start3A_450, %dma_start3A_451, %dma_start3A_458] : memref<2x16x128xi32, #tpu.memory_space<vmem>> -> memref<1x1x128xi32, #tpu.memory_space<vmem>>
      %dma_start3A_460 = tpu.memref_squeeze %dma_start3A_459 : memref<1x1x128xi32, #tpu.memory_space<vmem>> -> memref<128xi32, #tpu.memory_space<vmem>>
      %dma_start3A_461 = arith.constant 0 : i32
      %dma_start3A_462 = arith.constant 0 : i32
      %dma_start3A_463 = tpu.memref_slice %arg2[%dma_start3A_461, %dma_start3A_462] : memref<800000x16xf32, #tpu.memory_space<hbm>> -> memref<800000x16xf32, #tpu.memory_space<hbm>>
      tpu.enqueue_indirect_dma source(%dma_start3A_463 : memref<800000x16xf32, #tpu.memory_space<hbm>>) target(%dma_start3A_457 : memref<128x16xf32, #tpu.memory_space<vmem>>) offsets(%dma_start3A_460 : memref<128xi32, #tpu.memory_space<vmem>>) semaphore(%arg10 : memref<!tpu.dma_semaphore, #tpu.memory_space<semaphore_mem>>)
      %dma_start3A_464 = arith.constant 1 : i32
      %dma_start3A_465 = arith.constant 9 : i32
      %dma_start3A_466 = arith.constant 1 : i32
      %dma_start3A_467 = arith.constant 9 : i32
      %dma_start3A_468 = arith.constant 0 : i32
      %dma_start3A_469 = arith.constant 0 : i32
      %dma_start3A_470 = tpu.memref_slice %arg6[%dma_start3A_466, %dma_start3A_467, %dma_start3A_468, %dma_start3A_469] : memref<2x16x128x16xf32, #tpu.memory_space<vmem>> -> memref<1x1x128x16xf32, #tpu.memory_space<vmem>>
      %dma_start3A_471 = tpu.memref_squeeze %dma_start3A_470 : memref<1x1x128x16xf32, #tpu.memory_space<vmem>> -> memref<128x16xf32, #tpu.memory_space<vmem>>
      %dma_start3A_472 = arith.constant 0 : i32
      %dma_start3A_473 = tpu.memref_slice %arg5[%dma_start3A_464, %dma_start3A_465, %dma_start3A_472] : memref<2x16x128xi32, #tpu.memory_space<vmem>> -> memref<1x1x128xi32, #tpu.memory_space<vmem>>
      %dma_start3A_474 = tpu.memref_squeeze %dma_start3A_473 : memref<1x1x128xi32, #tpu.memory_space<vmem>> -> memref<128xi32, #tpu.memory_space<vmem>>
      %dma_start3A_475 = arith.constant 0 : i32
      %dma_start3A_476 = arith.constant 0 : i32
      %dma_start3A_477 = tpu.memref_slice %arg2[%dma_start3A_475, %dma_start3A_476] : memref<800000x16xf32, #tpu.memory_space<hbm>> -> memref<800000x16xf32, #tpu.memory_space<hbm>>
      tpu.enqueue_indirect_dma source(%dma_start3A_477 : memref<800000x16xf32, #tpu.memory_space<hbm>>) target(%dma_start3A_471 : memref<128x16xf32, #tpu.memory_space<vmem>>) offsets(%dma_start3A_474 : memref<128xi32, #tpu.memory_space<vmem>>) semaphore(%arg10 : memref<!tpu.dma_semaphore, #tpu.memory_space<semaphore_mem>>)
      %dma_start3A_478 = arith.constant 1 : i32
      %dma_start3A_479 = arith.constant 10 : i32
      %dma_start3A_480 = arith.constant 1 : i32
      %dma_start3A_481 = arith.constant 10 : i32
      %dma_start3A_482 = arith.constant 0 : i32
      %dma_start3A_483 = arith.constant 0 : i32
      %dma_start3A_484 = tpu.memref_slice %arg6[%dma_start3A_480, %dma_start3A_481, %dma_start3A_482, %dma_start3A_483] : memref<2x16x128x16xf32, #tpu.memory_space<vmem>> -> memref<1x1x128x16xf32, #tpu.memory_space<vmem>>
      %dma_start3A_485 = tpu.memref_squeeze %dma_start3A_484 : memref<1x1x128x16xf32, #tpu.memory_space<vmem>> -> memref<128x16xf32, #tpu.memory_space<vmem>>
      %dma_start3A_486 = arith.constant 0 : i32
      %dma_start3A_487 = tpu.memref_slice %arg5[%dma_start3A_478, %dma_start3A_479, %dma_start3A_486] : memref<2x16x128xi32, #tpu.memory_space<vmem>> -> memref<1x1x128xi32, #tpu.memory_space<vmem>>
      %dma_start3A_488 = tpu.memref_squeeze %dma_start3A_487 : memref<1x1x128xi32, #tpu.memory_space<vmem>> -> memref<128xi32, #tpu.memory_space<vmem>>
      %dma_start3A_489 = arith.constant 0 : i32
      %dma_start3A_490 = arith.constant 0 : i32
      %dma_start3A_491 = tpu.memref_slice %arg2[%dma_start3A_489, %dma_start3A_490] : memref<800000x16xf32, #tpu.memory_space<hbm>> -> memref<800000x16xf32, #tpu.memory_space<hbm>>
      tpu.enqueue_indirect_dma source(%dma_start3A_491 : memref<800000x16xf32, #tpu.memory_space<hbm>>) target(%dma_start3A_485 : memref<128x16xf32, #tpu.memory_space<vmem>>) offsets(%dma_start3A_488 : memref<128xi32, #tpu.memory_space<vmem>>) semaphore(%arg10 : memref<!tpu.dma_semaphore, #tpu.memory_space<semaphore_mem>>)
      %dma_start3A_492 = arith.constant 1 : i32
      %dma_start3A_493 = arith.constant 11 : i32
      %dma_start3A_494 = arith.constant 1 : i32
      %dma_start3A_495 = arith.constant 11 : i32
      %dma_start3A_496 = arith.constant 0 : i32
      %dma_start3A_497 = arith.constant 0 : i32
      %dma_start3A_498 = tpu.memref_slice %arg6[%dma_start3A_494, %dma_start3A_495, %dma_start3A_496, %dma_start3A_497] : memref<2x16x128x16xf32, #tpu.memory_space<vmem>> -> memref<1x1x128x16xf32, #tpu.memory_space<vmem>>
      %dma_start3A_499 = tpu.memref_squeeze %dma_start3A_498 : memref<1x1x128x16xf32, #tpu.memory_space<vmem>> -> memref<128x16xf32, #tpu.memory_space<vmem>>
      %dma_start3A_500 = arith.constant 0 : i32
      %dma_start3A_501 = tpu.memref_slice %arg5[%dma_start3A_492, %dma_start3A_493, %dma_start3A_500] : memref<2x16x128xi32, #tpu.memory_space<vmem>> -> memref<1x1x128xi32, #tpu.memory_space<vmem>>
      %dma_start3A_502 = tpu.memref_squeeze %dma_start3A_501 : memref<1x1x128xi32, #tpu.memory_space<vmem>> -> memref<128xi32, #tpu.memory_space<vmem>>
      %dma_start3A_503 = arith.constant 0 : i32
      %dma_start3A_504 = arith.constant 0 : i32
      %dma_start3A_505 = tpu.memref_slice %arg2[%dma_start3A_503, %dma_start3A_504] : memref<800000x16xf32, #tpu.memory_space<hbm>> -> memref<800000x16xf32, #tpu.memory_space<hbm>>
      tpu.enqueue_indirect_dma source(%dma_start3A_505 : memref<800000x16xf32, #tpu.memory_space<hbm>>) target(%dma_start3A_499 : memref<128x16xf32, #tpu.memory_space<vmem>>) offsets(%dma_start3A_502 : memref<128xi32, #tpu.memory_space<vmem>>) semaphore(%arg10 : memref<!tpu.dma_semaphore, #tpu.memory_space<semaphore_mem>>)
      %dma_start3A_506 = arith.constant 1 : i32
      %dma_start3A_507 = arith.constant 12 : i32
      %dma_start3A_508 = arith.constant 1 : i32
      %dma_start3A_509 = arith.constant 12 : i32
      %dma_start3A_510 = arith.constant 0 : i32
      %dma_start3A_511 = arith.constant 0 : i32
      %dma_start3A_512 = tpu.memref_slice %arg6[%dma_start3A_508, %dma_start3A_509, %dma_start3A_510, %dma_start3A_511] : memref<2x16x128x16xf32, #tpu.memory_space<vmem>> -> memref<1x1x128x16xf32, #tpu.memory_space<vmem>>
      %dma_start3A_513 = tpu.memref_squeeze %dma_start3A_512 : memref<1x1x128x16xf32, #tpu.memory_space<vmem>> -> memref<128x16xf32, #tpu.memory_space<vmem>>
      %dma_start3A_514 = arith.constant 0 : i32
      %dma_start3A_515 = tpu.memref_slice %arg5[%dma_start3A_506, %dma_start3A_507, %dma_start3A_514] : memref<2x16x128xi32, #tpu.memory_space<vmem>> -> memref<1x1x128xi32, #tpu.memory_space<vmem>>
      %dma_start3A_516 = tpu.memref_squeeze %dma_start3A_515 : memref<1x1x128xi32, #tpu.memory_space<vmem>> -> memref<128xi32, #tpu.memory_space<vmem>>
      %dma_start3A_517 = arith.constant 0 : i32
      %dma_start3A_518 = arith.constant 0 : i32
      %dma_start3A_519 = tpu.memref_slice %arg2[%dma_start3A_517, %dma_start3A_518] : memref<800000x16xf32, #tpu.memory_space<hbm>> -> memref<800000x16xf32, #tpu.memory_space<hbm>>
      tpu.enqueue_indirect_dma source(%dma_start3A_519 : memref<800000x16xf32, #tpu.memory_space<hbm>>) target(%dma_start3A_513 : memref<128x16xf32, #tpu.memory_space<vmem>>) offsets(%dma_start3A_516 : memref<128xi32, #tpu.memory_space<vmem>>) semaphore(%arg10 : memref<!tpu.dma_semaphore, #tpu.memory_space<semaphore_mem>>)
      %dma_start3A_520 = arith.constant 1 : i32
      %dma_start3A_521 = arith.constant 13 : i32
      %dma_start3A_522 = arith.constant 1 : i32
      %dma_start3A_523 = arith.constant 13 : i32
      %dma_start3A_524 = arith.constant 0 : i32
      %dma_start3A_525 = arith.constant 0 : i32
      %dma_start3A_526 = tpu.memref_slice %arg6[%dma_start3A_522, %dma_start3A_523, %dma_start3A_524, %dma_start3A_525] : memref<2x16x128x16xf32, #tpu.memory_space<vmem>> -> memref<1x1x128x16xf32, #tpu.memory_space<vmem>>
      %dma_start3A_527 = tpu.memref_squeeze %dma_start3A_526 : memref<1x1x128x16xf32, #tpu.memory_space<vmem>> -> memref<128x16xf32, #tpu.memory_space<vmem>>
      %dma_start3A_528 = arith.constant 0 : i32
      %dma_start3A_529 = tpu.memref_slice %arg5[%dma_start3A_520, %dma_start3A_521, %dma_start3A_528] : memref<2x16x128xi32, #tpu.memory_space<vmem>> -> memref<1x1x128xi32, #tpu.memory_space<vmem>>
      %dma_start3A_530 = tpu.memref_squeeze %dma_start3A_529 : memref<1x1x128xi32, #tpu.memory_space<vmem>> -> memref<128xi32, #tpu.memory_space<vmem>>
      %dma_start3A_531 = arith.constant 0 : i32
      %dma_start3A_532 = arith.constant 0 : i32
      %dma_start3A_533 = tpu.memref_slice %arg2[%dma_start3A_531, %dma_start3A_532] : memref<800000x16xf32, #tpu.memory_space<hbm>> -> memref<800000x16xf32, #tpu.memory_space<hbm>>
      tpu.enqueue_indirect_dma source(%dma_start3A_533 : memref<800000x16xf32, #tpu.memory_space<hbm>>) target(%dma_start3A_527 : memref<128x16xf32, #tpu.memory_space<vmem>>) offsets(%dma_start3A_530 : memref<128xi32, #tpu.memory_space<vmem>>) semaphore(%arg10 : memref<!tpu.dma_semaphore, #tpu.memory_space<semaphore_mem>>)
      %dma_start3A_534 = arith.constant 1 : i32
      %dma_start3A_535 = arith.constant 14 : i32
      %dma_start3A_536 = arith.constant 1 : i32
      %dma_start3A_537 = arith.constant 14 : i32
      %dma_start3A_538 = arith.constant 0 : i32
      %dma_start3A_539 = arith.constant 0 : i32
      %dma_start3A_540 = tpu.memref_slice %arg6[%dma_start3A_536, %dma_start3A_537, %dma_start3A_538, %dma_start3A_539] : memref<2x16x128x16xf32, #tpu.memory_space<vmem>> -> memref<1x1x128x16xf32, #tpu.memory_space<vmem>>
      %dma_start3A_541 = tpu.memref_squeeze %dma_start3A_540 : memref<1x1x128x16xf32, #tpu.memory_space<vmem>> -> memref<128x16xf32, #tpu.memory_space<vmem>>
      %dma_start3A_542 = arith.constant 0 : i32
      %dma_start3A_543 = tpu.memref_slice %arg5[%dma_start3A_534, %dma_start3A_535, %dma_start3A_542] : memref<2x16x128xi32, #tpu.memory_space<vmem>> -> memref<1x1x128xi32, #tpu.memory_space<vmem>>
      %dma_start3A_544 = tpu.memref_squeeze %dma_start3A_543 : memref<1x1x128xi32, #tpu.memory_space<vmem>> -> memref<128xi32, #tpu.memory_space<vmem>>
      %dma_start3A_545 = arith.constant 0 : i32
      %dma_start3A_546 = arith.constant 0 : i32
      %dma_start3A_547 = tpu.memref_slice %arg2[%dma_start3A_545, %dma_start3A_546] : memref<800000x16xf32, #tpu.memory_space<hbm>> -> memref<800000x16xf32, #tpu.memory_space<hbm>>
      tpu.enqueue_indirect_dma source(%dma_start3A_547 : memref<800000x16xf32, #tpu.memory_space<hbm>>) target(%dma_start3A_541 : memref<128x16xf32, #tpu.memory_space<vmem>>) offsets(%dma_start3A_544 : memref<128xi32, #tpu.memory_space<vmem>>) semaphore(%arg10 : memref<!tpu.dma_semaphore, #tpu.memory_space<semaphore_mem>>)
      %dma_start3A_548 = arith.constant 1 : i32
      %dma_start3A_549 = arith.constant 15 : i32
      %dma_start3A_550 = arith.constant 1 : i32
      %dma_start3A_551 = arith.constant 15 : i32
      %dma_start3A_552 = arith.constant 0 : i32
      %dma_start3A_553 = arith.constant 0 : i32
      %dma_start3A_554 = tpu.memref_slice %arg6[%dma_start3A_550, %dma_start3A_551, %dma_start3A_552, %dma_start3A_553] : memref<2x16x128x16xf32, #tpu.memory_space<vmem>> -> memref<1x1x128x16xf32, #tpu.memory_space<vmem>>
      %dma_start3A_555 = tpu.memref_squeeze %dma_start3A_554 : memref<1x1x128x16xf32, #tpu.memory_space<vmem>> -> memref<128x16xf32, #tpu.memory_space<vmem>>
      %dma_start3A_556 = arith.constant 0 : i32
      %dma_start3A_557 = tpu.memref_slice %arg5[%dma_start3A_548, %dma_start3A_549, %dma_start3A_556] : memref<2x16x128xi32, #tpu.memory_space<vmem>> -> memref<1x1x128xi32, #tpu.memory_space<vmem>>
      %dma_start3A_558 = tpu.memref_squeeze %dma_start3A_557 : memref<1x1x128xi32, #tpu.memory_space<vmem>> -> memref<128xi32, #tpu.memory_space<vmem>>
      %dma_start3A_559 = arith.constant 0 : i32
      %dma_start3A_560 = arith.constant 0 : i32
      %dma_start3A_561 = tpu.memref_slice %arg2[%dma_start3A_559, %dma_start3A_560] : memref<800000x16xf32, #tpu.memory_space<hbm>> -> memref<800000x16xf32, #tpu.memory_space<hbm>>
      tpu.enqueue_indirect_dma source(%dma_start3A_561 : memref<800000x16xf32, #tpu.memory_space<hbm>>) target(%dma_start3A_555 : memref<128x16xf32, #tpu.memory_space<vmem>>) offsets(%dma_start3A_558 : memref<128xi32, #tpu.memory_space<vmem>>) semaphore(%arg10 : memref<!tpu.dma_semaphore, #tpu.memory_space<semaphore_mem>>)
      %dma_wait3A_562 = arith.constant 0 : i32
      %dma_wait3A_563 = arith.constant 0 : i32
      %dma_wait3A_564 = arith.constant 0 : i32
      %dma_wait3A_565 = arith.constant 0 : i32
      %dma_wait3A_566 = arith.constant 0 : i32
      %dma_wait3A_567 = tpu.memref_slice %arg6[%dma_wait3A_563, %dma_wait3A_564, %dma_wait3A_565, %dma_wait3A_566] : memref<2x16x128x16xf32, #tpu.memory_space<vmem>> -> memref<1x16x128x16xf32, #tpu.memory_space<vmem>>
      %dma_wait3A_568 = tpu.memref_squeeze %dma_wait3A_567 : memref<1x16x128x16xf32, #tpu.memory_space<vmem>> -> memref<16x128x16xf32, #tpu.memory_space<vmem>>
      %dma_wait3A_569 = arith.constant 0 : i32
      %dma_wait3A_570 = arith.constant 0 : i32
      %dma_wait3A_571 = arith.constant 0 : i32
      %dma_wait3A_572 = tpu.memref_slice %arg4[%dma_wait3A_562, %dma_wait3A_569, %dma_wait3A_570, %dma_wait3A_571] : memref<1600x16x128x16xf32, #tpu.memory_space<hbm>> -> memref<1x16x128x16xf32, #tpu.memory_space<hbm>>
      %dma_wait3A_573 = tpu.memref_squeeze %dma_wait3A_572 : memref<1x16x128x16xf32, #tpu.memory_space<hbm>> -> memref<16x128x16xf32, #tpu.memory_space<hbm>>
      %dma_wait3A_574 = arith.constant 0 : i32
      %dma_wait3A_575 = arith.constant 0 : i32
      %dma_wait3A_576 = arith.constant 0 : i32
      %dma_wait3A_577 = tpu.memref_slice %arg6[%dma_wait3A_563, %dma_wait3A_574, %dma_wait3A_575, %dma_wait3A_576] : memref<2x16x128x16xf32, #tpu.memory_space<vmem>> -> memref<1x16x128x16xf32, #tpu.memory_space<vmem>>
      %dma_wait3A_578 = tpu.memref_squeeze %dma_wait3A_577 : memref<1x16x128x16xf32, #tpu.memory_space<vmem>> -> memref<16x128x16xf32, #tpu.memory_space<vmem>>
      %dma_wait3A_579 = arith.constant 0 : i32
      %dma_wait3A_580 = arith.constant 0 : i32
      %dma_wait3A_581 = arith.constant 0 : i32
      %dma_wait3A_582 = tpu.memref_slice %arg4[%dma_wait3A_562, %dma_wait3A_579, %dma_wait3A_580, %dma_wait3A_581] : memref<1600x16x128x16xf32, #tpu.memory_space<hbm>> -> memref<1x16x128x16xf32, #tpu.memory_space<hbm>>
      %dma_wait3A_583 = tpu.memref_squeeze %dma_wait3A_582 : memref<1x16x128x16xf32, #tpu.memory_space<hbm>> -> memref<16x128x16xf32, #tpu.memory_space<hbm>>
      tpu.wait_dma2 semaphore(%arg9 : memref<!tpu.dma_semaphore, #tpu.memory_space<semaphore_mem>>) src(%dma_wait3A_583 : memref<16x128x16xf32, #tpu.memory_space<hbm>>) dst(%dma_wait3A_578 : memref<16x128x16xf32, #tpu.memory_space<vmem>>)
      %lt3A = arith.constant 24 : i32
      %lt3A_584 = arith.cmpi slt, %scan3A_95, %lt3A : i32
      %convert_element_type3A_585 = arith.extui %lt3A_584 : i1 to i32
      %cond3A_586 = arith.constant 0 : i32
      %cond3A_587 = arith.cmpi ne, %convert_element_type3A_585, %cond3A_586 : i32
      scf.if %cond3A_587 {
        %add3A_612 = arith.constant 2 : i32
        %add3A_613 = arith.addi %mul3A_97, %add3A_612 : i32
        %dma_start3A_614 = arith.constant 0 : i32
        %dma_start3A_615 = arith.constant 0 : i32
        %dma_start3A_616 = arith.constant 0 : i32
        %dma_start3A_617 = tpu.memref_slice %arg5[%dma_start3A_614, %dma_start3A_615, %dma_start3A_616] : memref<2x16x128xi32, #tpu.memory_space<vmem>> -> memref<1x16x128xi32, #tpu.memory_space<vmem>>
        %dma_start3A_618 = tpu.memref_squeeze %dma_start3A_617 : memref<1x16x128xi32, #tpu.memory_space<vmem>> -> memref<16x128xi32, #tpu.memory_space<vmem>>
        %dma_start3A_619 = arith.constant 0 : i32
        %dma_start3A_620 = arith.constant 0 : i32
        %dma_start3A_621 = tpu.memref_slice %arg3[%add3A, %add3A_613, %dma_start3A_619, %dma_start3A_620] : memref<32x50x16x128xi32, #tpu.memory_space<hbm>> -> memref<1x1x16x128xi32, #tpu.memory_space<hbm>>
        %dma_start3A_622 = tpu.memref_squeeze %dma_start3A_621 : memref<1x1x16x128xi32, #tpu.memory_space<hbm>> -> memref<16x128xi32, #tpu.memory_space<hbm>>
        %dma_start3A_623 = arith.constant 0 : i32
        %dma_start3A_624 = arith.constant 0 : i32
        %dma_start3A_625 = tpu.memref_slice %arg5[%dma_start3A_614, %dma_start3A_623, %dma_start3A_624] : memref<2x16x128xi32, #tpu.memory_space<vmem>> -> memref<1x16x128xi32, #tpu.memory_space<vmem>>
        %dma_start3A_626 = tpu.memref_squeeze %dma_start3A_625 : memref<1x16x128xi32, #tpu.memory_space<vmem>> -> memref<16x128xi32, #tpu.memory_space<vmem>>
        %dma_start3A_627 = arith.constant 0 : i32
        %dma_start3A_628 = arith.constant 0 : i32
        %dma_start3A_629 = tpu.memref_slice %arg3[%add3A, %add3A_613, %dma_start3A_627, %dma_start3A_628] : memref<32x50x16x128xi32, #tpu.memory_space<hbm>> -> memref<1x1x16x128xi32, #tpu.memory_space<hbm>>
        %dma_start3A_630 = tpu.memref_squeeze %dma_start3A_629 : memref<1x1x16x128xi32, #tpu.memory_space<hbm>> -> memref<16x128xi32, #tpu.memory_space<hbm>>
        tpu.enqueue_dma source(%dma_start3A_630 : memref<16x128xi32, #tpu.memory_space<hbm>>) target(%dma_start3A_626 : memref<16x128xi32, #tpu.memory_space<vmem>>) target_semaphore(%arg7 : memref<!tpu.dma_semaphore, #tpu.memory_space<semaphore_mem>>)
      } else {
      }
      %mul3A_588 = arith.constant 50 : i32
      %mul3A_589 = arith.muli %add3A, %mul3A_588 : i32
      %add3A_590 = arith.addi %mul3A_589, %mul3A_97 : i32
      %dma_start3A_591 = arith.constant 0 : i32
      %dma_start3A_592 = arith.constant 0 : i32
      %dma_start3A_593 = arith.constant 0 : i32
      %dma_start3A_594 = arith.constant 0 : i32
      %dma_start3A_595 = tpu.memref_slice %arg6[%dma_start3A_591, %dma_start3A_592, %dma_start3A_593, %dma_start3A_594] : memref<2x16x128x16xf32, #tpu.memory_space<vmem>> -> memref<1x16x128x16xf32, #tpu.memory_space<vmem>>
      %dma_start3A_596 = tpu.memref_squeeze %dma_start3A_595 : memref<1x16x128x16xf32, #tpu.memory_space<vmem>> -> memref<16x128x16xf32, #tpu.memory_space<vmem>>
      %dma_start3A_597 = arith.constant 0 : i32
      %dma_start3A_598 = arith.constant 0 : i32
      %dma_start3A_599 = arith.constant 0 : i32
      %dma_start3A_600 = tpu.memref_slice %arg4[%add3A_590, %dma_start3A_597, %dma_start3A_598, %dma_start3A_599] : memref<1600x16x128x16xf32, #tpu.memory_space<hbm>> -> memref<1x16x128x16xf32, #tpu.memory_space<hbm>>
      %dma_start3A_601 = tpu.memref_squeeze %dma_start3A_600 : memref<1x16x128x16xf32, #tpu.memory_space<hbm>> -> memref<16x128x16xf32, #tpu.memory_space<hbm>>
      %dma_start3A_602 = arith.constant 0 : i32
      %dma_start3A_603 = arith.constant 0 : i32
      %dma_start3A_604 = arith.constant 0 : i32
      %dma_start3A_605 = tpu.memref_slice %arg4[%add3A_590, %dma_start3A_602, %dma_start3A_603, %dma_start3A_604] : memref<1600x16x128x16xf32, #tpu.memory_space<hbm>> -> memref<1x16x128x16xf32, #tpu.memory_space<hbm>>
      %dma_start3A_606 = tpu.memref_squeeze %dma_start3A_605 : memref<1x16x128x16xf32, #tpu.memory_space<hbm>> -> memref<16x128x16xf32, #tpu.memory_space<hbm>>
      %dma_start3A_607 = arith.constant 0 : i32
      %dma_start3A_608 = arith.constant 0 : i32
      %dma_start3A_609 = arith.constant 0 : i32
      %dma_start3A_610 = tpu.memref_slice %arg6[%dma_start3A_591, %dma_start3A_607, %dma_start3A_608, %dma_start3A_609] : memref<2x16x128x16xf32, #tpu.memory_space<vmem>> -> memref<1x16x128x16xf32, #tpu.memory_space<vmem>>
      %dma_start3A_611 = tpu.memref_squeeze %dma_start3A_610 : memref<1x16x128x16xf32, #tpu.memory_space<vmem>> -> memref<16x128x16xf32, #tpu.memory_space<vmem>>
      tpu.enqueue_dma source(%dma_start3A_611 : memref<16x128x16xf32, #tpu.memory_space<vmem>>) target(%dma_start3A_606 : memref<16x128x16xf32, #tpu.memory_space<hbm>>) target_semaphore(%arg11 : memref<!tpu.dma_semaphore, #tpu.memory_space<semaphore_mem>>)
    }
    %scan3A_4 = arith.constant 25 : i32
    %dma_wait3A = arith.constant 0 : i32
    %dma_wait3A_5 = arith.constant 0 : i32
    %dma_wait3A_6 = arith.constant 0 : i32
    %dma_wait3A_7 = arith.constant 0 : i32
    %dma_wait3A_8 = arith.constant 0 : i32
    %dma_wait3A_9 = tpu.memref_slice %arg6[%dma_wait3A_5, %dma_wait3A_6, %dma_wait3A_7, %dma_wait3A_8] : memref<2x16x128x16xf32, #tpu.memory_space<vmem>> -> memref<1x16x128x16xf32, #tpu.memory_space<vmem>>
    %dma_wait3A_10 = tpu.memref_squeeze %dma_wait3A_9 : memref<1x16x128x16xf32, #tpu.memory_space<vmem>> -> memref<16x128x16xf32, #tpu.memory_space<vmem>>
    %dma_wait3A_11 = arith.constant 0 : i32
    %dma_wait3A_12 = arith.constant 0 : i32
    %dma_wait3A_13 = arith.constant 0 : i32
    %dma_wait3A_14 = tpu.memref_slice %arg4[%dma_wait3A, %dma_wait3A_11, %dma_wait3A_12, %dma_wait3A_13] : memref<1600x16x128x16xf32, #tpu.memory_space<hbm>> -> memref<1x16x128x16xf32, #tpu.memory_space<hbm>>
    %dma_wait3A_15 = tpu.memref_squeeze %dma_wait3A_14 : memref<1x16x128x16xf32, #tpu.memory_space<hbm>> -> memref<16x128x16xf32, #tpu.memory_space<hbm>>
    %dma_wait3A_16 = arith.constant 0 : i32
    %dma_wait3A_17 = arith.constant 0 : i32
    %dma_wait3A_18 = arith.constant 0 : i32
    %dma_wait3A_19 = tpu.memref_slice %arg6[%dma_wait3A_5, %dma_wait3A_16, %dma_wait3A_17, %dma_wait3A_18] : memref<2x16x128x16xf32, #tpu.memory_space<vmem>> -> memref<1x16x128x16xf32, #tpu.memory_space<vmem>>
    %dma_wait3A_20 = tpu.memref_squeeze %dma_wait3A_19 : memref<1x16x128x16xf32, #tpu.memory_space<vmem>> -> memref<16x128x16xf32, #tpu.memory_space<vmem>>
    %dma_wait3A_21 = arith.constant 0 : i32
    %dma_wait3A_22 = arith.constant 0 : i32
    %dma_wait3A_23 = arith.constant 0 : i32
    %dma_wait3A_24 = tpu.memref_slice %arg4[%dma_wait3A, %dma_wait3A_21, %dma_wait3A_22, %dma_wait3A_23] : memref<1600x16x128x16xf32, #tpu.memory_space<hbm>> -> memref<1x16x128x16xf32, #tpu.memory_space<hbm>>
    %dma_wait3A_25 = tpu.memref_squeeze %dma_wait3A_24 : memref<1x16x128x16xf32, #tpu.memory_space<hbm>> -> memref<16x128x16xf32, #tpu.memory_space<hbm>>
    tpu.wait_dma2 semaphore(%arg10 : memref<!tpu.dma_semaphore, #tpu.memory_space<semaphore_mem>>) src(%dma_wait3A_25 : memref<16x128x16xf32, #tpu.memory_space<hbm>>) dst(%dma_wait3A_20 : memref<16x128x16xf32, #tpu.memory_space<vmem>>)
    %mul3A_26 = arith.constant 50 : i32
    %mul3A_27 = arith.muli %add3A, %mul3A_26 : i32
    %add3A_28 = arith.constant 50 : i32
    %add3A_29 = arith.addi %mul3A_27, %add3A_28 : i32
    %sub3A = arith.constant 1 : i32
    %sub3A_30 = arith.subi %add3A_29, %sub3A : i32
    %dma_start3A = arith.constant 1 : i32
    %dma_start3A_31 = arith.constant 0 : i32
    %dma_start3A_32 = arith.constant 0 : i32
    %dma_start3A_33 = arith.constant 0 : i32
    %dma_start3A_34 = tpu.memref_slice %arg6[%dma_start3A, %dma_start3A_31, %dma_start3A_32, %dma_start3A_33] : memref<2x16x128x16xf32, #tpu.memory_space<vmem>> -> memref<1x16x128x16xf32, #tpu.memory_space<vmem>>
    %dma_start3A_35 = tpu.memref_squeeze %dma_start3A_34 : memref<1x16x128x16xf32, #tpu.memory_space<vmem>> -> memref<16x128x16xf32, #tpu.memory_space<vmem>>
    %dma_start3A_36 = arith.constant 0 : i32
    %dma_start3A_37 = arith.constant 0 : i32
    %dma_start3A_38 = arith.constant 0 : i32
    %dma_start3A_39 = tpu.memref_slice %arg4[%sub3A_30, %dma_start3A_36, %dma_start3A_37, %dma_start3A_38] : memref<1600x16x128x16xf32, #tpu.memory_space<hbm>> -> memref<1x16x128x16xf32, #tpu.memory_space<hbm>>
    %dma_start3A_40 = tpu.memref_squeeze %dma_start3A_39 : memref<1x16x128x16xf32, #tpu.memory_space<hbm>> -> memref<16x128x16xf32, #tpu.memory_space<hbm>>
    %dma_start3A_41 = arith.constant 0 : i32
    %dma_start3A_42 = arith.constant 0 : i32
    %dma_start3A_43 = arith.constant 0 : i32
    %dma_start3A_44 = tpu.memref_slice %arg4[%sub3A_30, %dma_start3A_41, %dma_start3A_42, %dma_start3A_43] : memref<1600x16x128x16xf32, #tpu.memory_space<hbm>> -> memref<1x16x128x16xf32, #tpu.memory_space<hbm>>
    %dma_start3A_45 = tpu.memref_squeeze %dma_start3A_44 : memref<1x16x128x16xf32, #tpu.memory_space<hbm>> -> memref<16x128x16xf32, #tpu.memory_space<hbm>>
    %dma_start3A_46 = arith.constant 0 : i32
    %dma_start3A_47 = arith.constant 0 : i32
    %dma_start3A_48 = arith.constant 0 : i32
    %dma_start3A_49 = tpu.memref_slice %arg6[%dma_start3A, %dma_start3A_46, %dma_start3A_47, %dma_start3A_48] : memref<2x16x128x16xf32, #tpu.memory_space<vmem>> -> memref<1x16x128x16xf32, #tpu.memory_space<vmem>>
    %dma_start3A_50 = tpu.memref_squeeze %dma_start3A_49 : memref<1x16x128x16xf32, #tpu.memory_space<vmem>> -> memref<16x128x16xf32, #tpu.memory_space<vmem>>
    tpu.enqueue_dma source(%dma_start3A_50 : memref<16x128x16xf32, #tpu.memory_space<vmem>>) target(%dma_start3A_45 : memref<16x128x16xf32, #tpu.memory_space<hbm>>) target_semaphore(%arg12 : memref<!tpu.dma_semaphore, #tpu.memory_space<semaphore_mem>>)
    %dma_wait3A_51 = arith.constant 0 : i32
    %dma_wait3A_52 = arith.constant 0 : i32
    %dma_wait3A_53 = arith.constant 0 : i32
    %dma_wait3A_54 = arith.constant 0 : i32
    %dma_wait3A_55 = arith.constant 0 : i32
    %dma_wait3A_56 = tpu.memref_slice %arg6[%dma_wait3A_52, %dma_wait3A_53, %dma_wait3A_54, %dma_wait3A_55] : memref<2x16x128x16xf32, #tpu.memory_space<vmem>> -> memref<1x16x128x16xf32, #tpu.memory_space<vmem>>
    %dma_wait3A_57 = tpu.memref_squeeze %dma_wait3A_56 : memref<1x16x128x16xf32, #tpu.memory_space<vmem>> -> memref<16x128x16xf32, #tpu.memory_space<vmem>>
    %dma_wait3A_58 = arith.constant 0 : i32
    %dma_wait3A_59 = arith.constant 0 : i32
    %dma_wait3A_60 = arith.constant 0 : i32
    %dma_wait3A_61 = tpu.memref_slice %arg4[%dma_wait3A_51, %dma_wait3A_58, %dma_wait3A_59, %dma_wait3A_60] : memref<1600x16x128x16xf32, #tpu.memory_space<hbm>> -> memref<1x16x128x16xf32, #tpu.memory_space<hbm>>
    %dma_wait3A_62 = tpu.memref_squeeze %dma_wait3A_61 : memref<1x16x128x16xf32, #tpu.memory_space<hbm>> -> memref<16x128x16xf32, #tpu.memory_space<hbm>>
    %dma_wait3A_63 = arith.constant 0 : i32
    %dma_wait3A_64 = arith.constant 0 : i32
    %dma_wait3A_65 = arith.constant 0 : i32
    %dma_wait3A_66 = tpu.memref_slice %arg6[%dma_wait3A_52, %dma_wait3A_63, %dma_wait3A_64, %dma_wait3A_65] : memref<2x16x128x16xf32, #tpu.memory_space<vmem>> -> memref<1x16x128x16xf32, #tpu.memory_space<vmem>>
    %dma_wait3A_67 = tpu.memref_squeeze %dma_wait3A_66 : memref<1x16x128x16xf32, #tpu.memory_space<vmem>> -> memref<16x128x16xf32, #tpu.memory_space<vmem>>
    %dma_wait3A_68 = arith.constant 0 : i32
    %dma_wait3A_69 = arith.constant 0 : i32
    %dma_wait3A_70 = arith.constant 0 : i32
    %dma_wait3A_71 = tpu.memref_slice %arg4[%dma_wait3A_51, %dma_wait3A_68, %dma_wait3A_69, %dma_wait3A_70] : memref<1600x16x128x16xf32, #tpu.memory_space<hbm>> -> memref<1x16x128x16xf32, #tpu.memory_space<hbm>>
    %dma_wait3A_72 = tpu.memref_squeeze %dma_wait3A_71 : memref<1x16x128x16xf32, #tpu.memory_space<hbm>> -> memref<16x128x16xf32, #tpu.memory_space<hbm>>
    tpu.wait_dma2 semaphore(%arg12 : memref<!tpu.dma_semaphore, #tpu.memory_space<semaphore_mem>>) src(%dma_wait3A_72 : memref<16x128x16xf32, #tpu.memory_space<hbm>>) dst(%dma_wait3A_67 : memref<16x128x16xf32, #tpu.memory_space<vmem>>)
    %dma_wait3A_73 = arith.constant 0 : i32
    %dma_wait3A_74 = arith.constant 0 : i32
    %dma_wait3A_75 = arith.constant 0 : i32
    %dma_wait3A_76 = arith.constant 0 : i32
    %dma_wait3A_77 = arith.constant 0 : i32
    %dma_wait3A_78 = tpu.memref_slice %arg6[%dma_wait3A_74, %dma_wait3A_75, %dma_wait3A_76, %dma_wait3A_77] : memref<2x16x128x16xf32, #tpu.memory_space<vmem>> -> memref<1x16x128x16xf32, #tpu.memory_space<vmem>>
    %dma_wait3A_79 = tpu.memref_squeeze %dma_wait3A_78 : memref<1x16x128x16xf32, #tpu.memory_space<vmem>> -> memref<16x128x16xf32, #tpu.memory_space<vmem>>
    %dma_wait3A_80 = arith.constant 0 : i32
    %dma_wait3A_81 = arith.constant 0 : i32
    %dma_wait3A_82 = arith.constant 0 : i32
    %dma_wait3A_83 = tpu.memref_slice %arg4[%dma_wait3A_73, %dma_wait3A_80, %dma_wait3A_81, %dma_wait3A_82] : memref<1600x16x128x16xf32, #tpu.memory_space<hbm>> -> memref<1x16x128x16xf32, #tpu.memory_space<hbm>>
    %dma_wait3A_84 = tpu.memref_squeeze %dma_wait3A_83 : memref<1x16x128x16xf32, #tpu.memory_space<hbm>> -> memref<16x128x16xf32, #tpu.memory_space<hbm>>
    %dma_wait3A_85 = arith.constant 0 : i32
    %dma_wait3A_86 = arith.constant 0 : i32
    %dma_wait3A_87 = arith.constant 0 : i32
    %dma_wait3A_88 = tpu.memref_slice %arg6[%dma_wait3A_74, %dma_wait3A_85, %dma_wait3A_86, %dma_wait3A_87] : memref<2x16x128x16xf32, #tpu.memory_space<vmem>> -> memref<1x16x128x16xf32, #tpu.memory_space<vmem>>
    %dma_wait3A_89 = tpu.memref_squeeze %dma_wait3A_88 : memref<1x16x128x16xf32, #tpu.memory_space<vmem>> -> memref<16x128x16xf32, #tpu.memory_space<vmem>>
    %dma_wait3A_90 = arith.constant 0 : i32
    %dma_wait3A_91 = arith.constant 0 : i32
    %dma_wait3A_92 = arith.constant 0 : i32
    %dma_wait3A_93 = tpu.memref_slice %arg4[%dma_wait3A_73, %dma_wait3A_90, %dma_wait3A_91, %dma_wait3A_92] : memref<1600x16x128x16xf32, #tpu.memory_space<hbm>> -> memref<1x16x128x16xf32, #tpu.memory_space<hbm>>
    %dma_wait3A_94 = tpu.memref_squeeze %dma_wait3A_93 : memref<1x16x128x16xf32, #tpu.memory_space<hbm>> -> memref<16x128x16xf32, #tpu.memory_space<hbm>>
    tpu.wait_dma2 semaphore(%arg11 : memref<!tpu.dma_semaphore, #tpu.memory_space<semaphore_mem>>) src(%dma_wait3A_94 : memref<16x128x16xf32, #tpu.memory_space<hbm>>) dst(%dma_wait3A_89 : memref<16x128x16xf32, #tpu.memory_space<vmem>>)
    return
  }
}

#map = affine_map<(d0, d1) -> (0, 0)>
#map1 = affine_map<(d0, d1) -> (0, 0, 0, 0)>
module attributes {stable_mosaic.version = 14 : i64} {
  func.func @k(%arg0: i32, %arg1: i32, %arg2: memref<800000x16xf32, #tpu.memory_space<hbm>>, %arg3: memref<32x50x16x128xi32, #tpu.memory_space<hbm>>, %arg4: memref<1600x16x128x16xf32, #tpu.memory_space<hbm>>, %arg5: memref<2x16x128xi32, #tpu.memory_space<vmem>>, %arg6: memref<2x16x128x16xf32, #tpu.memory_space<vmem>>, %arg7: memref<!tpu.dma_semaphore, #tpu.memory_space<semaphore_mem>>, %arg8: memref<!tpu.dma_semaphore, #tpu.memory_space<semaphore_mem>>, %arg9: memref<!tpu.dma_semaphore, #tpu.memory_space<semaphore_mem>>, %arg10: memref<!tpu.dma_semaphore, #tpu.memory_space<semaphore_mem>>, %arg11: memref<!tpu.dma_semaphore, #tpu.memory_space<semaphore_mem>>, %arg12: memref<!tpu.dma_semaphore, #tpu.memory_space<semaphore_mem>>) attributes {dimension_semantics = [#tpu.dimension_semantics<core_parallel>, #tpu.dimension_semantics<subcore_parallel>], iteration_bounds = array<i64: 2, 16>, scalar_prefetch = 0 : i64, scratch_operands = 8 : i64, tpu.core_type = #tpu.core_type<sc_vector_subcore>, window_params = [{transform_indices = #map}, {transform_indices = #map1}, {transform_indices = #map1}]} {
    %mul3A = arith.constant 2 : i32
    %mul3A_0 = arith.muli %arg1, %mul3A : i32
    %add3A = arith.addi %mul3A_0, %arg0 : i32
    %scan3A = arith.constant 0 : i32
    %scan3A_1 = arith.constant 25 : i32
    %scan3A_2 = arith.addi %scan3A, %scan3A_1 : i32
    %scan3A_3 = arith.constant 1 : i32
    scf.for %scan3A_95 = %scan3A to %scan3A_2 step %scan3A_3  : i32 {
      %mul3A_96 = arith.constant 2 : i32
      %mul3A_97 = arith.muli %mul3A_96, %scan3A_95 : i32
      %gt3A = arith.constant 0 : i32
      %gt3A_98 = arith.cmpi sgt, %scan3A_95, %gt3A : i32
      %convert_element_type3A = arith.extui %gt3A_98 : i1 to i32
      %cond3A = arith.constant 0 : i32
      %cond3A_99 = arith.cmpi ne, %convert_element_type3A, %cond3A : i32
      scf.if %cond3A_99 {
        %dma_wait3A_612 = arith.constant 0 : i32
        %dma_wait3A_613 = arith.constant 0 : i32
        %dma_wait3A_614 = arith.constant 0 : i32
        %dma_wait3A_615 = arith.constant 0 : i32
        %dma_wait3A_616 = arith.constant 0 : i32
        %dma_wait3A_617 = tpu.memref_slice %arg6[%dma_wait3A_613, %dma_wait3A_614, %dma_wait3A_615, %dma_wait3A_616] : memref<2x16x128x16xf32, #tpu.memory_space<vmem>> -> memref<1x16x128x16xf32, #tpu.memory_space<vmem>>
        %dma_wait3A_618 = tpu.memref_squeeze %dma_wait3A_617 : memref<1x16x128x16xf32, #tpu.memory_space<vmem>> -> memref<16x128x16xf32, #tpu.memory_space<vmem>>
        %dma_wait3A_619 = arith.constant 0 : i32
        %dma_wait3A_620 = arith.constant 0 : i32
        %dma_wait3A_621 = arith.constant 0 : i32
        %dma_wait3A_622 = tpu.memref_slice %arg4[%dma_wait3A_612, %dma_wait3A_619, %dma_wait3A_620, %dma_wait3A_621] : memref<1600x16x128x16xf32, #tpu.memory_space<hbm>> -> memref<1x16x128x16xf32, #tpu.memory_space<hbm>>
        %dma_wait3A_623 = tpu.memref_squeeze %dma_wait3A_622 : memref<1x16x128x16xf32, #tpu.memory_space<hbm>> -> memref<16x128x16xf32, #tpu.memory_space<hbm>>
        %dma_wait3A_624 = arith.constant 0 : i32
        %dma_wait3A_625 = arith.constant 0 : i32
        %dma_wait3A_626 = arith.constant 0 : i32
        %dma_wait3A_627 = tpu.memref_slice %arg6[%dma_wait3A_613, %dma_wait3A_624, %dma_wait3A_625, %dma_wait3A_626] : memref<2x16x128x16xf32, #tpu.memory_space<vmem>> -> memref<1x16x128x16xf32, #tpu.memory_space<vmem>>
        %dma_wait3A_628 = tpu.memref_squeeze %dma_wait3A_627 : memref<1x16x128x16xf32, #tpu.memory_space<vmem>> -> memref<16x128x16xf32, #tpu.memory_space<vmem>>
        %dma_wait3A_629 = arith.constant 0 : i32
        %dma_wait3A_630 = arith.constant 0 : i32
        %dma_wait3A_631 = arith.constant 0 : i32
        %dma_wait3A_632 = tpu.memref_slice %arg4[%dma_wait3A_612, %dma_wait3A_629, %dma_wait3A_630, %dma_wait3A_631] : memref<1600x16x128x16xf32, #tpu.memory_space<hbm>> -> memref<1x16x128x16xf32, #tpu.memory_space<hbm>>
        %dma_wait3A_633 = tpu.memref_squeeze %dma_wait3A_632 : memref<1x16x128x16xf32, #tpu.memory_space<hbm>> -> memref<16x128x16xf32, #tpu.memory_space<hbm>>
        tpu.wait_dma2 semaphore(%arg11 : memref<!tpu.dma_semaphore, #tpu.memory_space<semaphore_mem>>) src(%dma_wait3A_633 : memref<16x128x16xf32, #tpu.memory_space<hbm>>) dst(%dma_wait3A_628 : memref<16x128x16xf32, #tpu.memory_space<vmem>>)
        %dma_wait3A_634 = arith.constant 0 : i32
        %dma_wait3A_635 = arith.constant 0 : i32
        %dma_wait3A_636 = arith.constant 0 : i32
        %dma_wait3A_637 = arith.constant 0 : i32
        %dma_wait3A_638 = tpu.memref_slice %arg5[%dma_wait3A_635, %dma_wait3A_636, %dma_wait3A_637] : memref<2x16x128xi32, #tpu.memory_space<vmem>> -> memref<1x16x128xi32, #tpu.memory_space<vmem>>
        %dma_wait3A_639 = tpu.memref_squeeze %dma_wait3A_638 : memref<1x16x128xi32, #tpu.memory_space<vmem>> -> memref<16x128xi32, #tpu.memory_space<vmem>>
        %dma_wait3A_640 = arith.constant 0 : i32
        %dma_wait3A_641 = arith.constant 0 : i32
        %dma_wait3A_642 = tpu.memref_slice %arg3[%add3A, %dma_wait3A_634, %dma_wait3A_640, %dma_wait3A_641] : memref<32x50x16x128xi32, #tpu.memory_space<hbm>> -> memref<1x1x16x128xi32, #tpu.memory_space<hbm>>
        %dma_wait3A_643 = tpu.memref_squeeze %dma_wait3A_642 : memref<1x1x16x128xi32, #tpu.memory_space<hbm>> -> memref<16x128xi32, #tpu.memory_space<hbm>>
        %dma_wait3A_644 = arith.constant 0 : i32
        %dma_wait3A_645 = arith.constant 0 : i32
        %dma_wait3A_646 = tpu.memref_slice %arg5[%dma_wait3A_635, %dma_wait3A_644, %dma_wait3A_645] : memref<2x16x128xi32, #tpu.memory_space<vmem>> -> memref<1x16x128xi32, #tpu.memory_space<vmem>>
        %dma_wait3A_647 = tpu.memref_squeeze %dma_wait3A_646 : memref<1x16x128xi32, #tpu.memory_space<vmem>> -> memref<16x128xi32, #tpu.memory_space<vmem>>
        %dma_wait3A_648 = arith.constant 0 : i32
        %dma_wait3A_649 = arith.constant 0 : i32
        %dma_wait3A_650 = tpu.memref_slice %arg3[%add3A, %dma_wait3A_634, %dma_wait3A_648, %dma_wait3A_649] : memref<32x50x16x128xi32, #tpu.memory_space<hbm>> -> memref<1x1x16x128xi32, #tpu.memory_space<hbm>>
        %dma_wait3A_651 = tpu.memref_squeeze %dma_wait3A_650 : memref<1x1x16x128xi32, #tpu.memory_space<hbm>> -> memref<16x128xi32, #tpu.memory_space<hbm>>
        tpu.wait_dma2 semaphore(%arg7 : memref<!tpu.dma_semaphore, #tpu.memory_space<semaphore_mem>>) src(%dma_wait3A_651 : memref<16x128xi32, #tpu.memory_space<hbm>>) dst(%dma_wait3A_647 : memref<16x128xi32, #tpu.memory_space<vmem>>)
      } else {
      }
      %eq3A = arith.constant 0 : i32
      %eq3A_100 = arith.cmpi eq, %scan3A_95, %eq3A : i32
      %convert_element_type3A_101 = arith.extui %eq3A_100 : i1 to i32
      %cond3A_102 = arith.constant 0 : i32
      %cond3A_103 = arith.cmpi ne, %convert_element_type3A_101, %cond3A_102 : i32
      scf.if %cond3A_103 {
        %run_scoped3A = arith.constant 0 : i32
        "tpu.region"() ({
          %run_scoped3A_612 = tpu.sem_alloc : memref<!tpu.dma_semaphore, #tpu.memory_space<semaphore_mem>>
          %dma_start3A_613 = arith.constant 0 : i32
          %dma_start3A_614 = arith.constant 0 : i32
          %dma_start3A_615 = tpu.memref_slice %arg5[%run_scoped3A, %dma_start3A_613, %dma_start3A_614] : memref<2x16x128xi32, #tpu.memory_space<vmem>> -> memref<1x16x128xi32, #tpu.memory_space<vmem>>
          %dma_start3A_616 = tpu.memref_squeeze %dma_start3A_615 : memref<1x16x128xi32, #tpu.memory_space<vmem>> -> memref<16x128xi32, #tpu.memory_space<vmem>>
          %dma_start3A_617 = arith.constant 0 : i32
          %dma_start3A_618 = arith.constant 0 : i32
          %dma_start3A_619 = tpu.memref_slice %arg3[%add3A, %mul3A_97, %dma_start3A_617, %dma_start3A_618] : memref<32x50x16x128xi32, #tpu.memory_space<hbm>> -> memref<1x1x16x128xi32, #tpu.memory_space<hbm>>
          %dma_start3A_620 = tpu.memref_squeeze %dma_start3A_619 : memref<1x1x16x128xi32, #tpu.memory_space<hbm>> -> memref<16x128xi32, #tpu.memory_space<hbm>>
          %dma_start3A_621 = arith.constant 0 : i32
          %dma_start3A_622 = arith.constant 0 : i32
          %dma_start3A_623 = tpu.memref_slice %arg5[%run_scoped3A, %dma_start3A_621, %dma_start3A_622] : memref<2x16x128xi32, #tpu.memory_space<vmem>> -> memref<1x16x128xi32, #tpu.memory_space<vmem>>
          %dma_start3A_624 = tpu.memref_squeeze %dma_start3A_623 : memref<1x16x128xi32, #tpu.memory_space<vmem>> -> memref<16x128xi32, #tpu.memory_space<vmem>>
          %dma_start3A_625 = arith.constant 0 : i32
          %dma_start3A_626 = arith.constant 0 : i32
          %dma_start3A_627 = tpu.memref_slice %arg3[%add3A, %mul3A_97, %dma_start3A_625, %dma_start3A_626] : memref<32x50x16x128xi32, #tpu.memory_space<hbm>> -> memref<1x1x16x128xi32, #tpu.memory_space<hbm>>
          %dma_start3A_628 = tpu.memref_squeeze %dma_start3A_627 : memref<1x1x16x128xi32, #tpu.memory_space<hbm>> -> memref<16x128xi32, #tpu.memory_space<hbm>>
          tpu.enqueue_dma source(%dma_start3A_628 : memref<16x128xi32, #tpu.memory_space<hbm>>) target(%dma_start3A_624 : memref<16x128xi32, #tpu.memory_space<vmem>>) target_semaphore(%run_scoped3A_612 : memref<!tpu.dma_semaphore, #tpu.memory_space<semaphore_mem>>)
          %dma_wait3A_629 = arith.constant 0 : i32
          %dma_wait3A_630 = arith.constant 0 : i32
          %dma_wait3A_631 = tpu.memref_slice %arg5[%run_scoped3A, %dma_wait3A_629, %dma_wait3A_630] : memref<2x16x128xi32, #tpu.memory_space<vmem>> -> memref<1x16x128xi32, #tpu.memory_space<vmem>>
          %dma_wait3A_632 = tpu.memref_squeeze %dma_wait3A_631 : memref<1x16x128xi32, #tpu.memory_space<vmem>> -> memref<16x128xi32, #tpu.memory_space<vmem>>
          %dma_wait3A_633 = arith.constant 0 : i32
          %dma_wait3A_634 = arith.constant 0 : i32
          %dma_wait3A_635 = tpu.memref_slice %arg3[%add3A, %mul3A_97, %dma_wait3A_633, %dma_wait3A_634] : memref<32x50x16x128xi32, #tpu.memory_space<hbm>> -> memref<1x1x16x128xi32, #tpu.memory_space<hbm>>
          %dma_wait3A_636 = tpu.memref_squeeze %dma_wait3A_635 : memref<1x1x16x128xi32, #tpu.memory_space<hbm>> -> memref<16x128xi32, #tpu.memory_space<hbm>>
          %dma_wait3A_637 = arith.constant 0 : i32
          %dma_wait3A_638 = arith.constant 0 : i32
          %dma_wait3A_639 = tpu.memref_slice %arg5[%run_scoped3A, %dma_wait3A_637, %dma_wait3A_638] : memref<2x16x128xi32, #tpu.memory_space<vmem>> -> memref<1x16x128xi32, #tpu.memory_space<vmem>>
          %dma_wait3A_640 = tpu.memref_squeeze %dma_wait3A_639 : memref<1x16x128xi32, #tpu.memory_space<vmem>> -> memref<16x128xi32, #tpu.memory_space<vmem>>
          %dma_wait3A_641 = arith.constant 0 : i32
          %dma_wait3A_642 = arith.constant 0 : i32
          %dma_wait3A_643 = tpu.memref_slice %arg3[%add3A, %mul3A_97, %dma_wait3A_641, %dma_wait3A_642] : memref<32x50x16x128xi32, #tpu.memory_space<hbm>> -> memref<1x1x16x128xi32, #tpu.memory_space<hbm>>
          %dma_wait3A_644 = tpu.memref_squeeze %dma_wait3A_643 : memref<1x1x16x128xi32, #tpu.memory_space<hbm>> -> memref<16x128xi32, #tpu.memory_space<hbm>>
          tpu.wait_dma2 semaphore(%run_scoped3A_612 : memref<!tpu.dma_semaphore, #tpu.memory_space<semaphore_mem>>) src(%dma_wait3A_644 : memref<16x128xi32, #tpu.memory_space<hbm>>) dst(%dma_wait3A_640 : memref<16x128xi32, #tpu.memory_space<vmem>>)
          tpu.yield
        }) : () -> ()
      } else {
      }
      %dma_start3A_104 = arith.constant 0 : i32
      %dma_start3A_105 = arith.constant 0 : i32
      %dma_start3A_106 = arith.constant 0 : i32
      %dma_start3A_107 = arith.constant 0 : i32
      %dma_start3A_108 = arith.constant 0 : i32
      %dma_start3A_109 = arith.constant 0 : i32
      %dma_start3A_110 = tpu.memref_slice %arg6[%dma_start3A_106, %dma_start3A_107, %dma_start3A_108, %dma_start3A_109] : memref<2x16x128x16xf32, #tpu.memory_space<vmem>> -> memref<1x1x128x16xf32, #tpu.memory_space<vmem>>
      %dma_start3A_111 = tpu.memref_squeeze %dma_start3A_110 : memref<1x1x128x16xf32, #tpu.memory_space<vmem>> -> memref<128x16xf32, #tpu.memory_space<vmem>>
      %dma_start3A_112 = arith.constant 0 : i32
      %dma_start3A_113 = tpu.memref_slice %arg5[%dma_start3A_104, %dma_start3A_105, %dma_start3A_112] : memref<2x16x128xi32, #tpu.memory_space<vmem>> -> memref<1x1x128xi32, #tpu.memory_space<vmem>>
      %dma_start3A_114 = tpu.memref_squeeze %dma_start3A_113 : memref<1x1x128xi32, #tpu.memory_space<vmem>> -> memref<128xi32, #tpu.memory_space<vmem>>
      %dma_start3A_115 = arith.constant 0 : i32
      %dma_start3A_116 = arith.constant 0 : i32
      %dma_start3A_117 = tpu.memref_slice %arg2[%dma_start3A_115, %dma_start3A_116] : memref<800000x16xf32, #tpu.memory_space<hbm>> -> memref<800000x16xf32, #tpu.memory_space<hbm>>
      tpu.enqueue_indirect_dma source(%dma_start3A_117 : memref<800000x16xf32, #tpu.memory_space<hbm>>) target(%dma_start3A_111 : memref<128x16xf32, #tpu.memory_space<vmem>>) offsets(%dma_start3A_114 : memref<128xi32, #tpu.memory_space<vmem>>) semaphore(%arg9 : memref<!tpu.dma_semaphore, #tpu.memory_space<semaphore_mem>>)
      %dma_start3A_118 = arith.constant 0 : i32
      %dma_start3A_119 = arith.constant 1 : i32
      %dma_start3A_120 = arith.constant 0 : i32
      %dma_start3A_121 = arith.constant 1 : i32
      %dma_start3A_122 = arith.constant 0 : i32
      %dma_start3A_123 = arith.constant 0 : i32
      %dma_start3A_124 = tpu.memref_slice %arg6[%dma_start3A_120, %dma_start3A_121, %dma_start3A_122, %dma_start3A_123] : memref<2x16x128x16xf32, #tpu.memory_space<vmem>> -> memref<1x1x128x16xf32, #tpu.memory_space<vmem>>
      %dma_start3A_125 = tpu.memref_squeeze %dma_start3A_124 : memref<1x1x128x16xf32, #tpu.memory_space<vmem>> -> memref<128x16xf32, #tpu.memory_space<vmem>>
      %dma_start3A_126 = arith.constant 0 : i32
      %dma_start3A_127 = tpu.memref_slice %arg5[%dma_start3A_118, %dma_start3A_119, %dma_start3A_126] : memref<2x16x128xi32, #tpu.memory_space<vmem>> -> memref<1x1x128xi32, #tpu.memory_space<vmem>>
      %dma_start3A_128 = tpu.memref_squeeze %dma_start3A_127 : memref<1x1x128xi32, #tpu.memory_space<vmem>> -> memref<128xi32, #tpu.memory_space<vmem>>
      %dma_start3A_129 = arith.constant 0 : i32
      %dma_start3A_130 = arith.constant 0 : i32
      %dma_start3A_131 = tpu.memref_slice %arg2[%dma_start3A_129, %dma_start3A_130] : memref<800000x16xf32, #tpu.memory_space<hbm>> -> memref<800000x16xf32, #tpu.memory_space<hbm>>
      tpu.enqueue_indirect_dma source(%dma_start3A_131 : memref<800000x16xf32, #tpu.memory_space<hbm>>) target(%dma_start3A_125 : memref<128x16xf32, #tpu.memory_space<vmem>>) offsets(%dma_start3A_128 : memref<128xi32, #tpu.memory_space<vmem>>) semaphore(%arg9 : memref<!tpu.dma_semaphore, #tpu.memory_space<semaphore_mem>>)
      %dma_start3A_132 = arith.constant 0 : i32
      %dma_start3A_133 = arith.constant 2 : i32
      %dma_start3A_134 = arith.constant 0 : i32
      %dma_start3A_135 = arith.constant 2 : i32
      %dma_start3A_136 = arith.constant 0 : i32
      %dma_start3A_137 = arith.constant 0 : i32
      %dma_start3A_138 = tpu.memref_slice %arg6[%dma_start3A_134, %dma_start3A_135, %dma_start3A_136, %dma_start3A_137] : memref<2x16x128x16xf32, #tpu.memory_space<vmem>> -> memref<1x1x128x16xf32, #tpu.memory_space<vmem>>
      %dma_start3A_139 = tpu.memref_squeeze %dma_start3A_138 : memref<1x1x128x16xf32, #tpu.memory_space<vmem>> -> memref<128x16xf32, #tpu.memory_space<vmem>>
      %dma_start3A_140 = arith.constant 0 : i32
      %dma_start3A_141 = tpu.memref_slice %arg5[%dma_start3A_132, %dma_start3A_133, %dma_start3A_140] : memref<2x16x128xi32, #tpu.memory_space<vmem>> -> memref<1x1x128xi32, #tpu.memory_space<vmem>>
      %dma_start3A_142 = tpu.memref_squeeze %dma_start3A_141 : memref<1x1x128xi32, #tpu.memory_space<vmem>> -> memref<128xi32, #tpu.memory_space<vmem>>
      %dma_start3A_143 = arith.constant 0 : i32
      %dma_start3A_144 = arith.constant 0 : i32
      %dma_start3A_145 = tpu.memref_slice %arg2[%dma_start3A_143, %dma_start3A_144] : memref<800000x16xf32, #tpu.memory_space<hbm>> -> memref<800000x16xf32, #tpu.memory_space<hbm>>
      tpu.enqueue_indirect_dma source(%dma_start3A_145 : memref<800000x16xf32, #tpu.memory_space<hbm>>) target(%dma_start3A_139 : memref<128x16xf32, #tpu.memory_space<vmem>>) offsets(%dma_start3A_142 : memref<128xi32, #tpu.memory_space<vmem>>) semaphore(%arg9 : memref<!tpu.dma_semaphore, #tpu.memory_space<semaphore_mem>>)
      %dma_start3A_146 = arith.constant 0 : i32
      %dma_start3A_147 = arith.constant 3 : i32
      %dma_start3A_148 = arith.constant 0 : i32
      %dma_start3A_149 = arith.constant 3 : i32
      %dma_start3A_150 = arith.constant 0 : i32
      %dma_start3A_151 = arith.constant 0 : i32
      %dma_start3A_152 = tpu.memref_slice %arg6[%dma_start3A_148, %dma_start3A_149, %dma_start3A_150, %dma_start3A_151] : memref<2x16x128x16xf32, #tpu.memory_space<vmem>> -> memref<1x1x128x16xf32, #tpu.memory_space<vmem>>
      %dma_start3A_153 = tpu.memref_squeeze %dma_start3A_152 : memref<1x1x128x16xf32, #tpu.memory_space<vmem>> -> memref<128x16xf32, #tpu.memory_space<vmem>>
      %dma_start3A_154 = arith.constant 0 : i32
      %dma_start3A_155 = tpu.memref_slice %arg5[%dma_start3A_146, %dma_start3A_147, %dma_start3A_154] : memref<2x16x128xi32, #tpu.memory_space<vmem>> -> memref<1x1x128xi32, #tpu.memory_space<vmem>>
      %dma_start3A_156 = tpu.memref_squeeze %dma_start3A_155 : memref<1x1x128xi32, #tpu.memory_space<vmem>> -> memref<128xi32, #tpu.memory_space<vmem>>
      %dma_start3A_157 = arith.constant 0 : i32
      %dma_start3A_158 = arith.constant 0 : i32
      %dma_start3A_159 = tpu.memref_slice %arg2[%dma_start3A_157, %dma_start3A_158] : memref<800000x16xf32, #tpu.memory_space<hbm>> -> memref<800000x16xf32, #tpu.memory_space<hbm>>
      tpu.enqueue_indirect_dma source(%dma_start3A_159 : memref<800000x16xf32, #tpu.memory_space<hbm>>) target(%dma_start3A_153 : memref<128x16xf32, #tpu.memory_space<vmem>>) offsets(%dma_start3A_156 : memref<128xi32, #tpu.memory_space<vmem>>) semaphore(%arg9 : memref<!tpu.dma_semaphore, #tpu.memory_space<semaphore_mem>>)
      %dma_start3A_160 = arith.constant 0 : i32
      %dma_start3A_161 = arith.constant 4 : i32
      %dma_start3A_162 = arith.constant 0 : i32
      %dma_start3A_163 = arith.constant 4 : i32
      %dma_start3A_164 = arith.constant 0 : i32
      %dma_start3A_165 = arith.constant 0 : i32
      %dma_start3A_166 = tpu.memref_slice %arg6[%dma_start3A_162, %dma_start3A_163, %dma_start3A_164, %dma_start3A_165] : memref<2x16x128x16xf32, #tpu.memory_space<vmem>> -> memref<1x1x128x16xf32, #tpu.memory_space<vmem>>
      %dma_start3A_167 = tpu.memref_squeeze %dma_start3A_166 : memref<1x1x128x16xf32, #tpu.memory_space<vmem>> -> memref<128x16xf32, #tpu.memory_space<vmem>>
      %dma_start3A_168 = arith.constant 0 : i32
      %dma_start3A_169 = tpu.memref_slice %arg5[%dma_start3A_160, %dma_start3A_161, %dma_start3A_168] : memref<2x16x128xi32, #tpu.memory_space<vmem>> -> memref<1x1x128xi32, #tpu.memory_space<vmem>>
      %dma_start3A_170 = tpu.memref_squeeze %dma_start3A_169 : memref<1x1x128xi32, #tpu.memory_space<vmem>> -> memref<128xi32, #tpu.memory_space<vmem>>
      %dma_start3A_171 = arith.constant 0 : i32
      %dma_start3A_172 = arith.constant 0 : i32
      %dma_start3A_173 = tpu.memref_slice %arg2[%dma_start3A_171, %dma_start3A_172] : memref<800000x16xf32, #tpu.memory_space<hbm>> -> memref<800000x16xf32, #tpu.memory_space<hbm>>
      tpu.enqueue_indirect_dma source(%dma_start3A_173 : memref<800000x16xf32, #tpu.memory_space<hbm>>) target(%dma_start3A_167 : memref<128x16xf32, #tpu.memory_space<vmem>>) offsets(%dma_start3A_170 : memref<128xi32, #tpu.memory_space<vmem>>) semaphore(%arg9 : memref<!tpu.dma_semaphore, #tpu.memory_space<semaphore_mem>>)
      %dma_start3A_174 = arith.constant 0 : i32
      %dma_start3A_175 = arith.constant 5 : i32
      %dma_start3A_176 = arith.constant 0 : i32
      %dma_start3A_177 = arith.constant 5 : i32
      %dma_start3A_178 = arith.constant 0 : i32
      %dma_start3A_179 = arith.constant 0 : i32
      %dma_start3A_180 = tpu.memref_slice %arg6[%dma_start3A_176, %dma_start3A_177, %dma_start3A_178, %dma_start3A_179] : memref<2x16x128x16xf32, #tpu.memory_space<vmem>> -> memref<1x1x128x16xf32, #tpu.memory_space<vmem>>
      %dma_start3A_181 = tpu.memref_squeeze %dma_start3A_180 : memref<1x1x128x16xf32, #tpu.memory_space<vmem>> -> memref<128x16xf32, #tpu.memory_space<vmem>>
      %dma_start3A_182 = arith.constant 0 : i32
      %dma_start3A_183 = tpu.memref_slice %arg5[%dma_start3A_174, %dma_start3A_175, %dma_start3A_182] : memref<2x16x128xi32, #tpu.memory_space<vmem>> -> memref<1x1x128xi32, #tpu.memory_space<vmem>>
      %dma_start3A_184 = tpu.memref_squeeze %dma_start3A_183 : memref<1x1x128xi32, #tpu.memory_space<vmem>> -> memref<128xi32, #tpu.memory_space<vmem>>
      %dma_start3A_185 = arith.constant 0 : i32
      %dma_start3A_186 = arith.constant 0 : i32
      %dma_start3A_187 = tpu.memref_slice %arg2[%dma_start3A_185, %dma_start3A_186] : memref<800000x16xf32, #tpu.memory_space<hbm>> -> memref<800000x16xf32, #tpu.memory_space<hbm>>
      tpu.enqueue_indirect_dma source(%dma_start3A_187 : memref<800000x16xf32, #tpu.memory_space<hbm>>) target(%dma_start3A_181 : memref<128x16xf32, #tpu.memory_space<vmem>>) offsets(%dma_start3A_184 : memref<128xi32, #tpu.memory_space<vmem>>) semaphore(%arg9 : memref<!tpu.dma_semaphore, #tpu.memory_space<semaphore_mem>>)
      %dma_start3A_188 = arith.constant 0 : i32
      %dma_start3A_189 = arith.constant 6 : i32
      %dma_start3A_190 = arith.constant 0 : i32
      %dma_start3A_191 = arith.constant 6 : i32
      %dma_start3A_192 = arith.constant 0 : i32
      %dma_start3A_193 = arith.constant 0 : i32
      %dma_start3A_194 = tpu.memref_slice %arg6[%dma_start3A_190, %dma_start3A_191, %dma_start3A_192, %dma_start3A_193] : memref<2x16x128x16xf32, #tpu.memory_space<vmem>> -> memref<1x1x128x16xf32, #tpu.memory_space<vmem>>
      %dma_start3A_195 = tpu.memref_squeeze %dma_start3A_194 : memref<1x1x128x16xf32, #tpu.memory_space<vmem>> -> memref<128x16xf32, #tpu.memory_space<vmem>>
      %dma_start3A_196 = arith.constant 0 : i32
      %dma_start3A_197 = tpu.memref_slice %arg5[%dma_start3A_188, %dma_start3A_189, %dma_start3A_196] : memref<2x16x128xi32, #tpu.memory_space<vmem>> -> memref<1x1x128xi32, #tpu.memory_space<vmem>>
      %dma_start3A_198 = tpu.memref_squeeze %dma_start3A_197 : memref<1x1x128xi32, #tpu.memory_space<vmem>> -> memref<128xi32, #tpu.memory_space<vmem>>
      %dma_start3A_199 = arith.constant 0 : i32
      %dma_start3A_200 = arith.constant 0 : i32
      %dma_start3A_201 = tpu.memref_slice %arg2[%dma_start3A_199, %dma_start3A_200] : memref<800000x16xf32, #tpu.memory_space<hbm>> -> memref<800000x16xf32, #tpu.memory_space<hbm>>
      tpu.enqueue_indirect_dma source(%dma_start3A_201 : memref<800000x16xf32, #tpu.memory_space<hbm>>) target(%dma_start3A_195 : memref<128x16xf32, #tpu.memory_space<vmem>>) offsets(%dma_start3A_198 : memref<128xi32, #tpu.memory_space<vmem>>) semaphore(%arg9 : memref<!tpu.dma_semaphore, #tpu.memory_space<semaphore_mem>>)
      %dma_start3A_202 = arith.constant 0 : i32
      %dma_start3A_203 = arith.constant 7 : i32
      %dma_start3A_204 = arith.constant 0 : i32
      %dma_start3A_205 = arith.constant 7 : i32
      %dma_start3A_206 = arith.constant 0 : i32
      %dma_start3A_207 = arith.constant 0 : i32
      %dma_start3A_208 = tpu.memref_slice %arg6[%dma_start3A_204, %dma_start3A_205, %dma_start3A_206, %dma_start3A_207] : memref<2x16x128x16xf32, #tpu.memory_space<vmem>> -> memref<1x1x128x16xf32, #tpu.memory_space<vmem>>
      %dma_start3A_209 = tpu.memref_squeeze %dma_start3A_208 : memref<1x1x128x16xf32, #tpu.memory_space<vmem>> -> memref<128x16xf32, #tpu.memory_space<vmem>>
      %dma_start3A_210 = arith.constant 0 : i32
      %dma_start3A_211 = tpu.memref_slice %arg5[%dma_start3A_202, %dma_start3A_203, %dma_start3A_210] : memref<2x16x128xi32, #tpu.memory_space<vmem>> -> memref<1x1x128xi32, #tpu.memory_space<vmem>>
      %dma_start3A_212 = tpu.memref_squeeze %dma_start3A_211 : memref<1x1x128xi32, #tpu.memory_space<vmem>> -> memref<128xi32, #tpu.memory_space<vmem>>
      %dma_start3A_213 = arith.constant 0 : i32
      %dma_start3A_214 = arith.constant 0 : i32
      %dma_start3A_215 = tpu.memref_slice %arg2[%dma_start3A_213, %dma_start3A_214] : memref<800000x16xf32, #tpu.memory_space<hbm>> -> memref<800000x16xf32, #tpu.memory_space<hbm>>
      tpu.enqueue_indirect_dma source(%dma_start3A_215 : memref<800000x16xf32, #tpu.memory_space<hbm>>) target(%dma_start3A_209 : memref<128x16xf32, #tpu.memory_space<vmem>>) offsets(%dma_start3A_212 : memref<128xi32, #tpu.memory_space<vmem>>) semaphore(%arg9 : memref<!tpu.dma_semaphore, #tpu.memory_space<semaphore_mem>>)
      %dma_start3A_216 = arith.constant 0 : i32
      %dma_start3A_217 = arith.constant 8 : i32
      %dma_start3A_218 = arith.constant 0 : i32
      %dma_start3A_219 = arith.constant 8 : i32
      %dma_start3A_220 = arith.constant 0 : i32
      %dma_start3A_221 = arith.constant 0 : i32
      %dma_start3A_222 = tpu.memref_slice %arg6[%dma_start3A_218, %dma_start3A_219, %dma_start3A_220, %dma_start3A_221] : memref<2x16x128x16xf32, #tpu.memory_space<vmem>> -> memref<1x1x128x16xf32, #tpu.memory_space<vmem>>
      %dma_start3A_223 = tpu.memref_squeeze %dma_start3A_222 : memref<1x1x128x16xf32, #tpu.memory_space<vmem>> -> memref<128x16xf32, #tpu.memory_space<vmem>>
      %dma_start3A_224 = arith.constant 0 : i32
      %dma_start3A_225 = tpu.memref_slice %arg5[%dma_start3A_216, %dma_start3A_217, %dma_start3A_224] : memref<2x16x128xi32, #tpu.memory_space<vmem>> -> memref<1x1x128xi32, #tpu.memory_space<vmem>>
      %dma_start3A_226 = tpu.memref_squeeze %dma_start3A_225 : memref<1x1x128xi32, #tpu.memory_space<vmem>> -> memref<128xi32, #tpu.memory_space<vmem>>
      %dma_start3A_227 = arith.constant 0 : i32
      %dma_start3A_228 = arith.constant 0 : i32
      %dma_start3A_229 = tpu.memref_slice %arg2[%dma_start3A_227, %dma_start3A_228] : memref<800000x16xf32, #tpu.memory_space<hbm>> -> memref<800000x16xf32, #tpu.memory_space<hbm>>
      tpu.enqueue_indirect_dma source(%dma_start3A_229 : memref<800000x16xf32, #tpu.memory_space<hbm>>) target(%dma_start3A_223 : memref<128x16xf32, #tpu.memory_space<vmem>>) offsets(%dma_start3A_226 : memref<128xi32, #tpu.memory_space<vmem>>) semaphore(%arg9 : memref<!tpu.dma_semaphore, #tpu.memory_space<semaphore_mem>>)
      %dma_start3A_230 = arith.constant 0 : i32
      %dma_start3A_231 = arith.constant 9 : i32
      %dma_start3A_232 = arith.constant 0 : i32
      %dma_start3A_233 = arith.constant 9 : i32
      %dma_start3A_234 = arith.constant 0 : i32
      %dma_start3A_235 = arith.constant 0 : i32
      %dma_start3A_236 = tpu.memref_slice %arg6[%dma_start3A_232, %dma_start3A_233, %dma_start3A_234, %dma_start3A_235] : memref<2x16x128x16xf32, #tpu.memory_space<vmem>> -> memref<1x1x128x16xf32, #tpu.memory_space<vmem>>
      %dma_start3A_237 = tpu.memref_squeeze %dma_start3A_236 : memref<1x1x128x16xf32, #tpu.memory_space<vmem>> -> memref<128x16xf32, #tpu.memory_space<vmem>>
      %dma_start3A_238 = arith.constant 0 : i32
      %dma_start3A_239 = tpu.memref_slice %arg5[%dma_start3A_230, %dma_start3A_231, %dma_start3A_238] : memref<2x16x128xi32, #tpu.memory_space<vmem>> -> memref<1x1x128xi32, #tpu.memory_space<vmem>>
      %dma_start3A_240 = tpu.memref_squeeze %dma_start3A_239 : memref<1x1x128xi32, #tpu.memory_space<vmem>> -> memref<128xi32, #tpu.memory_space<vmem>>
      %dma_start3A_241 = arith.constant 0 : i32
      %dma_start3A_242 = arith.constant 0 : i32
      %dma_start3A_243 = tpu.memref_slice %arg2[%dma_start3A_241, %dma_start3A_242] : memref<800000x16xf32, #tpu.memory_space<hbm>> -> memref<800000x16xf32, #tpu.memory_space<hbm>>
      tpu.enqueue_indirect_dma source(%dma_start3A_243 : memref<800000x16xf32, #tpu.memory_space<hbm>>) target(%dma_start3A_237 : memref<128x16xf32, #tpu.memory_space<vmem>>) offsets(%dma_start3A_240 : memref<128xi32, #tpu.memory_space<vmem>>) semaphore(%arg9 : memref<!tpu.dma_semaphore, #tpu.memory_space<semaphore_mem>>)
      %dma_start3A_244 = arith.constant 0 : i32
      %dma_start3A_245 = arith.constant 10 : i32
      %dma_start3A_246 = arith.constant 0 : i32
      %dma_start3A_247 = arith.constant 10 : i32
      %dma_start3A_248 = arith.constant 0 : i32
      %dma_start3A_249 = arith.constant 0 : i32
      %dma_start3A_250 = tpu.memref_slice %arg6[%dma_start3A_246, %dma_start3A_247, %dma_start3A_248, %dma_start3A_249] : memref<2x16x128x16xf32, #tpu.memory_space<vmem>> -> memref<1x1x128x16xf32, #tpu.memory_space<vmem>>
      %dma_start3A_251 = tpu.memref_squeeze %dma_start3A_250 : memref<1x1x128x16xf32, #tpu.memory_space<vmem>> -> memref<128x16xf32, #tpu.memory_space<vmem>>
      %dma_start3A_252 = arith.constant 0 : i32
      %dma_start3A_253 = tpu.memref_slice %arg5[%dma_start3A_244, %dma_start3A_245, %dma_start3A_252] : memref<2x16x128xi32, #tpu.memory_space<vmem>> -> memref<1x1x128xi32, #tpu.memory_space<vmem>>
      %dma_start3A_254 = tpu.memref_squeeze %dma_start3A_253 : memref<1x1x128xi32, #tpu.memory_space<vmem>> -> memref<128xi32, #tpu.memory_space<vmem>>
      %dma_start3A_255 = arith.constant 0 : i32
      %dma_start3A_256 = arith.constant 0 : i32
      %dma_start3A_257 = tpu.memref_slice %arg2[%dma_start3A_255, %dma_start3A_256] : memref<800000x16xf32, #tpu.memory_space<hbm>> -> memref<800000x16xf32, #tpu.memory_space<hbm>>
      tpu.enqueue_indirect_dma source(%dma_start3A_257 : memref<800000x16xf32, #tpu.memory_space<hbm>>) target(%dma_start3A_251 : memref<128x16xf32, #tpu.memory_space<vmem>>) offsets(%dma_start3A_254 : memref<128xi32, #tpu.memory_space<vmem>>) semaphore(%arg9 : memref<!tpu.dma_semaphore, #tpu.memory_space<semaphore_mem>>)
      %dma_start3A_258 = arith.constant 0 : i32
      %dma_start3A_259 = arith.constant 11 : i32
      %dma_start3A_260 = arith.constant 0 : i32
      %dma_start3A_261 = arith.constant 11 : i32
      %dma_start3A_262 = arith.constant 0 : i32
      %dma_start3A_263 = arith.constant 0 : i32
      %dma_start3A_264 = tpu.memref_slice %arg6[%dma_start3A_260, %dma_start3A_261, %dma_start3A_262, %dma_start3A_263] : memref<2x16x128x16xf32, #tpu.memory_space<vmem>> -> memref<1x1x128x16xf32, #tpu.memory_space<vmem>>
      %dma_start3A_265 = tpu.memref_squeeze %dma_start3A_264 : memref<1x1x128x16xf32, #tpu.memory_space<vmem>> -> memref<128x16xf32, #tpu.memory_space<vmem>>
      %dma_start3A_266 = arith.constant 0 : i32
      %dma_start3A_267 = tpu.memref_slice %arg5[%dma_start3A_258, %dma_start3A_259, %dma_start3A_266] : memref<2x16x128xi32, #tpu.memory_space<vmem>> -> memref<1x1x128xi32, #tpu.memory_space<vmem>>
      %dma_start3A_268 = tpu.memref_squeeze %dma_start3A_267 : memref<1x1x128xi32, #tpu.memory_space<vmem>> -> memref<128xi32, #tpu.memory_space<vmem>>
      %dma_start3A_269 = arith.constant 0 : i32
      %dma_start3A_270 = arith.constant 0 : i32
      %dma_start3A_271 = tpu.memref_slice %arg2[%dma_start3A_269, %dma_start3A_270] : memref<800000x16xf32, #tpu.memory_space<hbm>> -> memref<800000x16xf32, #tpu.memory_space<hbm>>
      tpu.enqueue_indirect_dma source(%dma_start3A_271 : memref<800000x16xf32, #tpu.memory_space<hbm>>) target(%dma_start3A_265 : memref<128x16xf32, #tpu.memory_space<vmem>>) offsets(%dma_start3A_268 : memref<128xi32, #tpu.memory_space<vmem>>) semaphore(%arg9 : memref<!tpu.dma_semaphore, #tpu.memory_space<semaphore_mem>>)
      %dma_start3A_272 = arith.constant 0 : i32
      %dma_start3A_273 = arith.constant 12 : i32
      %dma_start3A_274 = arith.constant 0 : i32
      %dma_start3A_275 = arith.constant 12 : i32
      %dma_start3A_276 = arith.constant 0 : i32
      %dma_start3A_277 = arith.constant 0 : i32
      %dma_start3A_278 = tpu.memref_slice %arg6[%dma_start3A_274, %dma_start3A_275, %dma_start3A_276, %dma_start3A_277] : memref<2x16x128x16xf32, #tpu.memory_space<vmem>> -> memref<1x1x128x16xf32, #tpu.memory_space<vmem>>
      %dma_start3A_279 = tpu.memref_squeeze %dma_start3A_278 : memref<1x1x128x16xf32, #tpu.memory_space<vmem>> -> memref<128x16xf32, #tpu.memory_space<vmem>>
      %dma_start3A_280 = arith.constant 0 : i32
      %dma_start3A_281 = tpu.memref_slice %arg5[%dma_start3A_272, %dma_start3A_273, %dma_start3A_280] : memref<2x16x128xi32, #tpu.memory_space<vmem>> -> memref<1x1x128xi32, #tpu.memory_space<vmem>>
      %dma_start3A_282 = tpu.memref_squeeze %dma_start3A_281 : memref<1x1x128xi32, #tpu.memory_space<vmem>> -> memref<128xi32, #tpu.memory_space<vmem>>
      %dma_start3A_283 = arith.constant 0 : i32
      %dma_start3A_284 = arith.constant 0 : i32
      %dma_start3A_285 = tpu.memref_slice %arg2[%dma_start3A_283, %dma_start3A_284] : memref<800000x16xf32, #tpu.memory_space<hbm>> -> memref<800000x16xf32, #tpu.memory_space<hbm>>
      tpu.enqueue_indirect_dma source(%dma_start3A_285 : memref<800000x16xf32, #tpu.memory_space<hbm>>) target(%dma_start3A_279 : memref<128x16xf32, #tpu.memory_space<vmem>>) offsets(%dma_start3A_282 : memref<128xi32, #tpu.memory_space<vmem>>) semaphore(%arg9 : memref<!tpu.dma_semaphore, #tpu.memory_space<semaphore_mem>>)
      %dma_start3A_286 = arith.constant 0 : i32
      %dma_start3A_287 = arith.constant 13 : i32
      %dma_start3A_288 = arith.constant 0 : i32
      %dma_start3A_289 = arith.constant 13 : i32
      %dma_start3A_290 = arith.constant 0 : i32
      %dma_start3A_291 = arith.constant 0 : i32
      %dma_start3A_292 = tpu.memref_slice %arg6[%dma_start3A_288, %dma_start3A_289, %dma_start3A_290, %dma_start3A_291] : memref<2x16x128x16xf32, #tpu.memory_space<vmem>> -> memref<1x1x128x16xf32, #tpu.memory_space<vmem>>
      %dma_start3A_293 = tpu.memref_squeeze %dma_start3A_292 : memref<1x1x128x16xf32, #tpu.memory_space<vmem>> -> memref<128x16xf32, #tpu.memory_space<vmem>>
      %dma_start3A_294 = arith.constant 0 : i32
      %dma_start3A_295 = tpu.memref_slice %arg5[%dma_start3A_286, %dma_start3A_287, %dma_start3A_294] : memref<2x16x128xi32, #tpu.memory_space<vmem>> -> memref<1x1x128xi32, #tpu.memory_space<vmem>>
      %dma_start3A_296 = tpu.memref_squeeze %dma_start3A_295 : memref<1x1x128xi32, #tpu.memory_space<vmem>> -> memref<128xi32, #tpu.memory_space<vmem>>
      %dma_start3A_297 = arith.constant 0 : i32
      %dma_start3A_298 = arith.constant 0 : i32
      %dma_start3A_299 = tpu.memref_slice %arg2[%dma_start3A_297, %dma_start3A_298] : memref<800000x16xf32, #tpu.memory_space<hbm>> -> memref<800000x16xf32, #tpu.memory_space<hbm>>
      tpu.enqueue_indirect_dma source(%dma_start3A_299 : memref<800000x16xf32, #tpu.memory_space<hbm>>) target(%dma_start3A_293 : memref<128x16xf32, #tpu.memory_space<vmem>>) offsets(%dma_start3A_296 : memref<128xi32, #tpu.memory_space<vmem>>) semaphore(%arg9 : memref<!tpu.dma_semaphore, #tpu.memory_space<semaphore_mem>>)
      %dma_start3A_300 = arith.constant 0 : i32
      %dma_start3A_301 = arith.constant 14 : i32
      %dma_start3A_302 = arith.constant 0 : i32
      %dma_start3A_303 = arith.constant 14 : i32
      %dma_start3A_304 = arith.constant 0 : i32
      %dma_start3A_305 = arith.constant 0 : i32
      %dma_start3A_306 = tpu.memref_slice %arg6[%dma_start3A_302, %dma_start3A_303, %dma_start3A_304, %dma_start3A_305] : memref<2x16x128x16xf32, #tpu.memory_space<vmem>> -> memref<1x1x128x16xf32, #tpu.memory_space<vmem>>
      %dma_start3A_307 = tpu.memref_squeeze %dma_start3A_306 : memref<1x1x128x16xf32, #tpu.memory_space<vmem>> -> memref<128x16xf32, #tpu.memory_space<vmem>>
      %dma_start3A_308 = arith.constant 0 : i32
      %dma_start3A_309 = tpu.memref_slice %arg5[%dma_start3A_300, %dma_start3A_301, %dma_start3A_308] : memref<2x16x128xi32, #tpu.memory_space<vmem>> -> memref<1x1x128xi32, #tpu.memory_space<vmem>>
      %dma_start3A_310 = tpu.memref_squeeze %dma_start3A_309 : memref<1x1x128xi32, #tpu.memory_space<vmem>> -> memref<128xi32, #tpu.memory_space<vmem>>
      %dma_start3A_311 = arith.constant 0 : i32
      %dma_start3A_312 = arith.constant 0 : i32
      %dma_start3A_313 = tpu.memref_slice %arg2[%dma_start3A_311, %dma_start3A_312] : memref<800000x16xf32, #tpu.memory_space<hbm>> -> memref<800000x16xf32, #tpu.memory_space<hbm>>
      tpu.enqueue_indirect_dma source(%dma_start3A_313 : memref<800000x16xf32, #tpu.memory_space<hbm>>) target(%dma_start3A_307 : memref<128x16xf32, #tpu.memory_space<vmem>>) offsets(%dma_start3A_310 : memref<128xi32, #tpu.memory_space<vmem>>) semaphore(%arg9 : memref<!tpu.dma_semaphore, #tpu.memory_space<semaphore_mem>>)
      %dma_start3A_314 = arith.constant 0 : i32
      %dma_start3A_315 = arith.constant 15 : i32
      %dma_start3A_316 = arith.constant 0 : i32
      %dma_start3A_317 = arith.constant 15 : i32
      %dma_start3A_318 = arith.constant 0 : i32
      %dma_start3A_319 = arith.constant 0 : i32
      %dma_start3A_320 = tpu.memref_slice %arg6[%dma_start3A_316, %dma_start3A_317, %dma_start3A_318, %dma_start3A_319] : memref<2x16x128x16xf32, #tpu.memory_space<vmem>> -> memref<1x1x128x16xf32, #tpu.memory_space<vmem>>
      %dma_start3A_321 = tpu.memref_squeeze %dma_start3A_320 : memref<1x1x128x16xf32, #tpu.memory_space<vmem>> -> memref<128x16xf32, #tpu.memory_space<vmem>>
      %dma_start3A_322 = arith.constant 0 : i32
      %dma_start3A_323 = tpu.memref_slice %arg5[%dma_start3A_314, %dma_start3A_315, %dma_start3A_322] : memref<2x16x128xi32, #tpu.memory_space<vmem>> -> memref<1x1x128xi32, #tpu.memory_space<vmem>>
      %dma_start3A_324 = tpu.memref_squeeze %dma_start3A_323 : memref<1x1x128xi32, #tpu.memory_space<vmem>> -> memref<128xi32, #tpu.memory_space<vmem>>
      %dma_start3A_325 = arith.constant 0 : i32
      %dma_start3A_326 = arith.constant 0 : i32
      %dma_start3A_327 = tpu.memref_slice %arg2[%dma_start3A_325, %dma_start3A_326] : memref<800000x16xf32, #tpu.memory_space<hbm>> -> memref<800000x16xf32, #tpu.memory_space<hbm>>
      tpu.enqueue_indirect_dma source(%dma_start3A_327 : memref<800000x16xf32, #tpu.memory_space<hbm>>) target(%dma_start3A_321 : memref<128x16xf32, #tpu.memory_space<vmem>>) offsets(%dma_start3A_324 : memref<128xi32, #tpu.memory_space<vmem>>) semaphore(%arg9 : memref<!tpu.dma_semaphore, #tpu.memory_space<semaphore_mem>>)
      %gt3A_328 = arith.constant 0 : i32
      %gt3A_329 = arith.cmpi sgt, %scan3A_95, %gt3A_328 : i32
      %convert_element_type3A_330 = arith.extui %gt3A_329 : i1 to i32
      %cond3A_331 = arith.constant 0 : i32
      %cond3A_332 = arith.cmpi ne, %convert_element_type3A_330, %cond3A_331 : i32
      scf.if %cond3A_332 {
        %dma_wait3A_612 = arith.constant 0 : i32
        %dma_wait3A_613 = arith.constant 0 : i32
        %dma_wait3A_614 = arith.constant 0 : i32
        %dma_wait3A_615 = arith.constant 0 : i32
        %dma_wait3A_616 = arith.constant 0 : i32
        %dma_wait3A_617 = tpu.memref_slice %arg6[%dma_wait3A_613, %dma_wait3A_614, %dma_wait3A_615, %dma_wait3A_616] : memref<2x16x128x16xf32, #tpu.memory_space<vmem>> -> memref<1x16x128x16xf32, #tpu.memory_space<vmem>>
        %dma_wait3A_618 = tpu.memref_squeeze %dma_wait3A_617 : memref<1x16x128x16xf32, #tpu.memory_space<vmem>> -> memref<16x128x16xf32, #tpu.memory_space<vmem>>
        %dma_wait3A_619 = arith.constant 0 : i32
        %dma_wait3A_620 = arith.constant 0 : i32
        %dma_wait3A_621 = arith.constant 0 : i32
        %dma_wait3A_622 = tpu.memref_slice %arg4[%dma_wait3A_612, %dma_wait3A_619, %dma_wait3A_620, %dma_wait3A_621] : memref<1600x16x128x16xf32, #tpu.memory_space<hbm>> -> memref<1x16x128x16xf32, #tpu.memory_space<hbm>>
        %dma_wait3A_623 = tpu.memref_squeeze %dma_wait3A_622 : memref<1x16x128x16xf32, #tpu.memory_space<hbm>> -> memref<16x128x16xf32, #tpu.memory_space<hbm>>
        %dma_wait3A_624 = arith.constant 0 : i32
        %dma_wait3A_625 = arith.constant 0 : i32
        %dma_wait3A_626 = arith.constant 0 : i32
        %dma_wait3A_627 = tpu.memref_slice %arg6[%dma_wait3A_613, %dma_wait3A_624, %dma_wait3A_625, %dma_wait3A_626] : memref<2x16x128x16xf32, #tpu.memory_space<vmem>> -> memref<1x16x128x16xf32, #tpu.memory_space<vmem>>
        %dma_wait3A_628 = tpu.memref_squeeze %dma_wait3A_627 : memref<1x16x128x16xf32, #tpu.memory_space<vmem>> -> memref<16x128x16xf32, #tpu.memory_space<vmem>>
        %dma_wait3A_629 = arith.constant 0 : i32
        %dma_wait3A_630 = arith.constant 0 : i32
        %dma_wait3A_631 = arith.constant 0 : i32
        %dma_wait3A_632 = tpu.memref_slice %arg4[%dma_wait3A_612, %dma_wait3A_629, %dma_wait3A_630, %dma_wait3A_631] : memref<1600x16x128x16xf32, #tpu.memory_space<hbm>> -> memref<1x16x128x16xf32, #tpu.memory_space<hbm>>
        %dma_wait3A_633 = tpu.memref_squeeze %dma_wait3A_632 : memref<1x16x128x16xf32, #tpu.memory_space<hbm>> -> memref<16x128x16xf32, #tpu.memory_space<hbm>>
        tpu.wait_dma2 semaphore(%arg10 : memref<!tpu.dma_semaphore, #tpu.memory_space<semaphore_mem>>) src(%dma_wait3A_633 : memref<16x128x16xf32, #tpu.memory_space<hbm>>) dst(%dma_wait3A_628 : memref<16x128x16xf32, #tpu.memory_space<vmem>>)
        %add3A_634 = arith.constant 1 : i32
        %add3A_635 = arith.addi %mul3A_97, %add3A_634 : i32
        %dma_start3A_636 = arith.constant 1 : i32
        %dma_start3A_637 = arith.constant 0 : i32
        %dma_start3A_638 = arith.constant 0 : i32
        %dma_start3A_639 = tpu.memref_slice %arg5[%dma_start3A_636, %dma_start3A_637, %dma_start3A_638] : memref<2x16x128xi32, #tpu.memory_space<vmem>> -> memref<1x16x128xi32, #tpu.memory_space<vmem>>
        %dma_start3A_640 = tpu.memref_squeeze %dma_start3A_639 : memref<1x16x128xi32, #tpu.memory_space<vmem>> -> memref<16x128xi32, #tpu.memory_space<vmem>>
        %dma_start3A_641 = arith.constant 0 : i32
        %dma_start3A_642 = arith.constant 0 : i32
        %dma_start3A_643 = tpu.memref_slice %arg3[%add3A, %add3A_635, %dma_start3A_641, %dma_start3A_642] : memref<32x50x16x128xi32, #tpu.memory_space<hbm>> -> memref<1x1x16x128xi32, #tpu.memory_space<hbm>>
        %dma_start3A_644 = tpu.memref_squeeze %dma_start3A_643 : memref<1x1x16x128xi32, #tpu.memory_space<hbm>> -> memref<16x128xi32, #tpu.memory_space<hbm>>
        %dma_start3A_645 = arith.constant 0 : i32
        %dma_start3A_646 = arith.constant 0 : i32
        %dma_start3A_647 = tpu.memref_slice %arg5[%dma_start3A_636, %dma_start3A_645, %dma_start3A_646] : memref<2x16x128xi32, #tpu.memory_space<vmem>> -> memref<1x16x128xi32, #tpu.memory_space<vmem>>
        %dma_start3A_648 = tpu.memref_squeeze %dma_start3A_647 : memref<1x16x128xi32, #tpu.memory_space<vmem>> -> memref<16x128xi32, #tpu.memory_space<vmem>>
        %dma_start3A_649 = arith.constant 0 : i32
        %dma_start3A_650 = arith.constant 0 : i32
        %dma_start3A_651 = tpu.memref_slice %arg3[%add3A, %add3A_635, %dma_start3A_649, %dma_start3A_650] : memref<32x50x16x128xi32, #tpu.memory_space<hbm>> -> memref<1x1x16x128xi32, #tpu.memory_space<hbm>>
        %dma_start3A_652 = tpu.memref_squeeze %dma_start3A_651 : memref<1x1x16x128xi32, #tpu.memory_space<hbm>> -> memref<16x128xi32, #tpu.memory_space<hbm>>
        tpu.enqueue_dma source(%dma_start3A_652 : memref<16x128xi32, #tpu.memory_space<hbm>>) target(%dma_start3A_648 : memref<16x128xi32, #tpu.memory_space<vmem>>) target_semaphore(%arg8 : memref<!tpu.dma_semaphore, #tpu.memory_space<semaphore_mem>>)
        %mul3A_653 = arith.constant 50 : i32
        %mul3A_654 = arith.muli %add3A, %mul3A_653 : i32
        %add3A_655 = arith.addi %mul3A_654, %mul3A_97 : i32
        %sub3A_656 = arith.constant 1 : i32
        %sub3A_657 = arith.subi %add3A_655, %sub3A_656 : i32
        %dma_start3A_658 = arith.constant 1 : i32
        %dma_start3A_659 = arith.constant 0 : i32
        %dma_start3A_660 = arith.constant 0 : i32
        %dma_start3A_661 = arith.constant 0 : i32
        %dma_start3A_662 = tpu.memref_slice %arg6[%dma_start3A_658, %dma_start3A_659, %dma_start3A_660, %dma_start3A_661] : memref<2x16x128x16xf32, #tpu.memory_space<vmem>> -> memref<1x16x128x16xf32, #tpu.memory_space<vmem>>
        %dma_start3A_663 = tpu.memref_squeeze %dma_start3A_662 : memref<1x16x128x16xf32, #tpu.memory_space<vmem>> -> memref<16x128x16xf32, #tpu.memory_space<vmem>>
        %dma_start3A_664 = arith.constant 0 : i32
        %dma_start3A_665 = arith.constant 0 : i32
        %dma_start3A_666 = arith.constant 0 : i32
        %dma_start3A_667 = tpu.memref_slice %arg4[%sub3A_657, %dma_start3A_664, %dma_start3A_665, %dma_start3A_666] : memref<1600x16x128x16xf32, #tpu.memory_space<hbm>> -> memref<1x16x128x16xf32, #tpu.memory_space<hbm>>
        %dma_start3A_668 = tpu.memref_squeeze %dma_start3A_667 : memref<1x16x128x16xf32, #tpu.memory_space<hbm>> -> memref<16x128x16xf32, #tpu.memory_space<hbm>>
        %dma_start3A_669 = arith.constant 0 : i32
        %dma_start3A_670 = arith.constant 0 : i32
        %dma_start3A_671 = arith.constant 0 : i32
        %dma_start3A_672 = tpu.memref_slice %arg4[%sub3A_657, %dma_start3A_669, %dma_start3A_670, %dma_start3A_671] : memref<1600x16x128x16xf32, #tpu.memory_space<hbm>> -> memref<1x16x128x16xf32, #tpu.memory_space<hbm>>
        %dma_start3A_673 = tpu.memref_squeeze %dma_start3A_672 : memref<1x16x128x16xf32, #tpu.memory_space<hbm>> -> memref<16x128x16xf32, #tpu.memory_space<hbm>>
        %dma_start3A_674 = arith.constant 0 : i32
        %dma_start3A_675 = arith.constant 0 : i32
        %dma_start3A_676 = arith.constant 0 : i32
        %dma_start3A_677 = tpu.memref_slice %arg6[%dma_start3A_658, %dma_start3A_674, %dma_start3A_675, %dma_start3A_676] : memref<2x16x128x16xf32, #tpu.memory_space<vmem>> -> memref<1x16x128x16xf32, #tpu.memory_space<vmem>>
        %dma_start3A_678 = tpu.memref_squeeze %dma_start3A_677 : memref<1x16x128x16xf32, #tpu.memory_space<vmem>> -> memref<16x128x16xf32, #tpu.memory_space<vmem>>
        tpu.enqueue_dma source(%dma_start3A_678 : memref<16x128x16xf32, #tpu.memory_space<vmem>>) target(%dma_start3A_673 : memref<16x128x16xf32, #tpu.memory_space<hbm>>) target_semaphore(%arg12 : memref<!tpu.dma_semaphore, #tpu.memory_space<semaphore_mem>>)
        %dma_wait3A_679 = arith.constant 0 : i32
        %dma_wait3A_680 = arith.constant 0 : i32
        %dma_wait3A_681 = arith.constant 0 : i32
        %dma_wait3A_682 = arith.constant 0 : i32
        %dma_wait3A_683 = arith.constant 0 : i32
        %dma_wait3A_684 = tpu.memref_slice %arg6[%dma_wait3A_680, %dma_wait3A_681, %dma_wait3A_682, %dma_wait3A_683] : memref<2x16x128x16xf32, #tpu.memory_space<vmem>> -> memref<1x16x128x16xf32, #tpu.memory_space<vmem>>
        %dma_wait3A_685 = tpu.memref_squeeze %dma_wait3A_684 : memref<1x16x128x16xf32, #tpu.memory_space<vmem>> -> memref<16x128x16xf32, #tpu.memory_space<vmem>>
        %dma_wait3A_686 = arith.constant 0 : i32
        %dma_wait3A_687 = arith.constant 0 : i32
        %dma_wait3A_688 = arith.constant 0 : i32
        %dma_wait3A_689 = tpu.memref_slice %arg4[%dma_wait3A_679, %dma_wait3A_686, %dma_wait3A_687, %dma_wait3A_688] : memref<1600x16x128x16xf32, #tpu.memory_space<hbm>> -> memref<1x16x128x16xf32, #tpu.memory_space<hbm>>
        %dma_wait3A_690 = tpu.memref_squeeze %dma_wait3A_689 : memref<1x16x128x16xf32, #tpu.memory_space<hbm>> -> memref<16x128x16xf32, #tpu.memory_space<hbm>>
        %dma_wait3A_691 = arith.constant 0 : i32
        %dma_wait3A_692 = arith.constant 0 : i32
        %dma_wait3A_693 = arith.constant 0 : i32
        %dma_wait3A_694 = tpu.memref_slice %arg6[%dma_wait3A_680, %dma_wait3A_691, %dma_wait3A_692, %dma_wait3A_693] : memref<2x16x128x16xf32, #tpu.memory_space<vmem>> -> memref<1x16x128x16xf32, #tpu.memory_space<vmem>>
        %dma_wait3A_695 = tpu.memref_squeeze %dma_wait3A_694 : memref<1x16x128x16xf32, #tpu.memory_space<vmem>> -> memref<16x128x16xf32, #tpu.memory_space<vmem>>
        %dma_wait3A_696 = arith.constant 0 : i32
        %dma_wait3A_697 = arith.constant 0 : i32
        %dma_wait3A_698 = arith.constant 0 : i32
        %dma_wait3A_699 = tpu.memref_slice %arg4[%dma_wait3A_679, %dma_wait3A_696, %dma_wait3A_697, %dma_wait3A_698] : memref<1600x16x128x16xf32, #tpu.memory_space<hbm>> -> memref<1x16x128x16xf32, #tpu.memory_space<hbm>>
        %dma_wait3A_700 = tpu.memref_squeeze %dma_wait3A_699 : memref<1x16x128x16xf32, #tpu.memory_space<hbm>> -> memref<16x128x16xf32, #tpu.memory_space<hbm>>
        tpu.wait_dma2 semaphore(%arg12 : memref<!tpu.dma_semaphore, #tpu.memory_space<semaphore_mem>>) src(%dma_wait3A_700 : memref<16x128x16xf32, #tpu.memory_space<hbm>>) dst(%dma_wait3A_695 : memref<16x128x16xf32, #tpu.memory_space<vmem>>)
        %dma_wait3A_701 = arith.constant 0 : i32
        %dma_wait3A_702 = arith.constant 0 : i32
        %dma_wait3A_703 = arith.constant 0 : i32
        %dma_wait3A_704 = arith.constant 0 : i32
        %dma_wait3A_705 = tpu.memref_slice %arg5[%dma_wait3A_702, %dma_wait3A_703, %dma_wait3A_704] : memref<2x16x128xi32, #tpu.memory_space<vmem>> -> memref<1x16x128xi32, #tpu.memory_space<vmem>>
        %dma_wait3A_706 = tpu.memref_squeeze %dma_wait3A_705 : memref<1x16x128xi32, #tpu.memory_space<vmem>> -> memref<16x128xi32, #tpu.memory_space<vmem>>
        %dma_wait3A_707 = arith.constant 0 : i32
        %dma_wait3A_708 = arith.constant 0 : i32
        %dma_wait3A_709 = tpu.memref_slice %arg3[%add3A, %dma_wait3A_701, %dma_wait3A_707, %dma_wait3A_708] : memref<32x50x16x128xi32, #tpu.memory_space<hbm>> -> memref<1x1x16x128xi32, #tpu.memory_space<hbm>>
        %dma_wait3A_710 = tpu.memref_squeeze %dma_wait3A_709 : memref<1x1x16x128xi32, #tpu.memory_space<hbm>> -> memref<16x128xi32, #tpu.memory_space<hbm>>
        %dma_wait3A_711 = arith.constant 0 : i32
        %dma_wait3A_712 = arith.constant 0 : i32
        %dma_wait3A_713 = tpu.memref_slice %arg5[%dma_wait3A_702, %dma_wait3A_711, %dma_wait3A_712] : memref<2x16x128xi32, #tpu.memory_space<vmem>> -> memref<1x16x128xi32, #tpu.memory_space<vmem>>
        %dma_wait3A_714 = tpu.memref_squeeze %dma_wait3A_713 : memref<1x16x128xi32, #tpu.memory_space<vmem>> -> memref<16x128xi32, #tpu.memory_space<vmem>>
        %dma_wait3A_715 = arith.constant 0 : i32
        %dma_wait3A_716 = arith.constant 0 : i32
        %dma_wait3A_717 = tpu.memref_slice %arg3[%add3A, %dma_wait3A_701, %dma_wait3A_715, %dma_wait3A_716] : memref<32x50x16x128xi32, #tpu.memory_space<hbm>> -> memref<1x1x16x128xi32, #tpu.memory_space<hbm>>
        %dma_wait3A_718 = tpu.memref_squeeze %dma_wait3A_717 : memref<1x1x16x128xi32, #tpu.memory_space<hbm>> -> memref<16x128xi32, #tpu.memory_space<hbm>>
        tpu.wait_dma2 semaphore(%arg8 : memref<!tpu.dma_semaphore, #tpu.memory_space<semaphore_mem>>) src(%dma_wait3A_718 : memref<16x128xi32, #tpu.memory_space<hbm>>) dst(%dma_wait3A_714 : memref<16x128xi32, #tpu.memory_space<vmem>>)
      } else {
      }
      %eq3A_333 = arith.constant 0 : i32
      %eq3A_334 = arith.cmpi eq, %scan3A_95, %eq3A_333 : i32
      %convert_element_type3A_335 = arith.extui %eq3A_334 : i1 to i32
      %cond3A_336 = arith.constant 0 : i32
      %cond3A_337 = arith.cmpi ne, %convert_element_type3A_335, %cond3A_336 : i32
      scf.if %cond3A_337 {
        %add3A_612 = arith.constant 1 : i32
        %add3A_613 = arith.addi %mul3A_97, %add3A_612 : i32
        %run_scoped3A = arith.constant 1 : i32
        "tpu.region"() ({
          %run_scoped3A_614 = tpu.sem_alloc : memref<!tpu.dma_semaphore, #tpu.memory_space<semaphore_mem>>
          %dma_start3A_615 = arith.constant 0 : i32
          %dma_start3A_616 = arith.constant 0 : i32
          %dma_start3A_617 = tpu.memref_slice %arg5[%run_scoped3A, %dma_start3A_615, %dma_start3A_616] : memref<2x16x128xi32, #tpu.memory_space<vmem>> -> memref<1x16x128xi32, #tpu.memory_space<vmem>>
          %dma_start3A_618 = tpu.memref_squeeze %dma_start3A_617 : memref<1x16x128xi32, #tpu.memory_space<vmem>> -> memref<16x128xi32, #tpu.memory_space<vmem>>
          %dma_start3A_619 = arith.constant 0 : i32
          %dma_start3A_620 = arith.constant 0 : i32
          %dma_start3A_621 = tpu.memref_slice %arg3[%add3A, %add3A_613, %dma_start3A_619, %dma_start3A_620] : memref<32x50x16x128xi32, #tpu.memory_space<hbm>> -> memref<1x1x16x128xi32, #tpu.memory_space<hbm>>
          %dma_start3A_622 = tpu.memref_squeeze %dma_start3A_621 : memref<1x1x16x128xi32, #tpu.memory_space<hbm>> -> memref<16x128xi32, #tpu.memory_space<hbm>>
          %dma_start3A_623 = arith.constant 0 : i32
          %dma_start3A_624 = arith.constant 0 : i32
          %dma_start3A_625 = tpu.memref_slice %arg5[%run_scoped3A, %dma_start3A_623, %dma_start3A_624] : memref<2x16x128xi32, #tpu.memory_space<vmem>> -> memref<1x16x128xi32, #tpu.memory_space<vmem>>
          %dma_start3A_626 = tpu.memref_squeeze %dma_start3A_625 : memref<1x16x128xi32, #tpu.memory_space<vmem>> -> memref<16x128xi32, #tpu.memory_space<vmem>>
          %dma_start3A_627 = arith.constant 0 : i32
          %dma_start3A_628 = arith.constant 0 : i32
          %dma_start3A_629 = tpu.memref_slice %arg3[%add3A, %add3A_613, %dma_start3A_627, %dma_start3A_628] : memref<32x50x16x128xi32, #tpu.memory_space<hbm>> -> memref<1x1x16x128xi32, #tpu.memory_space<hbm>>
          %dma_start3A_630 = tpu.memref_squeeze %dma_start3A_629 : memref<1x1x16x128xi32, #tpu.memory_space<hbm>> -> memref<16x128xi32, #tpu.memory_space<hbm>>
          tpu.enqueue_dma source(%dma_start3A_630 : memref<16x128xi32, #tpu.memory_space<hbm>>) target(%dma_start3A_626 : memref<16x128xi32, #tpu.memory_space<vmem>>) target_semaphore(%run_scoped3A_614 : memref<!tpu.dma_semaphore, #tpu.memory_space<semaphore_mem>>)
          %dma_wait3A_631 = arith.constant 0 : i32
          %dma_wait3A_632 = arith.constant 0 : i32
          %dma_wait3A_633 = tpu.memref_slice %arg5[%run_scoped3A, %dma_wait3A_631, %dma_wait3A_632] : memref<2x16x128xi32, #tpu.memory_space<vmem>> -> memref<1x16x128xi32, #tpu.memory_space<vmem>>
          %dma_wait3A_634 = tpu.memref_squeeze %dma_wait3A_633 : memref<1x16x128xi32, #tpu.memory_space<vmem>> -> memref<16x128xi32, #tpu.memory_space<vmem>>
          %dma_wait3A_635 = arith.constant 0 : i32
          %dma_wait3A_636 = arith.constant 0 : i32
          %dma_wait3A_637 = tpu.memref_slice %arg3[%add3A, %add3A_613, %dma_wait3A_635, %dma_wait3A_636] : memref<32x50x16x128xi32, #tpu.memory_space<hbm>> -> memref<1x1x16x128xi32, #tpu.memory_space<hbm>>
          %dma_wait3A_638 = tpu.memref_squeeze %dma_wait3A_637 : memref<1x1x16x128xi32, #tpu.memory_space<hbm>> -> memref<16x128xi32, #tpu.memory_space<hbm>>
          %dma_wait3A_639 = arith.constant 0 : i32
          %dma_wait3A_640 = arith.constant 0 : i32
          %dma_wait3A_641 = tpu.memref_slice %arg5[%run_scoped3A, %dma_wait3A_639, %dma_wait3A_640] : memref<2x16x128xi32, #tpu.memory_space<vmem>> -> memref<1x16x128xi32, #tpu.memory_space<vmem>>
          %dma_wait3A_642 = tpu.memref_squeeze %dma_wait3A_641 : memref<1x16x128xi32, #tpu.memory_space<vmem>> -> memref<16x128xi32, #tpu.memory_space<vmem>>
          %dma_wait3A_643 = arith.constant 0 : i32
          %dma_wait3A_644 = arith.constant 0 : i32
          %dma_wait3A_645 = tpu.memref_slice %arg3[%add3A, %add3A_613, %dma_wait3A_643, %dma_wait3A_644] : memref<32x50x16x128xi32, #tpu.memory_space<hbm>> -> memref<1x1x16x128xi32, #tpu.memory_space<hbm>>
          %dma_wait3A_646 = tpu.memref_squeeze %dma_wait3A_645 : memref<1x1x16x128xi32, #tpu.memory_space<hbm>> -> memref<16x128xi32, #tpu.memory_space<hbm>>
          tpu.wait_dma2 semaphore(%run_scoped3A_614 : memref<!tpu.dma_semaphore, #tpu.memory_space<semaphore_mem>>) src(%dma_wait3A_646 : memref<16x128xi32, #tpu.memory_space<hbm>>) dst(%dma_wait3A_642 : memref<16x128xi32, #tpu.memory_space<vmem>>)
          tpu.yield
        }) : () -> ()
      } else {
      }
      %dma_start3A_338 = arith.constant 1 : i32
      %dma_start3A_339 = arith.constant 0 : i32
      %dma_start3A_340 = arith.constant 1 : i32
      %dma_start3A_341 = arith.constant 0 : i32
      %dma_start3A_342 = arith.constant 0 : i32
      %dma_start3A_343 = arith.constant 0 : i32
      %dma_start3A_344 = tpu.memref_slice %arg6[%dma_start3A_340, %dma_start3A_341, %dma_start3A_342, %dma_start3A_343] : memref<2x16x128x16xf32, #tpu.memory_space<vmem>> -> memref<1x1x128x16xf32, #tpu.memory_space<vmem>>
      %dma_start3A_345 = tpu.memref_squeeze %dma_start3A_344 : memref<1x1x128x16xf32, #tpu.memory_space<vmem>> -> memref<128x16xf32, #tpu.memory_space<vmem>>
      %dma_start3A_346 = arith.constant 0 : i32
      %dma_start3A_347 = tpu.memref_slice %arg5[%dma_start3A_338, %dma_start3A_339, %dma_start3A_346] : memref<2x16x128xi32, #tpu.memory_space<vmem>> -> memref<1x1x128xi32, #tpu.memory_space<vmem>>
      %dma_start3A_348 = tpu.memref_squeeze %dma_start3A_347 : memref<1x1x128xi32, #tpu.memory_space<vmem>> -> memref<128xi32, #tpu.memory_space<vmem>>
      %dma_start3A_349 = arith.constant 0 : i32
      %dma_start3A_350 = arith.constant 0 : i32
      %dma_start3A_351 = tpu.memref_slice %arg2[%dma_start3A_349, %dma_start3A_350] : memref<800000x16xf32, #tpu.memory_space<hbm>> -> memref<800000x16xf32, #tpu.memory_space<hbm>>
      tpu.enqueue_indirect_dma source(%dma_start3A_351 : memref<800000x16xf32, #tpu.memory_space<hbm>>) target(%dma_start3A_345 : memref<128x16xf32, #tpu.memory_space<vmem>>) offsets(%dma_start3A_348 : memref<128xi32, #tpu.memory_space<vmem>>) semaphore(%arg10 : memref<!tpu.dma_semaphore, #tpu.memory_space<semaphore_mem>>)
      %dma_start3A_352 = arith.constant 1 : i32
      %dma_start3A_353 = arith.constant 1 : i32
      %dma_start3A_354 = arith.constant 1 : i32
      %dma_start3A_355 = arith.constant 1 : i32
      %dma_start3A_356 = arith.constant 0 : i32
      %dma_start3A_357 = arith.constant 0 : i32
      %dma_start3A_358 = tpu.memref_slice %arg6[%dma_start3A_354, %dma_start3A_355, %dma_start3A_356, %dma_start3A_357] : memref<2x16x128x16xf32, #tpu.memory_space<vmem>> -> memref<1x1x128x16xf32, #tpu.memory_space<vmem>>
      %dma_start3A_359 = tpu.memref_squeeze %dma_start3A_358 : memref<1x1x128x16xf32, #tpu.memory_space<vmem>> -> memref<128x16xf32, #tpu.memory_space<vmem>>
      %dma_start3A_360 = arith.constant 0 : i32
      %dma_start3A_361 = tpu.memref_slice %arg5[%dma_start3A_352, %dma_start3A_353, %dma_start3A_360] : memref<2x16x128xi32, #tpu.memory_space<vmem>> -> memref<1x1x128xi32, #tpu.memory_space<vmem>>
      %dma_start3A_362 = tpu.memref_squeeze %dma_start3A_361 : memref<1x1x128xi32, #tpu.memory_space<vmem>> -> memref<128xi32, #tpu.memory_space<vmem>>
      %dma_start3A_363 = arith.constant 0 : i32
      %dma_start3A_364 = arith.constant 0 : i32
      %dma_start3A_365 = tpu.memref_slice %arg2[%dma_start3A_363, %dma_start3A_364] : memref<800000x16xf32, #tpu.memory_space<hbm>> -> memref<800000x16xf32, #tpu.memory_space<hbm>>
      tpu.enqueue_indirect_dma source(%dma_start3A_365 : memref<800000x16xf32, #tpu.memory_space<hbm>>) target(%dma_start3A_359 : memref<128x16xf32, #tpu.memory_space<vmem>>) offsets(%dma_start3A_362 : memref<128xi32, #tpu.memory_space<vmem>>) semaphore(%arg10 : memref<!tpu.dma_semaphore, #tpu.memory_space<semaphore_mem>>)
      %dma_start3A_366 = arith.constant 1 : i32
      %dma_start3A_367 = arith.constant 2 : i32
      %dma_start3A_368 = arith.constant 1 : i32
      %dma_start3A_369 = arith.constant 2 : i32
      %dma_start3A_370 = arith.constant 0 : i32
      %dma_start3A_371 = arith.constant 0 : i32
      %dma_start3A_372 = tpu.memref_slice %arg6[%dma_start3A_368, %dma_start3A_369, %dma_start3A_370, %dma_start3A_371] : memref<2x16x128x16xf32, #tpu.memory_space<vmem>> -> memref<1x1x128x16xf32, #tpu.memory_space<vmem>>
      %dma_start3A_373 = tpu.memref_squeeze %dma_start3A_372 : memref<1x1x128x16xf32, #tpu.memory_space<vmem>> -> memref<128x16xf32, #tpu.memory_space<vmem>>
      %dma_start3A_374 = arith.constant 0 : i32
      %dma_start3A_375 = tpu.memref_slice %arg5[%dma_start3A_366, %dma_start3A_367, %dma_start3A_374] : memref<2x16x128xi32, #tpu.memory_space<vmem>> -> memref<1x1x128xi32, #tpu.memory_space<vmem>>
      %dma_start3A_376 = tpu.memref_squeeze %dma_start3A_375 : memref<1x1x128xi32, #tpu.memory_space<vmem>> -> memref<128xi32, #tpu.memory_space<vmem>>
      %dma_start3A_377 = arith.constant 0 : i32
      %dma_start3A_378 = arith.constant 0 : i32
      %dma_start3A_379 = tpu.memref_slice %arg2[%dma_start3A_377, %dma_start3A_378] : memref<800000x16xf32, #tpu.memory_space<hbm>> -> memref<800000x16xf32, #tpu.memory_space<hbm>>
      tpu.enqueue_indirect_dma source(%dma_start3A_379 : memref<800000x16xf32, #tpu.memory_space<hbm>>) target(%dma_start3A_373 : memref<128x16xf32, #tpu.memory_space<vmem>>) offsets(%dma_start3A_376 : memref<128xi32, #tpu.memory_space<vmem>>) semaphore(%arg10 : memref<!tpu.dma_semaphore, #tpu.memory_space<semaphore_mem>>)
      %dma_start3A_380 = arith.constant 1 : i32
      %dma_start3A_381 = arith.constant 3 : i32
      %dma_start3A_382 = arith.constant 1 : i32
      %dma_start3A_383 = arith.constant 3 : i32
      %dma_start3A_384 = arith.constant 0 : i32
      %dma_start3A_385 = arith.constant 0 : i32
      %dma_start3A_386 = tpu.memref_slice %arg6[%dma_start3A_382, %dma_start3A_383, %dma_start3A_384, %dma_start3A_385] : memref<2x16x128x16xf32, #tpu.memory_space<vmem>> -> memref<1x1x128x16xf32, #tpu.memory_space<vmem>>
      %dma_start3A_387 = tpu.memref_squeeze %dma_start3A_386 : memref<1x1x128x16xf32, #tpu.memory_space<vmem>> -> memref<128x16xf32, #tpu.memory_space<vmem>>
      %dma_start3A_388 = arith.constant 0 : i32
      %dma_start3A_389 = tpu.memref_slice %arg5[%dma_start3A_380, %dma_start3A_381, %dma_start3A_388] : memref<2x16x128xi32, #tpu.memory_space<vmem>> -> memref<1x1x128xi32, #tpu.memory_space<vmem>>
      %dma_start3A_390 = tpu.memref_squeeze %dma_start3A_389 : memref<1x1x128xi32, #tpu.memory_space<vmem>> -> memref<128xi32, #tpu.memory_space<vmem>>
      %dma_start3A_391 = arith.constant 0 : i32
      %dma_start3A_392 = arith.constant 0 : i32
      %dma_start3A_393 = tpu.memref_slice %arg2[%dma_start3A_391, %dma_start3A_392] : memref<800000x16xf32, #tpu.memory_space<hbm>> -> memref<800000x16xf32, #tpu.memory_space<hbm>>
      tpu.enqueue_indirect_dma source(%dma_start3A_393 : memref<800000x16xf32, #tpu.memory_space<hbm>>) target(%dma_start3A_387 : memref<128x16xf32, #tpu.memory_space<vmem>>) offsets(%dma_start3A_390 : memref<128xi32, #tpu.memory_space<vmem>>) semaphore(%arg10 : memref<!tpu.dma_semaphore, #tpu.memory_space<semaphore_mem>>)
      %dma_start3A_394 = arith.constant 1 : i32
      %dma_start3A_395 = arith.constant 4 : i32
      %dma_start3A_396 = arith.constant 1 : i32
      %dma_start3A_397 = arith.constant 4 : i32
      %dma_start3A_398 = arith.constant 0 : i32
      %dma_start3A_399 = arith.constant 0 : i32
      %dma_start3A_400 = tpu.memref_slice %arg6[%dma_start3A_396, %dma_start3A_397, %dma_start3A_398, %dma_start3A_399] : memref<2x16x128x16xf32, #tpu.memory_space<vmem>> -> memref<1x1x128x16xf32, #tpu.memory_space<vmem>>
      %dma_start3A_401 = tpu.memref_squeeze %dma_start3A_400 : memref<1x1x128x16xf32, #tpu.memory_space<vmem>> -> memref<128x16xf32, #tpu.memory_space<vmem>>
      %dma_start3A_402 = arith.constant 0 : i32
      %dma_start3A_403 = tpu.memref_slice %arg5[%dma_start3A_394, %dma_start3A_395, %dma_start3A_402] : memref<2x16x128xi32, #tpu.memory_space<vmem>> -> memref<1x1x128xi32, #tpu.memory_space<vmem>>
      %dma_start3A_404 = tpu.memref_squeeze %dma_start3A_403 : memref<1x1x128xi32, #tpu.memory_space<vmem>> -> memref<128xi32, #tpu.memory_space<vmem>>
      %dma_start3A_405 = arith.constant 0 : i32
      %dma_start3A_406 = arith.constant 0 : i32
      %dma_start3A_407 = tpu.memref_slice %arg2[%dma_start3A_405, %dma_start3A_406] : memref<800000x16xf32, #tpu.memory_space<hbm>> -> memref<800000x16xf32, #tpu.memory_space<hbm>>
      tpu.enqueue_indirect_dma source(%dma_start3A_407 : memref<800000x16xf32, #tpu.memory_space<hbm>>) target(%dma_start3A_401 : memref<128x16xf32, #tpu.memory_space<vmem>>) offsets(%dma_start3A_404 : memref<128xi32, #tpu.memory_space<vmem>>) semaphore(%arg10 : memref<!tpu.dma_semaphore, #tpu.memory_space<semaphore_mem>>)
      %dma_start3A_408 = arith.constant 1 : i32
      %dma_start3A_409 = arith.constant 5 : i32
      %dma_start3A_410 = arith.constant 1 : i32
      %dma_start3A_411 = arith.constant 5 : i32
      %dma_start3A_412 = arith.constant 0 : i32
      %dma_start3A_413 = arith.constant 0 : i32
      %dma_start3A_414 = tpu.memref_slice %arg6[%dma_start3A_410, %dma_start3A_411, %dma_start3A_412, %dma_start3A_413] : memref<2x16x128x16xf32, #tpu.memory_space<vmem>> -> memref<1x1x128x16xf32, #tpu.memory_space<vmem>>
      %dma_start3A_415 = tpu.memref_squeeze %dma_start3A_414 : memref<1x1x128x16xf32, #tpu.memory_space<vmem>> -> memref<128x16xf32, #tpu.memory_space<vmem>>
      %dma_start3A_416 = arith.constant 0 : i32
      %dma_start3A_417 = tpu.memref_slice %arg5[%dma_start3A_408, %dma_start3A_409, %dma_start3A_416] : memref<2x16x128xi32, #tpu.memory_space<vmem>> -> memref<1x1x128xi32, #tpu.memory_space<vmem>>
      %dma_start3A_418 = tpu.memref_squeeze %dma_start3A_417 : memref<1x1x128xi32, #tpu.memory_space<vmem>> -> memref<128xi32, #tpu.memory_space<vmem>>
      %dma_start3A_419 = arith.constant 0 : i32
      %dma_start3A_420 = arith.constant 0 : i32
      %dma_start3A_421 = tpu.memref_slice %arg2[%dma_start3A_419, %dma_start3A_420] : memref<800000x16xf32, #tpu.memory_space<hbm>> -> memref<800000x16xf32, #tpu.memory_space<hbm>>
      tpu.enqueue_indirect_dma source(%dma_start3A_421 : memref<800000x16xf32, #tpu.memory_space<hbm>>) target(%dma_start3A_415 : memref<128x16xf32, #tpu.memory_space<vmem>>) offsets(%dma_start3A_418 : memref<128xi32, #tpu.memory_space<vmem>>) semaphore(%arg10 : memref<!tpu.dma_semaphore, #tpu.memory_space<semaphore_mem>>)
      %dma_start3A_422 = arith.constant 1 : i32
      %dma_start3A_423 = arith.constant 6 : i32
      %dma_start3A_424 = arith.constant 1 : i32
      %dma_start3A_425 = arith.constant 6 : i32
      %dma_start3A_426 = arith.constant 0 : i32
      %dma_start3A_427 = arith.constant 0 : i32
      %dma_start3A_428 = tpu.memref_slice %arg6[%dma_start3A_424, %dma_start3A_425, %dma_start3A_426, %dma_start3A_427] : memref<2x16x128x16xf32, #tpu.memory_space<vmem>> -> memref<1x1x128x16xf32, #tpu.memory_space<vmem>>
      %dma_start3A_429 = tpu.memref_squeeze %dma_start3A_428 : memref<1x1x128x16xf32, #tpu.memory_space<vmem>> -> memref<128x16xf32, #tpu.memory_space<vmem>>
      %dma_start3A_430 = arith.constant 0 : i32
      %dma_start3A_431 = tpu.memref_slice %arg5[%dma_start3A_422, %dma_start3A_423, %dma_start3A_430] : memref<2x16x128xi32, #tpu.memory_space<vmem>> -> memref<1x1x128xi32, #tpu.memory_space<vmem>>
      %dma_start3A_432 = tpu.memref_squeeze %dma_start3A_431 : memref<1x1x128xi32, #tpu.memory_space<vmem>> -> memref<128xi32, #tpu.memory_space<vmem>>
      %dma_start3A_433 = arith.constant 0 : i32
      %dma_start3A_434 = arith.constant 0 : i32
      %dma_start3A_435 = tpu.memref_slice %arg2[%dma_start3A_433, %dma_start3A_434] : memref<800000x16xf32, #tpu.memory_space<hbm>> -> memref<800000x16xf32, #tpu.memory_space<hbm>>
      tpu.enqueue_indirect_dma source(%dma_start3A_435 : memref<800000x16xf32, #tpu.memory_space<hbm>>) target(%dma_start3A_429 : memref<128x16xf32, #tpu.memory_space<vmem>>) offsets(%dma_start3A_432 : memref<128xi32, #tpu.memory_space<vmem>>) semaphore(%arg10 : memref<!tpu.dma_semaphore, #tpu.memory_space<semaphore_mem>>)
      %dma_start3A_436 = arith.constant 1 : i32
      %dma_start3A_437 = arith.constant 7 : i32
      %dma_start3A_438 = arith.constant 1 : i32
      %dma_start3A_439 = arith.constant 7 : i32
      %dma_start3A_440 = arith.constant 0 : i32
      %dma_start3A_441 = arith.constant 0 : i32
      %dma_start3A_442 = tpu.memref_slice %arg6[%dma_start3A_438, %dma_start3A_439, %dma_start3A_440, %dma_start3A_441] : memref<2x16x128x16xf32, #tpu.memory_space<vmem>> -> memref<1x1x128x16xf32, #tpu.memory_space<vmem>>
      %dma_start3A_443 = tpu.memref_squeeze %dma_start3A_442 : memref<1x1x128x16xf32, #tpu.memory_space<vmem>> -> memref<128x16xf32, #tpu.memory_space<vmem>>
      %dma_start3A_444 = arith.constant 0 : i32
      %dma_start3A_445 = tpu.memref_slice %arg5[%dma_start3A_436, %dma_start3A_437, %dma_start3A_444] : memref<2x16x128xi32, #tpu.memory_space<vmem>> -> memref<1x1x128xi32, #tpu.memory_space<vmem>>
      %dma_start3A_446 = tpu.memref_squeeze %dma_start3A_445 : memref<1x1x128xi32, #tpu.memory_space<vmem>> -> memref<128xi32, #tpu.memory_space<vmem>>
      %dma_start3A_447 = arith.constant 0 : i32
      %dma_start3A_448 = arith.constant 0 : i32
      %dma_start3A_449 = tpu.memref_slice %arg2[%dma_start3A_447, %dma_start3A_448] : memref<800000x16xf32, #tpu.memory_space<hbm>> -> memref<800000x16xf32, #tpu.memory_space<hbm>>
      tpu.enqueue_indirect_dma source(%dma_start3A_449 : memref<800000x16xf32, #tpu.memory_space<hbm>>) target(%dma_start3A_443 : memref<128x16xf32, #tpu.memory_space<vmem>>) offsets(%dma_start3A_446 : memref<128xi32, #tpu.memory_space<vmem>>) semaphore(%arg10 : memref<!tpu.dma_semaphore, #tpu.memory_space<semaphore_mem>>)
      %dma_start3A_450 = arith.constant 1 : i32
      %dma_start3A_451 = arith.constant 8 : i32
      %dma_start3A_452 = arith.constant 1 : i32
      %dma_start3A_453 = arith.constant 8 : i32
      %dma_start3A_454 = arith.constant 0 : i32
      %dma_start3A_455 = arith.constant 0 : i32
      %dma_start3A_456 = tpu.memref_slice %arg6[%dma_start3A_452, %dma_start3A_453, %dma_start3A_454, %dma_start3A_455] : memref<2x16x128x16xf32, #tpu.memory_space<vmem>> -> memref<1x1x128x16xf32, #tpu.memory_space<vmem>>
      %dma_start3A_457 = tpu.memref_squeeze %dma_start3A_456 : memref<1x1x128x16xf32, #tpu.memory_space<vmem>> -> memref<128x16xf32, #tpu.memory_space<vmem>>
      %dma_start3A_458 = arith.constant 0 : i32
      %dma_start3A_459 = tpu.memref_slice %arg5[%dma_start3A_450, %dma_start3A_451, %dma_start3A_458] : memref<2x16x128xi32, #tpu.memory_space<vmem>> -> memref<1x1x128xi32, #tpu.memory_space<vmem>>
      %dma_start3A_460 = tpu.memref_squeeze %dma_start3A_459 : memref<1x1x128xi32, #tpu.memory_space<vmem>> -> memref<128xi32, #tpu.memory_space<vmem>>
      %dma_start3A_461 = arith.constant 0 : i32
      %dma_start3A_462 = arith.constant 0 : i32
      %dma_start3A_463 = tpu.memref_slice %arg2[%dma_start3A_461, %dma_start3A_462] : memref<800000x16xf32, #tpu.memory_space<hbm>> -> memref<800000x16xf32, #tpu.memory_space<hbm>>
      tpu.enqueue_indirect_dma source(%dma_start3A_463 : memref<800000x16xf32, #tpu.memory_space<hbm>>) target(%dma_start3A_457 : memref<128x16xf32, #tpu.memory_space<vmem>>) offsets(%dma_start3A_460 : memref<128xi32, #tpu.memory_space<vmem>>) semaphore(%arg10 : memref<!tpu.dma_semaphore, #tpu.memory_space<semaphore_mem>>)
      %dma_start3A_464 = arith.constant 1 : i32
      %dma_start3A_465 = arith.constant 9 : i32
      %dma_start3A_466 = arith.constant 1 : i32
      %dma_start3A_467 = arith.constant 9 : i32
      %dma_start3A_468 = arith.constant 0 : i32
      %dma_start3A_469 = arith.constant 0 : i32
      %dma_start3A_470 = tpu.memref_slice %arg6[%dma_start3A_466, %dma_start3A_467, %dma_start3A_468, %dma_start3A_469] : memref<2x16x128x16xf32, #tpu.memory_space<vmem>> -> memref<1x1x128x16xf32, #tpu.memory_space<vmem>>
      %dma_start3A_471 = tpu.memref_squeeze %dma_start3A_470 : memref<1x1x128x16xf32, #tpu.memory_space<vmem>> -> memref<128x16xf32, #tpu.memory_space<vmem>>
      %dma_start3A_472 = arith.constant 0 : i32
      %dma_start3A_473 = tpu.memref_slice %arg5[%dma_start3A_464, %dma_start3A_465, %dma_start3A_472] : memref<2x16x128xi32, #tpu.memory_space<vmem>> -> memref<1x1x128xi32, #tpu.memory_space<vmem>>
      %dma_start3A_474 = tpu.memref_squeeze %dma_start3A_473 : memref<1x1x128xi32, #tpu.memory_space<vmem>> -> memref<128xi32, #tpu.memory_space<vmem>>
      %dma_start3A_475 = arith.constant 0 : i32
      %dma_start3A_476 = arith.constant 0 : i32
      %dma_start3A_477 = tpu.memref_slice %arg2[%dma_start3A_475, %dma_start3A_476] : memref<800000x16xf32, #tpu.memory_space<hbm>> -> memref<800000x16xf32, #tpu.memory_space<hbm>>
      tpu.enqueue_indirect_dma source(%dma_start3A_477 : memref<800000x16xf32, #tpu.memory_space<hbm>>) target(%dma_start3A_471 : memref<128x16xf32, #tpu.memory_space<vmem>>) offsets(%dma_start3A_474 : memref<128xi32, #tpu.memory_space<vmem>>) semaphore(%arg10 : memref<!tpu.dma_semaphore, #tpu.memory_space<semaphore_mem>>)
      %dma_start3A_478 = arith.constant 1 : i32
      %dma_start3A_479 = arith.constant 10 : i32
      %dma_start3A_480 = arith.constant 1 : i32
      %dma_start3A_481 = arith.constant 10 : i32
      %dma_start3A_482 = arith.constant 0 : i32
      %dma_start3A_483 = arith.constant 0 : i32
      %dma_start3A_484 = tpu.memref_slice %arg6[%dma_start3A_480, %dma_start3A_481, %dma_start3A_482, %dma_start3A_483] : memref<2x16x128x16xf32, #tpu.memory_space<vmem>> -> memref<1x1x128x16xf32, #tpu.memory_space<vmem>>
      %dma_start3A_485 = tpu.memref_squeeze %dma_start3A_484 : memref<1x1x128x16xf32, #tpu.memory_space<vmem>> -> memref<128x16xf32, #tpu.memory_space<vmem>>
      %dma_start3A_486 = arith.constant 0 : i32
      %dma_start3A_487 = tpu.memref_slice %arg5[%dma_start3A_478, %dma_start3A_479, %dma_start3A_486] : memref<2x16x128xi32, #tpu.memory_space<vmem>> -> memref<1x1x128xi32, #tpu.memory_space<vmem>>
      %dma_start3A_488 = tpu.memref_squeeze %dma_start3A_487 : memref<1x1x128xi32, #tpu.memory_space<vmem>> -> memref<128xi32, #tpu.memory_space<vmem>>
      %dma_start3A_489 = arith.constant 0 : i32
      %dma_start3A_490 = arith.constant 0 : i32
      %dma_start3A_491 = tpu.memref_slice %arg2[%dma_start3A_489, %dma_start3A_490] : memref<800000x16xf32, #tpu.memory_space<hbm>> -> memref<800000x16xf32, #tpu.memory_space<hbm>>
      tpu.enqueue_indirect_dma source(%dma_start3A_491 : memref<800000x16xf32, #tpu.memory_space<hbm>>) target(%dma_start3A_485 : memref<128x16xf32, #tpu.memory_space<vmem>>) offsets(%dma_start3A_488 : memref<128xi32, #tpu.memory_space<vmem>>) semaphore(%arg10 : memref<!tpu.dma_semaphore, #tpu.memory_space<semaphore_mem>>)
      %dma_start3A_492 = arith.constant 1 : i32
      %dma_start3A_493 = arith.constant 11 : i32
      %dma_start3A_494 = arith.constant 1 : i32
      %dma_start3A_495 = arith.constant 11 : i32
      %dma_start3A_496 = arith.constant 0 : i32
      %dma_start3A_497 = arith.constant 0 : i32
      %dma_start3A_498 = tpu.memref_slice %arg6[%dma_start3A_494, %dma_start3A_495, %dma_start3A_496, %dma_start3A_497] : memref<2x16x128x16xf32, #tpu.memory_space<vmem>> -> memref<1x1x128x16xf32, #tpu.memory_space<vmem>>
      %dma_start3A_499 = tpu.memref_squeeze %dma_start3A_498 : memref<1x1x128x16xf32, #tpu.memory_space<vmem>> -> memref<128x16xf32, #tpu.memory_space<vmem>>
      %dma_start3A_500 = arith.constant 0 : i32
      %dma_start3A_501 = tpu.memref_slice %arg5[%dma_start3A_492, %dma_start3A_493, %dma_start3A_500] : memref<2x16x128xi32, #tpu.memory_space<vmem>> -> memref<1x1x128xi32, #tpu.memory_space<vmem>>
      %dma_start3A_502 = tpu.memref_squeeze %dma_start3A_501 : memref<1x1x128xi32, #tpu.memory_space<vmem>> -> memref<128xi32, #tpu.memory_space<vmem>>
      %dma_start3A_503 = arith.constant 0 : i32
      %dma_start3A_504 = arith.constant 0 : i32
      %dma_start3A_505 = tpu.memref_slice %arg2[%dma_start3A_503, %dma_start3A_504] : memref<800000x16xf32, #tpu.memory_space<hbm>> -> memref<800000x16xf32, #tpu.memory_space<hbm>>
      tpu.enqueue_indirect_dma source(%dma_start3A_505 : memref<800000x16xf32, #tpu.memory_space<hbm>>) target(%dma_start3A_499 : memref<128x16xf32, #tpu.memory_space<vmem>>) offsets(%dma_start3A_502 : memref<128xi32, #tpu.memory_space<vmem>>) semaphore(%arg10 : memref<!tpu.dma_semaphore, #tpu.memory_space<semaphore_mem>>)
      %dma_start3A_506 = arith.constant 1 : i32
      %dma_start3A_507 = arith.constant 12 : i32
      %dma_start3A_508 = arith.constant 1 : i32
      %dma_start3A_509 = arith.constant 12 : i32
      %dma_start3A_510 = arith.constant 0 : i32
      %dma_start3A_511 = arith.constant 0 : i32
      %dma_start3A_512 = tpu.memref_slice %arg6[%dma_start3A_508, %dma_start3A_509, %dma_start3A_510, %dma_start3A_511] : memref<2x16x128x16xf32, #tpu.memory_space<vmem>> -> memref<1x1x128x16xf32, #tpu.memory_space<vmem>>
      %dma_start3A_513 = tpu.memref_squeeze %dma_start3A_512 : memref<1x1x128x16xf32, #tpu.memory_space<vmem>> -> memref<128x16xf32, #tpu.memory_space<vmem>>
      %dma_start3A_514 = arith.constant 0 : i32
      %dma_start3A_515 = tpu.memref_slice %arg5[%dma_start3A_506, %dma_start3A_507, %dma_start3A_514] : memref<2x16x128xi32, #tpu.memory_space<vmem>> -> memref<1x1x128xi32, #tpu.memory_space<vmem>>
      %dma_start3A_516 = tpu.memref_squeeze %dma_start3A_515 : memref<1x1x128xi32, #tpu.memory_space<vmem>> -> memref<128xi32, #tpu.memory_space<vmem>>
      %dma_start3A_517 = arith.constant 0 : i32
      %dma_start3A_518 = arith.constant 0 : i32
      %dma_start3A_519 = tpu.memref_slice %arg2[%dma_start3A_517, %dma_start3A_518] : memref<800000x16xf32, #tpu.memory_space<hbm>> -> memref<800000x16xf32, #tpu.memory_space<hbm>>
      tpu.enqueue_indirect_dma source(%dma_start3A_519 : memref<800000x16xf32, #tpu.memory_space<hbm>>) target(%dma_start3A_513 : memref<128x16xf32, #tpu.memory_space<vmem>>) offsets(%dma_start3A_516 : memref<128xi32, #tpu.memory_space<vmem>>) semaphore(%arg10 : memref<!tpu.dma_semaphore, #tpu.memory_space<semaphore_mem>>)
      %dma_start3A_520 = arith.constant 1 : i32
      %dma_start3A_521 = arith.constant 13 : i32
      %dma_start3A_522 = arith.constant 1 : i32
      %dma_start3A_523 = arith.constant 13 : i32
      %dma_start3A_524 = arith.constant 0 : i32
      %dma_start3A_525 = arith.constant 0 : i32
      %dma_start3A_526 = tpu.memref_slice %arg6[%dma_start3A_522, %dma_start3A_523, %dma_start3A_524, %dma_start3A_525] : memref<2x16x128x16xf32, #tpu.memory_space<vmem>> -> memref<1x1x128x16xf32, #tpu.memory_space<vmem>>
      %dma_start3A_527 = tpu.memref_squeeze %dma_start3A_526 : memref<1x1x128x16xf32, #tpu.memory_space<vmem>> -> memref<128x16xf32, #tpu.memory_space<vmem>>
      %dma_start3A_528 = arith.constant 0 : i32
      %dma_start3A_529 = tpu.memref_slice %arg5[%dma_start3A_520, %dma_start3A_521, %dma_start3A_528] : memref<2x16x128xi32, #tpu.memory_space<vmem>> -> memref<1x1x128xi32, #tpu.memory_space<vmem>>
      %dma_start3A_530 = tpu.memref_squeeze %dma_start3A_529 : memref<1x1x128xi32, #tpu.memory_space<vmem>> -> memref<128xi32, #tpu.memory_space<vmem>>
      %dma_start3A_531 = arith.constant 0 : i32
      %dma_start3A_532 = arith.constant 0 : i32
      %dma_start3A_533 = tpu.memref_slice %arg2[%dma_start3A_531, %dma_start3A_532] : memref<800000x16xf32, #tpu.memory_space<hbm>> -> memref<800000x16xf32, #tpu.memory_space<hbm>>
      tpu.enqueue_indirect_dma source(%dma_start3A_533 : memref<800000x16xf32, #tpu.memory_space<hbm>>) target(%dma_start3A_527 : memref<128x16xf32, #tpu.memory_space<vmem>>) offsets(%dma_start3A_530 : memref<128xi32, #tpu.memory_space<vmem>>) semaphore(%arg10 : memref<!tpu.dma_semaphore, #tpu.memory_space<semaphore_mem>>)
      %dma_start3A_534 = arith.constant 1 : i32
      %dma_start3A_535 = arith.constant 14 : i32
      %dma_start3A_536 = arith.constant 1 : i32
      %dma_start3A_537 = arith.constant 14 : i32
      %dma_start3A_538 = arith.constant 0 : i32
      %dma_start3A_539 = arith.constant 0 : i32
      %dma_start3A_540 = tpu.memref_slice %arg6[%dma_start3A_536, %dma_start3A_537, %dma_start3A_538, %dma_start3A_539] : memref<2x16x128x16xf32, #tpu.memory_space<vmem>> -> memref<1x1x128x16xf32, #tpu.memory_space<vmem>>
      %dma_start3A_541 = tpu.memref_squeeze %dma_start3A_540 : memref<1x1x128x16xf32, #tpu.memory_space<vmem>> -> memref<128x16xf32, #tpu.memory_space<vmem>>
      %dma_start3A_542 = arith.constant 0 : i32
      %dma_start3A_543 = tpu.memref_slice %arg5[%dma_start3A_534, %dma_start3A_535, %dma_start3A_542] : memref<2x16x128xi32, #tpu.memory_space<vmem>> -> memref<1x1x128xi32, #tpu.memory_space<vmem>>
      %dma_start3A_544 = tpu.memref_squeeze %dma_start3A_543 : memref<1x1x128xi32, #tpu.memory_space<vmem>> -> memref<128xi32, #tpu.memory_space<vmem>>
      %dma_start3A_545 = arith.constant 0 : i32
      %dma_start3A_546 = arith.constant 0 : i32
      %dma_start3A_547 = tpu.memref_slice %arg2[%dma_start3A_545, %dma_start3A_546] : memref<800000x16xf32, #tpu.memory_space<hbm>> -> memref<800000x16xf32, #tpu.memory_space<hbm>>
      tpu.enqueue_indirect_dma source(%dma_start3A_547 : memref<800000x16xf32, #tpu.memory_space<hbm>>) target(%dma_start3A_541 : memref<128x16xf32, #tpu.memory_space<vmem>>) offsets(%dma_start3A_544 : memref<128xi32, #tpu.memory_space<vmem>>) semaphore(%arg10 : memref<!tpu.dma_semaphore, #tpu.memory_space<semaphore_mem>>)
      %dma_start3A_548 = arith.constant 1 : i32
      %dma_start3A_549 = arith.constant 15 : i32
      %dma_start3A_550 = arith.constant 1 : i32
      %dma_start3A_551 = arith.constant 15 : i32
      %dma_start3A_552 = arith.constant 0 : i32
      %dma_start3A_553 = arith.constant 0 : i32
      %dma_start3A_554 = tpu.memref_slice %arg6[%dma_start3A_550, %dma_start3A_551, %dma_start3A_552, %dma_start3A_553] : memref<2x16x128x16xf32, #tpu.memory_space<vmem>> -> memref<1x1x128x16xf32, #tpu.memory_space<vmem>>
      %dma_start3A_555 = tpu.memref_squeeze %dma_start3A_554 : memref<1x1x128x16xf32, #tpu.memory_space<vmem>> -> memref<128x16xf32, #tpu.memory_space<vmem>>
      %dma_start3A_556 = arith.constant 0 : i32
      %dma_start3A_557 = tpu.memref_slice %arg5[%dma_start3A_548, %dma_start3A_549, %dma_start3A_556] : memref<2x16x128xi32, #tpu.memory_space<vmem>> -> memref<1x1x128xi32, #tpu.memory_space<vmem>>
      %dma_start3A_558 = tpu.memref_squeeze %dma_start3A_557 : memref<1x1x128xi32, #tpu.memory_space<vmem>> -> memref<128xi32, #tpu.memory_space<vmem>>
      %dma_start3A_559 = arith.constant 0 : i32
      %dma_start3A_560 = arith.constant 0 : i32
      %dma_start3A_561 = tpu.memref_slice %arg2[%dma_start3A_559, %dma_start3A_560] : memref<800000x16xf32, #tpu.memory_space<hbm>> -> memref<800000x16xf32, #tpu.memory_space<hbm>>
      tpu.enqueue_indirect_dma source(%dma_start3A_561 : memref<800000x16xf32, #tpu.memory_space<hbm>>) target(%dma_start3A_555 : memref<128x16xf32, #tpu.memory_space<vmem>>) offsets(%dma_start3A_558 : memref<128xi32, #tpu.memory_space<vmem>>) semaphore(%arg10 : memref<!tpu.dma_semaphore, #tpu.memory_space<semaphore_mem>>)
      %dma_wait3A_562 = arith.constant 0 : i32
      %dma_wait3A_563 = arith.constant 0 : i32
      %dma_wait3A_564 = arith.constant 0 : i32
      %dma_wait3A_565 = arith.constant 0 : i32
      %dma_wait3A_566 = arith.constant 0 : i32
      %dma_wait3A_567 = tpu.memref_slice %arg6[%dma_wait3A_563, %dma_wait3A_564, %dma_wait3A_565, %dma_wait3A_566] : memref<2x16x128x16xf32, #tpu.memory_space<vmem>> -> memref<1x16x128x16xf32, #tpu.memory_space<vmem>>
      %dma_wait3A_568 = tpu.memref_squeeze %dma_wait3A_567 : memref<1x16x128x16xf32, #tpu.memory_space<vmem>> -> memref<16x128x16xf32, #tpu.memory_space<vmem>>
      %dma_wait3A_569 = arith.constant 0 : i32
      %dma_wait3A_570 = arith.constant 0 : i32
      %dma_wait3A_571 = arith.constant 0 : i32
      %dma_wait3A_572 = tpu.memref_slice %arg4[%dma_wait3A_562, %dma_wait3A_569, %dma_wait3A_570, %dma_wait3A_571] : memref<1600x16x128x16xf32, #tpu.memory_space<hbm>> -> memref<1x16x128x16xf32, #tpu.memory_space<hbm>>
      %dma_wait3A_573 = tpu.memref_squeeze %dma_wait3A_572 : memref<1x16x128x16xf32, #tpu.memory_space<hbm>> -> memref<16x128x16xf32, #tpu.memory_space<hbm>>
      %dma_wait3A_574 = arith.constant 0 : i32
      %dma_wait3A_575 = arith.constant 0 : i32
      %dma_wait3A_576 = arith.constant 0 : i32
      %dma_wait3A_577 = tpu.memref_slice %arg6[%dma_wait3A_563, %dma_wait3A_574, %dma_wait3A_575, %dma_wait3A_576] : memref<2x16x128x16xf32, #tpu.memory_space<vmem>> -> memref<1x16x128x16xf32, #tpu.memory_space<vmem>>
      %dma_wait3A_578 = tpu.memref_squeeze %dma_wait3A_577 : memref<1x16x128x16xf32, #tpu.memory_space<vmem>> -> memref<16x128x16xf32, #tpu.memory_space<vmem>>
      %dma_wait3A_579 = arith.constant 0 : i32
      %dma_wait3A_580 = arith.constant 0 : i32
      %dma_wait3A_581 = arith.constant 0 : i32
      %dma_wait3A_582 = tpu.memref_slice %arg4[%dma_wait3A_562, %dma_wait3A_579, %dma_wait3A_580, %dma_wait3A_581] : memref<1600x16x128x16xf32, #tpu.memory_space<hbm>> -> memref<1x16x128x16xf32, #tpu.memory_space<hbm>>
      %dma_wait3A_583 = tpu.memref_squeeze %dma_wait3A_582 : memref<1x16x128x16xf32, #tpu.memory_space<hbm>> -> memref<16x128x16xf32, #tpu.memory_space<hbm>>
      tpu.wait_dma2 semaphore(%arg9 : memref<!tpu.dma_semaphore, #tpu.memory_space<semaphore_mem>>) src(%dma_wait3A_583 : memref<16x128x16xf32, #tpu.memory_space<hbm>>) dst(%dma_wait3A_578 : memref<16x128x16xf32, #tpu.memory_space<vmem>>)
      %lt3A = arith.constant 24 : i32
      %lt3A_584 = arith.cmpi slt, %scan3A_95, %lt3A : i32
      %convert_element_type3A_585 = arith.extui %lt3A_584 : i1 to i32
      %cond3A_586 = arith.constant 0 : i32
      %cond3A_587 = arith.cmpi ne, %convert_element_type3A_585, %cond3A_586 : i32
      scf.if %cond3A_587 {
        %add3A_612 = arith.constant 2 : i32
        %add3A_613 = arith.addi %mul3A_97, %add3A_612 : i32
        %dma_start3A_614 = arith.constant 0 : i32
        %dma_start3A_615 = arith.constant 0 : i32
        %dma_start3A_616 = arith.constant 0 : i32
        %dma_start3A_617 = tpu.memref_slice %arg5[%dma_start3A_614, %dma_start3A_615, %dma_start3A_616] : memref<2x16x128xi32, #tpu.memory_space<vmem>> -> memref<1x16x128xi32, #tpu.memory_space<vmem>>
        %dma_start3A_618 = tpu.memref_squeeze %dma_start3A_617 : memref<1x16x128xi32, #tpu.memory_space<vmem>> -> memref<16x128xi32, #tpu.memory_space<vmem>>
        %dma_start3A_619 = arith.constant 0 : i32
        %dma_start3A_620 = arith.constant 0 : i32
        %dma_start3A_621 = tpu.memref_slice %arg3[%add3A, %add3A_613, %dma_start3A_619, %dma_start3A_620] : memref<32x50x16x128xi32, #tpu.memory_space<hbm>> -> memref<1x1x16x128xi32, #tpu.memory_space<hbm>>
        %dma_start3A_622 = tpu.memref_squeeze %dma_start3A_621 : memref<1x1x16x128xi32, #tpu.memory_space<hbm>> -> memref<16x128xi32, #tpu.memory_space<hbm>>
        %dma_start3A_623 = arith.constant 0 : i32
        %dma_start3A_624 = arith.constant 0 : i32
        %dma_start3A_625 = tpu.memref_slice %arg5[%dma_start3A_614, %dma_start3A_623, %dma_start3A_624] : memref<2x16x128xi32, #tpu.memory_space<vmem>> -> memref<1x16x128xi32, #tpu.memory_space<vmem>>
        %dma_start3A_626 = tpu.memref_squeeze %dma_start3A_625 : memref<1x16x128xi32, #tpu.memory_space<vmem>> -> memref<16x128xi32, #tpu.memory_space<vmem>>
        %dma_start3A_627 = arith.constant 0 : i32
        %dma_start3A_628 = arith.constant 0 : i32
        %dma_start3A_629 = tpu.memref_slice %arg3[%add3A, %add3A_613, %dma_start3A_627, %dma_start3A_628] : memref<32x50x16x128xi32, #tpu.memory_space<hbm>> -> memref<1x1x16x128xi32, #tpu.memory_space<hbm>>
        %dma_start3A_630 = tpu.memref_squeeze %dma_start3A_629 : memref<1x1x16x128xi32, #tpu.memory_space<hbm>> -> memref<16x128xi32, #tpu.memory_space<hbm>>
        tpu.enqueue_dma source(%dma_start3A_630 : memref<16x128xi32, #tpu.memory_space<hbm>>) target(%dma_start3A_626 : memref<16x128xi32, #tpu.memory_space<vmem>>) target_semaphore(%arg7 : memref<!tpu.dma_semaphore, #tpu.memory_space<semaphore_mem>>)
      } else {
      }
      %mul3A_588 = arith.constant 50 : i32
      %mul3A_589 = arith.muli %add3A, %mul3A_588 : i32
      %add3A_590 = arith.addi %mul3A_589, %mul3A_97 : i32
      %dma_start3A_591 = arith.constant 0 : i32
      %dma_start3A_592 = arith.constant 0 : i32
      %dma_start3A_593 = arith.constant 0 : i32
      %dma_start3A_594 = arith.constant 0 : i32
      %dma_start3A_595 = tpu.memref_slice %arg6[%dma_start3A_591, %dma_start3A_592, %dma_start3A_593, %dma_start3A_594] : memref<2x16x128x16xf32, #tpu.memory_space<vmem>> -> memref<1x16x128x16xf32, #tpu.memory_space<vmem>>
      %dma_start3A_596 = tpu.memref_squeeze %dma_start3A_595 : memref<1x16x128x16xf32, #tpu.memory_space<vmem>> -> memref<16x128x16xf32, #tpu.memory_space<vmem>>
      %dma_start3A_597 = arith.constant 0 : i32
      %dma_start3A_598 = arith.constant 0 : i32
      %dma_start3A_599 = arith.constant 0 : i32
      %dma_start3A_600 = tpu.memref_slice %arg4[%add3A_590, %dma_start3A_597, %dma_start3A_598, %dma_start3A_599] : memref<1600x16x128x16xf32, #tpu.memory_space<hbm>> -> memref<1x16x128x16xf32, #tpu.memory_space<hbm>>
      %dma_start3A_601 = tpu.memref_squeeze %dma_start3A_600 : memref<1x16x128x16xf32, #tpu.memory_space<hbm>> -> memref<16x128x16xf32, #tpu.memory_space<hbm>>
      %dma_start3A_602 = arith.constant 0 : i32
      %dma_start3A_603 = arith.constant 0 : i32
      %dma_start3A_604 = arith.constant 0 : i32
      %dma_start3A_605 = tpu.memref_slice %arg4[%add3A_590, %dma_start3A_602, %dma_start3A_603, %dma_start3A_604] : memref<1600x16x128x16xf32, #tpu.memory_space<hbm>> -> memref<1x16x128x16xf32, #tpu.memory_space<hbm>>
      %dma_start3A_606 = tpu.memref_squeeze %dma_start3A_605 : memref<1x16x128x16xf32, #tpu.memory_space<hbm>> -> memref<16x128x16xf32, #tpu.memory_space<hbm>>
      %dma_start3A_607 = arith.constant 0 : i32
      %dma_start3A_608 = arith.constant 0 : i32
      %dma_start3A_609 = arith.constant 0 : i32
      %dma_start3A_610 = tpu.memref_slice %arg6[%dma_start3A_591, %dma_start3A_607, %dma_start3A_608, %dma_start3A_609] : memref<2x16x128x16xf32, #tpu.memory_space<vmem>> -> memref<1x16x128x16xf32, #tpu.memory_space<vmem>>
      %dma_start3A_611 = tpu.memref_squeeze %dma_start3A_610 : memref<1x16x128x16xf32, #tpu.memory_space<vmem>> -> memref<16x128x16xf32, #tpu.memory_space<vmem>>
      tpu.enqueue_dma source(%dma_start3A_611 : memref<16x128x16xf32, #tpu.memory_space<vmem>>) target(%dma_start3A_606 : memref<16x128x16xf32, #tpu.memory_space<hbm>>) target_semaphore(%arg11 : memref<!tpu.dma_semaphore, #tpu.memory_space<semaphore_mem>>)
    }
    %scan3A_4 = arith.constant 25 : i32
    %dma_wait3A = arith.constant 0 : i32
    %dma_wait3A_5 = arith.constant 0 : i32
    %dma_wait3A_6 = arith.constant 0 : i32
    %dma_wait3A_7 = arith.constant 0 : i32
    %dma_wait3A_8 = arith.constant 0 : i32
    %dma_wait3A_9 = tpu.memref_slice %arg6[%dma_wait3A_5, %dma_wait3A_6, %dma_wait3A_7, %dma_wait3A_8] : memref<2x16x128x16xf32, #tpu.memory_space<vmem>> -> memref<1x16x128x16xf32, #tpu.memory_space<vmem>>
    %dma_wait3A_10 = tpu.memref_squeeze %dma_wait3A_9 : memref<1x16x128x16xf32, #tpu.memory_space<vmem>> -> memref<16x128x16xf32, #tpu.memory_space<vmem>>
    %dma_wait3A_11 = arith.constant 0 : i32
    %dma_wait3A_12 = arith.constant 0 : i32
    %dma_wait3A_13 = arith.constant 0 : i32
    %dma_wait3A_14 = tpu.memref_slice %arg4[%dma_wait3A, %dma_wait3A_11, %dma_wait3A_12, %dma_wait3A_13] : memref<1600x16x128x16xf32, #tpu.memory_space<hbm>> -> memref<1x16x128x16xf32, #tpu.memory_space<hbm>>
    %dma_wait3A_15 = tpu.memref_squeeze %dma_wait3A_14 : memref<1x16x128x16xf32, #tpu.memory_space<hbm>> -> memref<16x128x16xf32, #tpu.memory_space<hbm>>
    %dma_wait3A_16 = arith.constant 0 : i32
    %dma_wait3A_17 = arith.constant 0 : i32
    %dma_wait3A_18 = arith.constant 0 : i32
    %dma_wait3A_19 = tpu.memref_slice %arg6[%dma_wait3A_5, %dma_wait3A_16, %dma_wait3A_17, %dma_wait3A_18] : memref<2x16x128x16xf32, #tpu.memory_space<vmem>> -> memref<1x16x128x16xf32, #tpu.memory_space<vmem>>
    %dma_wait3A_20 = tpu.memref_squeeze %dma_wait3A_19 : memref<1x16x128x16xf32, #tpu.memory_space<vmem>> -> memref<16x128x16xf32, #tpu.memory_space<vmem>>
    %dma_wait3A_21 = arith.constant 0 : i32
    %dma_wait3A_22 = arith.constant 0 : i32
    %dma_wait3A_23 = arith.constant 0 : i32
    %dma_wait3A_24 = tpu.memref_slice %arg4[%dma_wait3A, %dma_wait3A_21, %dma_wait3A_22, %dma_wait3A_23] : memref<1600x16x128x16xf32, #tpu.memory_space<hbm>> -> memref<1x16x128x16xf32, #tpu.memory_space<hbm>>
    %dma_wait3A_25 = tpu.memref_squeeze %dma_wait3A_24 : memref<1x16x128x16xf32, #tpu.memory_space<hbm>> -> memref<16x128x16xf32, #tpu.memory_space<hbm>>
    tpu.wait_dma2 semaphore(%arg10 : memref<!tpu.dma_semaphore, #tpu.memory_space<semaphore_mem>>) src(%dma_wait3A_25 : memref<16x128x16xf32, #tpu.memory_space<hbm>>) dst(%dma_wait3A_20 : memref<16x128x16xf32, #tpu.memory_space<vmem>>)
    %mul3A_26 = arith.constant 50 : i32
    %mul3A_27 = arith.muli %add3A, %mul3A_26 : i32
    %add3A_28 = arith.constant 50 : i32
    %add3A_29 = arith.addi %mul3A_27, %add3A_28 : i32
    %sub3A = arith.constant 1 : i32
    %sub3A_30 = arith.subi %add3A_29, %sub3A : i32
    %dma_start3A = arith.constant 1 : i32
    %dma_start3A_31 = arith.constant 0 : i32
    %dma_start3A_32 = arith.constant 0 : i32
    %dma_start3A_33 = arith.constant 0 : i32
    %dma_start3A_34 = tpu.memref_slice %arg6[%dma_start3A, %dma_start3A_31, %dma_start3A_32, %dma_start3A_33] : memref<2x16x128x16xf32, #tpu.memory_space<vmem>> -> memref<1x16x128x16xf32, #tpu.memory_space<vmem>>
    %dma_start3A_35 = tpu.memref_squeeze %dma_start3A_34 : memref<1x16x128x16xf32, #tpu.memory_space<vmem>> -> memref<16x128x16xf32, #tpu.memory_space<vmem>>
    %dma_start3A_36 = arith.constant 0 : i32
    %dma_start3A_37 = arith.constant 0 : i32
    %dma_start3A_38 = arith.constant 0 : i32
    %dma_start3A_39 = tpu.memref_slice %arg4[%sub3A_30, %dma_start3A_36, %dma_start3A_37, %dma_start3A_38] : memref<1600x16x128x16xf32, #tpu.memory_space<hbm>> -> memref<1x16x128x16xf32, #tpu.memory_space<hbm>>
    %dma_start3A_40 = tpu.memref_squeeze %dma_start3A_39 : memref<1x16x128x16xf32, #tpu.memory_space<hbm>> -> memref<16x128x16xf32, #tpu.memory_space<hbm>>
    %dma_start3A_41 = arith.constant 0 : i32
    %dma_start3A_42 = arith.constant 0 : i32
    %dma_start3A_43 = arith.constant 0 : i32
    %dma_start3A_44 = tpu.memref_slice %arg4[%sub3A_30, %dma_start3A_41, %dma_start3A_42, %dma_start3A_43] : memref<1600x16x128x16xf32, #tpu.memory_space<hbm>> -> memref<1x16x128x16xf32, #tpu.memory_space<hbm>>
    %dma_start3A_45 = tpu.memref_squeeze %dma_start3A_44 : memref<1x16x128x16xf32, #tpu.memory_space<hbm>> -> memref<16x128x16xf32, #tpu.memory_space<hbm>>
    %dma_start3A_46 = arith.constant 0 : i32
    %dma_start3A_47 = arith.constant 0 : i32
    %dma_start3A_48 = arith.constant 0 : i32
    %dma_start3A_49 = tpu.memref_slice %arg6[%dma_start3A, %dma_start3A_46, %dma_start3A_47, %dma_start3A_48] : memref<2x16x128x16xf32, #tpu.memory_space<vmem>> -> memref<1x16x128x16xf32, #tpu.memory_space<vmem>>
    %dma_start3A_50 = tpu.memref_squeeze %dma_start3A_49 : memref<1x16x128x16xf32, #tpu.memory_space<vmem>> -> memref<16x128x16xf32, #tpu.memory_space<vmem>>
    tpu.enqueue_dma source(%dma_start3A_50 : memref<16x128x16xf32, #tpu.memory_space<vmem>>) target(%dma_start3A_45 : memref<16x128x16xf32, #tpu.memory_space<hbm>>) target_semaphore(%arg12 : memref<!tpu.dma_semaphore, #tpu.memory_space<semaphore_mem>>)
    %dma_wait3A_51 = arith.constant 0 : i32
    %dma_wait3A_52 = arith.constant 0 : i32
    %dma_wait3A_53 = arith.constant 0 : i32
    %dma_wait3A_54 = arith.constant 0 : i32
    %dma_wait3A_55 = arith.constant 0 : i32
    %dma_wait3A_56 = tpu.memref_slice %arg6[%dma_wait3A_52, %dma_wait3A_53, %dma_wait3A_54, %dma_wait3A_55] : memref<2x16x128x16xf32, #tpu.memory_space<vmem>> -> memref<1x16x128x16xf32, #tpu.memory_space<vmem>>
    %dma_wait3A_57 = tpu.memref_squeeze %dma_wait3A_56 : memref<1x16x128x16xf32, #tpu.memory_space<vmem>> -> memref<16x128x16xf32, #tpu.memory_space<vmem>>
    %dma_wait3A_58 = arith.constant 0 : i32
    %dma_wait3A_59 = arith.constant 0 : i32
    %dma_wait3A_60 = arith.constant 0 : i32
    %dma_wait3A_61 = tpu.memref_slice %arg4[%dma_wait3A_51, %dma_wait3A_58, %dma_wait3A_59, %dma_wait3A_60] : memref<1600x16x128x16xf32, #tpu.memory_space<hbm>> -> memref<1x16x128x16xf32, #tpu.memory_space<hbm>>
    %dma_wait3A_62 = tpu.memref_squeeze %dma_wait3A_61 : memref<1x16x128x16xf32, #tpu.memory_space<hbm>> -> memref<16x128x16xf32, #tpu.memory_space<hbm>>
    %dma_wait3A_63 = arith.constant 0 : i32
    %dma_wait3A_64 = arith.constant 0 : i32
    %dma_wait3A_65 = arith.constant 0 : i32
    %dma_wait3A_66 = tpu.memref_slice %arg6[%dma_wait3A_52, %dma_wait3A_63, %dma_wait3A_64, %dma_wait3A_65] : memref<2x16x128x16xf32, #tpu.memory_space<vmem>> -> memref<1x16x128x16xf32, #tpu.memory_space<vmem>>
    %dma_wait3A_67 = tpu.memref_squeeze %dma_wait3A_66 : memref<1x16x128x16xf32, #tpu.memory_space<vmem>> -> memref<16x128x16xf32, #tpu.memory_space<vmem>>
    %dma_wait3A_68 = arith.constant 0 : i32
    %dma_wait3A_69 = arith.constant 0 : i32
    %dma_wait3A_70 = arith.constant 0 : i32
    %dma_wait3A_71 = tpu.memref_slice %arg4[%dma_wait3A_51, %dma_wait3A_68, %dma_wait3A_69, %dma_wait3A_70] : memref<1600x16x128x16xf32, #tpu.memory_space<hbm>> -> memref<1x16x128x16xf32, #tpu.memory_space<hbm>>
    %dma_wait3A_72 = tpu.memref_squeeze %dma_wait3A_71 : memref<1x16x128x16xf32, #tpu.memory_space<hbm>> -> memref<16x128x16xf32, #tpu.memory_space<hbm>>
    tpu.wait_dma2 semaphore(%arg12 : memref<!tpu.dma_semaphore, #tpu.memory_space<semaphore_mem>>) src(%dma_wait3A_72 : memref<16x128x16xf32, #tpu.memory_space<hbm>>) dst(%dma_wait3A_67 : memref<16x128x16xf32, #tpu.memory_space<vmem>>)
    %dma_wait3A_73 = arith.constant 0 : i32
    %dma_wait3A_74 = arith.constant 0 : i32
    %dma_wait3A_75 = arith.constant 0 : i32
    %dma_wait3A_76 = arith.constant 0 : i32
    %dma_wait3A_77 = arith.constant 0 : i32
    %dma_wait3A_78 = tpu.memref_slice %arg6[%dma_wait3A_74, %dma_wait3A_75, %dma_wait3A_76, %dma_wait3A_77] : memref<2x16x128x16xf32, #tpu.memory_space<vmem>> -> memref<1x16x128x16xf32, #tpu.memory_space<vmem>>
    %dma_wait3A_79 = tpu.memref_squeeze %dma_wait3A_78 : memref<1x16x128x16xf32, #tpu.memory_space<vmem>> -> memref<16x128x16xf32, #tpu.memory_space<vmem>>
    %dma_wait3A_80 = arith.constant 0 : i32
    %dma_wait3A_81 = arith.constant 0 : i32
    %dma_wait3A_82 = arith.constant 0 : i32
    %dma_wait3A_83 = tpu.memref_slice %arg4[%dma_wait3A_73, %dma_wait3A_80, %dma_wait3A_81, %dma_wait3A_82] : memref<1600x16x128x16xf32, #tpu.memory_space<hbm>> -> memref<1x16x128x16xf32, #tpu.memory_space<hbm>>
    %dma_wait3A_84 = tpu.memref_squeeze %dma_wait3A_83 : memref<1x16x128x16xf32, #tpu.memory_space<hbm>> -> memref<16x128x16xf32, #tpu.memory_space<hbm>>
    %dma_wait3A_85 = arith.constant 0 : i32
    %dma_wait3A_86 = arith.constant 0 : i32
    %dma_wait3A_87 = arith.constant 0 : i32
    %dma_wait3A_88 = tpu.memref_slice %arg6[%dma_wait3A_74, %dma_wait3A_85, %dma_wait3A_86, %dma_wait3A_87] : memref<2x16x128x16xf32, #tpu.memory_space<vmem>> -> memref<1x16x128x16xf32, #tpu.memory_space<vmem>>
    %dma_wait3A_89 = tpu.memref_squeeze %dma_wait3A_88 : memref<1x16x128x16xf32, #tpu.memory_space<vmem>> -> memref<16x128x16xf32, #tpu.memory_space<vmem>>
    %dma_wait3A_90 = arith.constant 0 : i32
    %dma_wait3A_91 = arith.constant 0 : i32
    %dma_wait3A_92 = arith.constant 0 : i32
    %dma_wait3A_93 = tpu.memref_slice %arg4[%dma_wait3A_73, %dma_wait3A_90, %dma_wait3A_91, %dma_wait3A_92] : memref<1600x16x128x16xf32, #tpu.memory_space<hbm>> -> memref<1x16x128x16xf32, #tpu.memory_space<hbm>>
    %dma_wait3A_94 = tpu.memref_squeeze %dma_wait3A_93 : memref<1x16x128x16xf32, #tpu.memory_space<hbm>> -> memref<16x128x16xf32, #tpu.memory_space<hbm>>
    tpu.wait_dma2 semaphore(%arg11 : memref<!tpu.dma_semaphore, #tpu.memory_space<semaphore_mem>>) src(%dma_wait3A_94 : memref<16x128x16xf32, #tpu.memory_space<hbm>>) dst(%dma_wait3A_89 : memref<16x128x16xf32, #tpu.memory_space<vmem>>)
    return
  }
}

module attributes {stable_mosaic.version = 14 : i64} {
  func.func @_pack_body(%arg0: i32, %arg1: memref<10x6400xf32, #tpu.memory_space<vmem>>, %arg2: memref<800x128xf32, #tpu.memory_space<vmem>>) attributes {dimension_semantics = [#tpu.dimension_semantics<arbitrary>], iteration_bounds = array<i64: 125>, scalar_prefetch = 0 : i64, scratch_operands = 0 : i64, tpu.core_type = #tpu.core_type<tc>, window_params = [{transform_indices = @transform_0, window_bounds = array<i64: 10, 6400>}, {transform_indices = @transform_1, window_bounds = array<i64: 800, 128>}]} {
    %get3A = arith.constant 0 : index
    %get3A_0 = arith.constant 0 : index
    %get3A_1 = vector.load %arg1[%get3A, %get3A_0] : memref<10x6400xf32, #tpu.memory_space<vmem>>, vector<10x6400xf32>
    %jit3A = arith.constant 0 : i32
    %convert_element_type3A = arith.sitofp %jit3A : i32 to f32
    %pad3A = vector.broadcast %convert_element_type3A : f32 to vector<6x6400xf32>
    %pad3A_2 = tpu.concatenate %get3A_1, %pad3A in 0 : vector<10x6400xf32>, vector<6x6400xf32> -> vector<16x6400xf32>
    %transpose3A = tpu.transpose %pad3A_2, [1, 0] : vector<16x6400xf32> -> vector<6400x16xf32>
    %reshape3A = vector.shape_cast %transpose3A : vector<6400x16xf32> to vector<800x8x16xf32>
    %slice3A = vector.extract_strided_slice %reshape3A {offsets = [0, 0, 0], sizes = [800, 1, 16], strides = [1, 1, 1]} : vector<800x8x16xf32> to vector<800x1x16xf32>
    %squeeze3A = vector.shape_cast %slice3A : vector<800x1x16xf32> to vector<800x16xf32>
    %swap3A = arith.constant 0 : index
    %swap3A_3 = arith.constant 0 : index
    %swap3A_4 = vector.load %arg2[%swap3A, %swap3A_3] : memref<800x128xf32, #tpu.memory_space<vmem>>, vector<800x16xf32>
    tpu.vector_store %arg2[%swap3A, %swap3A_3], %squeeze3A {strides = array<i32>} : memref<800x128xf32, #tpu.memory_space<vmem>>, vector<800x16xf32>,
    %slice3A_5 = vector.extract_strided_slice %reshape3A {offsets = [0, 1, 0], sizes = [800, 1, 16], strides = [1, 1, 1]} : vector<800x8x16xf32> to vector<800x1x16xf32>
    %squeeze3A_6 = vector.shape_cast %slice3A_5 : vector<800x1x16xf32> to vector<800x16xf32>
    %swap3A_7 = arith.constant 0 : index
    %swap3A_8 = arith.constant 16 : index
    %swap3A_9 = vector.load %arg2[%swap3A_7, %swap3A_8] : memref<800x128xf32, #tpu.memory_space<vmem>>, vector<800x16xf32>
    tpu.vector_store %arg2[%swap3A_7, %swap3A_8], %squeeze3A_6 {strides = array<i32>} : memref<800x128xf32, #tpu.memory_space<vmem>>, vector<800x16xf32>,
    %slice3A_10 = vector.extract_strided_slice %reshape3A {offsets = [0, 2, 0], sizes = [800, 1, 16], strides = [1, 1, 1]} : vector<800x8x16xf32> to vector<800x1x16xf32>
    %squeeze3A_11 = vector.shape_cast %slice3A_10 : vector<800x1x16xf32> to vector<800x16xf32>
    %swap3A_12 = arith.constant 0 : index
    %swap3A_13 = arith.constant 32 : index
    %swap3A_14 = vector.load %arg2[%swap3A_12, %swap3A_13] : memref<800x128xf32, #tpu.memory_space<vmem>>, vector<800x16xf32>
    tpu.vector_store %arg2[%swap3A_12, %swap3A_13], %squeeze3A_11 {strides = array<i32>} : memref<800x128xf32, #tpu.memory_space<vmem>>, vector<800x16xf32>,
    %slice3A_15 = vector.extract_strided_slice %reshape3A {offsets = [0, 3, 0], sizes = [800, 1, 16], strides = [1, 1, 1]} : vector<800x8x16xf32> to vector<800x1x16xf32>
    %squeeze3A_16 = vector.shape_cast %slice3A_15 : vector<800x1x16xf32> to vector<800x16xf32>
    %swap3A_17 = arith.constant 0 : index
    %swap3A_18 = arith.constant 48 : index
    %swap3A_19 = vector.load %arg2[%swap3A_17, %swap3A_18] : memref<800x128xf32, #tpu.memory_space<vmem>>, vector<800x16xf32>
    tpu.vector_store %arg2[%swap3A_17, %swap3A_18], %squeeze3A_16 {strides = array<i32>} : memref<800x128xf32, #tpu.memory_space<vmem>>, vector<800x16xf32>,
    %slice3A_20 = vector.extract_strided_slice %reshape3A {offsets = [0, 4, 0], sizes = [800, 1, 16], strides = [1, 1, 1]} : vector<800x8x16xf32> to vector<800x1x16xf32>
    %squeeze3A_21 = vector.shape_cast %slice3A_20 : vector<800x1x16xf32> to vector<800x16xf32>
    %swap3A_22 = arith.constant 0 : index
    %swap3A_23 = arith.constant 64 : index
    %swap3A_24 = vector.load %arg2[%swap3A_22, %swap3A_23] : memref<800x128xf32, #tpu.memory_space<vmem>>, vector<800x16xf32>
    tpu.vector_store %arg2[%swap3A_22, %swap3A_23], %squeeze3A_21 {strides = array<i32>} : memref<800x128xf32, #tpu.memory_space<vmem>>, vector<800x16xf32>,
    %slice3A_25 = vector.extract_strided_slice %reshape3A {offsets = [0, 5, 0], sizes = [800, 1, 16], strides = [1, 1, 1]} : vector<800x8x16xf32> to vector<800x1x16xf32>
    %squeeze3A_26 = vector.shape_cast %slice3A_25 : vector<800x1x16xf32> to vector<800x16xf32>
    %swap3A_27 = arith.constant 0 : index
    %swap3A_28 = arith.constant 80 : index
    %swap3A_29 = vector.load %arg2[%swap3A_27, %swap3A_28] : memref<800x128xf32, #tpu.memory_space<vmem>>, vector<800x16xf32>
    tpu.vector_store %arg2[%swap3A_27, %swap3A_28], %squeeze3A_26 {strides = array<i32>} : memref<800x128xf32, #tpu.memory_space<vmem>>, vector<800x16xf32>,
    %slice3A_30 = vector.extract_strided_slice %reshape3A {offsets = [0, 6, 0], sizes = [800, 1, 16], strides = [1, 1, 1]} : vector<800x8x16xf32> to vector<800x1x16xf32>
    %squeeze3A_31 = vector.shape_cast %slice3A_30 : vector<800x1x16xf32> to vector<800x16xf32>
    %swap3A_32 = arith.constant 0 : index
    %swap3A_33 = arith.constant 96 : index
    %swap3A_34 = vector.load %arg2[%swap3A_32, %swap3A_33] : memref<800x128xf32, #tpu.memory_space<vmem>>, vector<800x16xf32>
    tpu.vector_store %arg2[%swap3A_32, %swap3A_33], %squeeze3A_31 {strides = array<i32>} : memref<800x128xf32, #tpu.memory_space<vmem>>, vector<800x16xf32>,
    %slice3A_35 = vector.extract_strided_slice %reshape3A {offsets = [0, 7, 0], sizes = [800, 1, 16], strides = [1, 1, 1]} : vector<800x8x16xf32> to vector<800x1x16xf32>
    %squeeze3A_36 = vector.shape_cast %slice3A_35 : vector<800x1x16xf32> to vector<800x16xf32>
    %swap3A_37 = arith.constant 0 : index
    %swap3A_38 = arith.constant 112 : index
    %swap3A_39 = vector.load %arg2[%swap3A_37, %swap3A_38] : memref<800x128xf32, #tpu.memory_space<vmem>>, vector<800x16xf32>
    tpu.vector_store %arg2[%swap3A_37, %swap3A_38], %squeeze3A_36 {strides = array<i32>} : memref<800x128xf32, #tpu.memory_space<vmem>>, vector<800x16xf32>,
    return
  }
  func.func @transform_0(%arg0: i32) -> (i32, i32) {
    %c0_i32 = arith.constant 0 : i32
    %c0_i32_0 = arith.constant 0 : i32
    return %c0_i32, %arg0 : i32, i32
  }
  func.func @transform_1(%arg0: i32) -> (i32, i32) {
    %c0_i32 = arith.constant 0 : i32
    %c0_i32_0 = arith.constant 0 : i32
    return %arg0, %c0_i32 : i32, i32
  }
}

module attributes {stable_mosaic.version = 14 : i64} {
  func.func @_conv_body(%arg0: i32, %arg1: memref<800x128xf32, #tpu.memory_space<vmem>>, %arg2: memref<800x128xf32, #tpu.memory_space<vmem>>, %arg3: memref<800x128xf32, #tpu.memory_space<vmem>>, %arg4: memref<800x128xf32, #tpu.memory_space<vmem>>, %arg5: memref<800x128xf32, #tpu.memory_space<vmem>>, %arg6: memref<640x128xf32, #tpu.memory_space<vmem>>, %arg7: memref<1x128xf32, #tpu.memory_space<vmem>>, %arg8: memref<800x128xf32, #tpu.memory_space<vmem>>) attributes {dimension_semantics = [#tpu.dimension_semantics<arbitrary>], iteration_bounds = array<i64: 125>, scalar_prefetch = 0 : i64, scratch_operands = 0 : i64, tpu.core_type = #tpu.core_type<tc>, window_params = [{transform_indices = @transform_0, window_bounds = array<i64: 800, 128>}, {transform_indices = @transform_1, window_bounds = array<i64: 800, 128>}, {transform_indices = @transform_2, window_bounds = array<i64: 800, 128>}, {transform_indices = @transform_3, window_bounds = array<i64: 800, 128>}, {transform_indices = @transform_4, window_bounds = array<i64: 800, 128>}, {pipeline_mode = #tpu.pipeline_mode<synchronous>, transform_indices = @transform_5, window_bounds = array<i64: 640, 128>}, {pipeline_mode = #tpu.pipeline_mode<synchronous>, transform_indices = @transform_6, window_bounds = array<i64: 1, 128>}, {transform_indices = @transform_7, window_bounds = array<i64: 800, 128>}]} {
    %get3A = arith.constant 0 : index
    %get3A_0 = arith.constant 0 : index
    %get3A_1 = vector.load %arg1[%get3A, %get3A_0] : memref<800x128xf32, #tpu.memory_space<vmem>>, vector<800x128xf32>
    %get3A_2 = arith.constant 0 : index
    %get3A_3 = arith.constant 0 : index
    %get3A_4 = vector.load %arg2[%get3A_2, %get3A_3] : memref<800x128xf32, #tpu.memory_space<vmem>>, vector<800x128xf32>
    %get3A_5 = arith.constant 0 : index
    %get3A_6 = arith.constant 0 : index
    %get3A_7 = vector.load %arg3[%get3A_5, %get3A_6] : memref<800x128xf32, #tpu.memory_space<vmem>>, vector<800x128xf32>
    %get3A_8 = arith.constant 0 : index
    %get3A_9 = arith.constant 0 : index
    %get3A_10 = vector.load %arg4[%get3A_8, %get3A_9] : memref<800x128xf32, #tpu.memory_space<vmem>>, vector<800x128xf32>
    %get3A_11 = arith.constant 0 : index
    %get3A_12 = arith.constant 0 : index
    %get3A_13 = vector.load %arg5[%get3A_11, %get3A_12] : memref<800x128xf32, #tpu.memory_space<vmem>>, vector<800x128xf32>
    %add3A = arith.addf %get3A_4, %get3A_10 : vector<800x128xf32>
    %add3A_14 = arith.addf %get3A_7, %get3A_13 : vector<800x128xf32>
    %sub3A = arith.subf %get3A_4, %get3A_10 : vector<800x128xf32>
    %abs3A = math.absf %sub3A : vector<800x128xf32>
    %sub3A_15 = arith.subf %get3A_7, %get3A_13 : vector<800x128xf32>
    %abs3A_16 = math.absf %sub3A_15 : vector<800x128xf32>
    %concatenate3A = tpu.concatenate %get3A_1, %add3A, %add3A_14, %abs3A, %abs3A_16 in 1 : vector<800x128xf32>, vector<800x128xf32>, vector<800x128xf32>, vector<800x128xf32>, vector<800x128xf32> -> vector<800x640xf32>
    %get3A_17 = arith.constant 0 : index
    %get3A_18 = arith.constant 0 : index
    %get3A_19 = vector.load %arg6[%get3A_17, %get3A_18] : memref<640x128xf32, #tpu.memory_space<vmem>>, vector<640x128xf32>
    %dot_general3A = arith.constant dense<0.000000e+00> : vector<800x128xf32>
    %dot_general3A_20 = tpu.matmul %concatenate3A, %get3A_19, %dot_general3A {dimension_numbers = #tpu.dot_dimension_numbers<[1], [0], [0], [1], [0, 0, 1, 1], [], []>, transpose_lhs_hint = false} : vector<800x640xf32>, vector<640x128xf32>, vector<800x128xf32> -> vector<800x128xf32>
    %get3A_21 = arith.constant 0 : index
    %get3A_22 = arith.constant 0 : index
    %get3A_23 = vector.load %arg7[%get3A_21, %get3A_22] : memref<1x128xf32, #tpu.memory_space<vmem>>, vector<1x128xf32>
    %add3A_24 = vector.broadcast %get3A_23 : vector<1x128xf32> to vector<800x128xf32>
    %add3A_25 = arith.addf %dot_general3A_20, %add3A_24 : vector<800x128xf32>
    %max3A = arith.constant 0.000000e+00 : f32
    %max3A_26 = vector.broadcast %max3A : f32 to vector<800x128xf32>
    %max3A_27 = arith.maximumf %add3A_25, %max3A_26 : vector<800x128xf32>
    %swap3A = arith.constant 0 : index
    %swap3A_28 = arith.constant 0 : index
    %swap3A_29 = vector.load %arg8[%swap3A, %swap3A_28] : memref<800x128xf32, #tpu.memory_space<vmem>>, vector<800x128xf32>
    tpu.vector_store %arg8[%swap3A, %swap3A_28], %max3A_27 {strides = array<i32>} : memref<800x128xf32, #tpu.memory_space<vmem>>, vector<800x128xf32>,
    return
  }
  func.func @transform_0(%arg0: i32) -> (i32, i32) {
    %c0_i32 = arith.constant 0 : i32
    %c0_i32_0 = arith.constant 0 : i32
    return %arg0, %c0_i32 : i32, i32
  }
  func.func @transform_1(%arg0: i32) -> (i32, i32) {
    %add3A = arith.constant 0 : i32
    %add3A_0 = arith.addi %add3A, %arg0 : i32
    %c0_i32 = arith.constant 0 : i32
    %c0_i32_1 = arith.constant 0 : i32
    return %add3A_0, %c0_i32 : i32, i32
  }
  func.func @transform_2(%arg0: i32) -> (i32, i32) {
    %add3A = arith.constant 128 : i32
    %add3A_0 = arith.addi %add3A, %arg0 : i32
    %c0_i32 = arith.constant 0 : i32
    %c0_i32_1 = arith.constant 0 : i32
    return %add3A_0, %c0_i32 : i32, i32
  }
  func.func @transform_3(%arg0: i32) -> (i32, i32) {
    %add3A = arith.constant 256 : i32
    %add3A_0 = arith.addi %add3A, %arg0 : i32
    %c0_i32 = arith.constant 0 : i32
    %c0_i32_1 = arith.constant 0 : i32
    return %add3A_0, %c0_i32 : i32, i32
  }
  func.func @transform_4(%arg0: i32) -> (i32, i32) {
    %add3A = arith.constant 384 : i32
    %add3A_0 = arith.addi %add3A, %arg0 : i32
    %c0_i32 = arith.constant 0 : i32
    %c0_i32_1 = arith.constant 0 : i32
    return %add3A_0, %c0_i32 : i32, i32
  }
  func.func @transform_5(%arg0: i32) -> (i32, i32) {
    %c0_i32 = arith.constant 0 : i32
    %c0_i32_0 = arith.constant 0 : i32
    %c0_i32_1 = arith.constant 0 : i32
    return %c0_i32, %c0_i32_0 : i32, i32
  }
  func.func @transform_6(%arg0: i32) -> (i32, i32) {
    %c0_i32 = arith.constant 0 : i32
    %c0_i32_0 = arith.constant 0 : i32
    %c0_i32_1 = arith.constant 0 : i32
    return %c0_i32, %c0_i32_0 : i32, i32
  }
  func.func @transform_7(%arg0: i32) -> (i32, i32) {
    %c0_i32 = arith.constant 0 : i32
    %c0_i32_0 = arith.constant 0 : i32
    return %arg0, %c0_i32 : i32, i32
  }
}

module attributes {stable_mosaic.version = 14 : i64} {
  func.func @_conv_unpack_body(%arg0: i32, %arg1: memref<800x128xf32, #tpu.memory_space<vmem>>, %arg2: memref<800x128xf32, #tpu.memory_space<vmem>>, %arg3: memref<800x128xf32, #tpu.memory_space<vmem>>, %arg4: memref<800x128xf32, #tpu.memory_space<vmem>>, %arg5: memref<800x128xf32, #tpu.memory_space<vmem>>, %arg6: memref<640x128xf32, #tpu.memory_space<vmem>>, %arg7: memref<1x128xf32, #tpu.memory_space<vmem>>, %arg8: memref<16x6400xf32, #tpu.memory_space<vmem>>) attributes {dimension_semantics = [#tpu.dimension_semantics<arbitrary>], iteration_bounds = array<i64: 125>, scalar_prefetch = 0 : i64, scratch_operands = 0 : i64, tpu.core_type = #tpu.core_type<tc>, window_params = [{transform_indices = @transform_0, window_bounds = array<i64: 800, 128>}, {transform_indices = @transform_1, window_bounds = array<i64: 800, 128>}, {transform_indices = @transform_2, window_bounds = array<i64: 800, 128>}, {transform_indices = @transform_3, window_bounds = array<i64: 800, 128>}, {transform_indices = @transform_4, window_bounds = array<i64: 800, 128>}, {pipeline_mode = #tpu.pipeline_mode<synchronous>, transform_indices = @transform_5, window_bounds = array<i64: 640, 128>}, {pipeline_mode = #tpu.pipeline_mode<synchronous>, transform_indices = @transform_6, window_bounds = array<i64: 1, 128>}, {transform_indices = @transform_7, window_bounds = array<i64: 16, 6400>}]} {
    %get3A = arith.constant 0 : index
    %get3A_0 = arith.constant 0 : index
    %get3A_1 = vector.load %arg1[%get3A, %get3A_0] : memref<800x128xf32, #tpu.memory_space<vmem>>, vector<800x128xf32>
    %get3A_2 = arith.constant 0 : index
    %get3A_3 = arith.constant 0 : index
    %get3A_4 = vector.load %arg2[%get3A_2, %get3A_3] : memref<800x128xf32, #tpu.memory_space<vmem>>, vector<800x128xf32>
    %get3A_5 = arith.constant 0 : index
    %get3A_6 = arith.constant 0 : index
    %get3A_7 = vector.load %arg3[%get3A_5, %get3A_6] : memref<800x128xf32, #tpu.memory_space<vmem>>, vector<800x128xf32>
    %get3A_8 = arith.constant 0 : index
    %get3A_9 = arith.constant 0 : index
    %get3A_10 = vector.load %arg4[%get3A_8, %get3A_9] : memref<800x128xf32, #tpu.memory_space<vmem>>, vector<800x128xf32>
    %get3A_11 = arith.constant 0 : index
    %get3A_12 = arith.constant 0 : index
    %get3A_13 = vector.load %arg5[%get3A_11, %get3A_12] : memref<800x128xf32, #tpu.memory_space<vmem>>, vector<800x128xf32>
    %add3A = arith.addf %get3A_4, %get3A_10 : vector<800x128xf32>
    %add3A_14 = arith.addf %get3A_7, %get3A_13 : vector<800x128xf32>
    %sub3A = arith.subf %get3A_4, %get3A_10 : vector<800x128xf32>
    %abs3A = math.absf %sub3A : vector<800x128xf32>
    %sub3A_15 = arith.subf %get3A_7, %get3A_13 : vector<800x128xf32>
    %abs3A_16 = math.absf %sub3A_15 : vector<800x128xf32>
    %concatenate3A = tpu.concatenate %get3A_1, %add3A, %add3A_14, %abs3A, %abs3A_16 in 1 : vector<800x128xf32>, vector<800x128xf32>, vector<800x128xf32>, vector<800x128xf32>, vector<800x128xf32> -> vector<800x640xf32>
    %get3A_17 = arith.constant 0 : index
    %get3A_18 = arith.constant 0 : index
    %get3A_19 = vector.load %arg6[%get3A_17, %get3A_18] : memref<640x128xf32, #tpu.memory_space<vmem>>, vector<640x128xf32>
    %dot_general3A = arith.constant dense<0.000000e+00> : vector<800x128xf32>
    %dot_general3A_20 = tpu.matmul %concatenate3A, %get3A_19, %dot_general3A {dimension_numbers = #tpu.dot_dimension_numbers<[1], [0], [0], [1], [0, 0, 1, 1], [], []>, transpose_lhs_hint = false} : vector<800x640xf32>, vector<640x128xf32>, vector<800x128xf32> -> vector<800x128xf32>
    %get3A_21 = arith.constant 0 : index
    %get3A_22 = arith.constant 0 : index
    %get3A_23 = vector.load %arg7[%get3A_21, %get3A_22] : memref<1x128xf32, #tpu.memory_space<vmem>>, vector<1x128xf32>
    %add3A_24 = vector.broadcast %get3A_23 : vector<1x128xf32> to vector<800x128xf32>
    %add3A_25 = arith.addf %dot_general3A_20, %add3A_24 : vector<800x128xf32>
    %max3A = arith.constant 0.000000e+00 : f32
    %max3A_26 = vector.broadcast %max3A : f32 to vector<800x128xf32>
    %max3A_27 = arith.maximumf %add3A_25, %max3A_26 : vector<800x128xf32>
    %slice3A = vector.extract_strided_slice %max3A_27 {offsets = [0, 0], sizes = [800, 16], strides = [1, 1]} : vector<800x128xf32> to vector<800x16xf32>
    %slice3A_28 = vector.extract_strided_slice %max3A_27 {offsets = [0, 16], sizes = [800, 16], strides = [1, 1]} : vector<800x128xf32> to vector<800x16xf32>
    %slice3A_29 = vector.extract_strided_slice %max3A_27 {offsets = [0, 32], sizes = [800, 16], strides = [1, 1]} : vector<800x128xf32> to vector<800x16xf32>
    %slice3A_30 = vector.extract_strided_slice %max3A_27 {offsets = [0, 48], sizes = [800, 16], strides = [1, 1]} : vector<800x128xf32> to vector<800x16xf32>
    %slice3A_31 = vector.extract_strided_slice %max3A_27 {offsets = [0, 64], sizes = [800, 16], strides = [1, 1]} : vector<800x128xf32> to vector<800x16xf32>
    %slice3A_32 = vector.extract_strided_slice %max3A_27 {offsets = [0, 80], sizes = [800, 16], strides = [1, 1]} : vector<800x128xf32> to vector<800x16xf32>
    %slice3A_33 = vector.extract_strided_slice %max3A_27 {offsets = [0, 96], sizes = [800, 16], strides = [1, 1]} : vector<800x128xf32> to vector<800x16xf32>
    %slice3A_34 = vector.extract_strided_slice %max3A_27 {offsets = [0, 112], sizes = [800, 16], strides = [1, 1]} : vector<800x128xf32> to vector<800x16xf32>
    %stack3A = vector.shape_cast %slice3A : vector<800x16xf32> to vector<800x1x16xf32>
    %stack3A_35 = vector.shape_cast %slice3A_28 : vector<800x16xf32> to vector<800x1x16xf32>
    %stack3A_36 = vector.shape_cast %slice3A_29 : vector<800x16xf32> to vector<800x1x16xf32>
    %stack3A_37 = vector.shape_cast %slice3A_30 : vector<800x16xf32> to vector<800x1x16xf32>
    %stack3A_38 = vector.shape_cast %slice3A_31 : vector<800x16xf32> to vector<800x1x16xf32>
    %stack3A_39 = vector.shape_cast %slice3A_32 : vector<800x16xf32> to vector<800x1x16xf32>
    %stack3A_40 = vector.shape_cast %slice3A_33 : vector<800x16xf32> to vector<800x1x16xf32>
    %stack3A_41 = vector.shape_cast %slice3A_34 : vector<800x16xf32> to vector<800x1x16xf32>
    %stack3A_42 = tpu.concatenate %stack3A, %stack3A_35, %stack3A_36, %stack3A_37, %stack3A_38, %stack3A_39, %stack3A_40, %stack3A_41 in 1 : vector<800x1x16xf32>, vector<800x1x16xf32>, vector<800x1x16xf32>, vector<800x1x16xf32>, vector<800x1x16xf32>, vector<800x1x16xf32>, vector<800x1x16xf32>, vector<800x1x16xf32> -> vector<800x8x16xf32>
    %reshape3A = vector.shape_cast %stack3A_42 : vector<800x8x16xf32> to vector<6400x16xf32>
    %transpose3A = tpu.transpose %reshape3A, [1, 0] : vector<6400x16xf32> -> vector<16x6400xf32>
    %swap3A = arith.constant 0 : index
    %swap3A_43 = arith.constant 0 : index
    %swap3A_44 = vector.load %arg8[%swap3A, %swap3A_43] : memref<16x6400xf32, #tpu.memory_space<vmem>>, vector<16x6400xf32>
    tpu.vector_store %arg8[%swap3A, %swap3A_43], %transpose3A {strides = array<i32>} : memref<16x6400xf32, #tpu.memory_space<vmem>>, vector<16x6400xf32>,
    return
  }
  func.func @transform_0(%arg0: i32) -> (i32, i32) {
    %c0_i32 = arith.constant 0 : i32
    %c0_i32_0 = arith.constant 0 : i32
    return %arg0, %c0_i32 : i32, i32
  }
  func.func @transform_1(%arg0: i32) -> (i32, i32) {
    %add3A = arith.constant 0 : i32
    %add3A_0 = arith.addi %add3A, %arg0 : i32
    %c0_i32 = arith.constant 0 : i32
    %c0_i32_1 = arith.constant 0 : i32
    return %add3A_0, %c0_i32 : i32, i32
  }
  func.func @transform_2(%arg0: i32) -> (i32, i32) {
    %add3A = arith.constant 128 : i32
    %add3A_0 = arith.addi %add3A, %arg0 : i32
    %c0_i32 = arith.constant 0 : i32
    %c0_i32_1 = arith.constant 0 : i32
    return %add3A_0, %c0_i32 : i32, i32
  }
  func.func @transform_3(%arg0: i32) -> (i32, i32) {
    %add3A = arith.constant 256 : i32
    %add3A_0 = arith.addi %add3A, %arg0 : i32
    %c0_i32 = arith.constant 0 : i32
    %c0_i32_1 = arith.constant 0 : i32
    return %add3A_0, %c0_i32 : i32, i32
  }
  func.func @transform_4(%arg0: i32) -> (i32, i32) {
    %add3A = arith.constant 384 : i32
    %add3A_0 = arith.addi %add3A, %arg0 : i32
    %c0_i32 = arith.constant 0 : i32
    %c0_i32_1 = arith.constant 0 : i32
    return %add3A_0, %c0_i32 : i32, i32
  }
  func.func @transform_5(%arg0: i32) -> (i32, i32) {
    %c0_i32 = arith.constant 0 : i32
    %c0_i32_0 = arith.constant 0 : i32
    %c0_i32_1 = arith.constant 0 : i32
    return %c0_i32, %c0_i32_0 : i32, i32
  }
  func.func @transform_6(%arg0: i32) -> (i32, i32) {
    %c0_i32 = arith.constant 0 : i32
    %c0_i32_0 = arith.constant 0 : i32
    %c0_i32_1 = arith.constant 0 : i32
    return %c0_i32, %c0_i32_0 : i32, i32
  }
  func.func @transform_7(%arg0: i32) -> (i32, i32) {
    %c0_i32 = arith.constant 0 : i32
    %c0_i32_0 = arith.constant 0 : i32
    return %c0_i32, %arg0 : i32, i32
  }
}

</mosaic_0001>

<sc_bundles>
// kernel: kernel.10.cloned.1.call-start
scs
__scs_entry_jumppad:
0x0: {  	(pc) =	sbr.rel $0x88, $3  }
0x1: {  	(tag) =	ssettag $0x0;
	lr =	simm.s32 $0x1  }
0x2: {  	[smem:$0x3F9B] =	sst lr;
	_ =	strace $0xD0000000  }
0x3: {  	_ = 	snop  }
0x4: {  	_ = 	snop  }
0x5: {  	_ = 	snop  }
0x6: {  	_ = 	snop  }
0x7: {  	_ = 	snop  }
__scs_overlays_trampoline_lowered:
0x8: {  	[smem:$0x3FAA] =	sst s0  }
0x9: {  	[smem:$0x3FAB] =	sst s1  }
0xa: {  	[smem:$0x3FAC] =	sst s2  }
0xb: {  	[smem:$0x3FAD] =	sst s3  }
0xc: {  	[smem:$0x3FAE] =	sst s4  }
0xd: {  	[smem:$0x3FAF] =	sst s5  }
0xe: {  	[smem:$0x3FB0] =	sst s6  }
0xf: {  	[smem:$0x3FB1] =	sst s7  }
0x10: {  	[smem:$0x3FB2] =	sst s8  }
0x11: {  	[smem:$0x3FB3] =	sst s9;
	s0 =	simm.s32 @!p0 $0x0  }
0x12: {  	s1 =	sld [smem:$0x3F99];
	s0 =	simm.s32 @p0 $0x1  }
0x13: {  	[smem:$0x3FB4] =	sst s0;
	s0 =	simm.s32 @!p1 $0x0  }
0x14: {  	s2 =	sld [smem:$0x3F98];
	s0 =	simm.s32 @p1 $0x1  }
0x15: {  	[smem:$0x3FB5] =	sst s0;
	s0 =	simm.s32 @!p2 $0x0  }
0x16: {  	s3 =	sld [smem:$0x3FDB];
	s0 =	simm.s32 @p2 $0x1  }
0x17: {  	s4 =	simm.s32 $0x1BF5;
	[smem:$0x3FB7] =	sst s0  }
0x18: {  	s0 =	sld [smem:$0x3F9A];
	_ =	swait.ge [sflag:s4], $0x0  }
0x19: {  	s7 =	sld [smem:$0x3F9B]  }
0x1a: {  	s8 =	sadd.s32 $0xFFFFE003, lr  }
0x1b: {  	s9 =	sadd.s32 $0xFFFFFEF7, lr;
	s5 =	simm.s32 $0xFFFFFFFF;
	p2 =	slt.u32 s8, $0xFFFFF086  }
0x1c: {  	p1 =	slt.u32 s9, $0xF7A;
	s5 =	simm.s32 @!p2 $0x0  }
0x1d: {  	s5 =	simm.s32 @p1 $0x1;
	p0 =	seq.s32 s7, s2  }
0x1e: {  	s7 =	smul.u32 @!p0 $0xF7A, s2;
	p2 =	seq.s32 @!p0 s5, $0x0  }
0x1f: {  	s9 =	smul.u32 $0xF7A, s1;
	s8 =	simm.s32 @!p0 $0x1BF5;
	p2 =	por !p2, p0  }
0x20: {  	[sflag:s8] =	ssyncset.s32 @!p0 $0xFFFFF086;
	s6 =	sadd.s32 @!p0 s3, s7;
	s7 =	simm.s32 @!p0 $0x108  }
0x21: {  	s3 =	sadd.s32 s3, s9;
	s6 =	sadd.s32 @!p0 $0x88, s6;
	s7 =	simm.s32 @p2 $0x1082  }
0x22: {  	[simem:s7], [sflag:s8] =	dma.local @!p0 [hbm:s6], $0xF7A  }
0x23: {  	s9 =	sor.u32 $0xD0000000, s2;
	s6 =	simm.s32 $0x108;
	_ =	swait.ge @!p0 [sflag:s8], $0x0  }
0x24: {  	s3 =	sadd.s32 $0x88, s3;
	s6 =	simm.s32 @!p1 $0x1082;
	[sflag:s4] =	ssyncset.s32 $0xFFFFF086  }
0x25: {  	[simem:s6], [sflag:s4] =	dma.local [hbm:s3], $0xF7A  }
0x26: {  	[smem:$0x3F9B] =	sst s1;
	(tag) =	ssettag s2;
	_ =	strace s9  }
0x27: {  	s1 =	sld [smem:$0x3FAB]  }
0x28: {  	s2 =	sld [smem:$0x3FAC]  }
0x29: {  	s4 =	sld [smem:$0x3FAE]  }
0x2a: {  	p0 =	seq.s32 s5, $0x0;
	s5 =	sld [smem:$0x3FAF]  }
0x2b: {  	s6 =	sld [smem:$0x3FB0]  }
0x2c: {  	s7 =	sld [smem:$0x3FB1]  }
0x2d: {  	s3 =	simm.s32 $0x108;
	s8 =	sld [smem:$0x3FB2]  }
0x2e: {  	s3 =	simm.s32 @!p0 $0x1082;
	s9 =	sld [smem:$0x3FB3]  }
0x2f: {  	lr =	sadd.s32 s0, s3;
	s0 =	sld [smem:$0x3FAA]  }
0x30: {  	s3 =	sld [smem:$0x3FAD]  }
0x31: {  	[smem:$0x3FB6] =	sst s10  }
0x32: {  	s10 =	sld [smem:$0x3FB4];
	_ =	sdelay $0x3  }
0x33: {  	p0 =	seq.s32 s10, $0x1;
	s10 =	sld [smem:$0x3FB6];
	_ =	sdelay $0x3  }
0x34: {  	[smem:$0x3FB6] =	sst s10  }
0x35: {  	s10 =	sld [smem:$0x3FB5];
	_ =	sdelay $0x3  }
0x36: {  	p1 =	seq.s32 s10, $0x1;
	s10 =	sld [smem:$0x3FB6];
	_ =	sdelay $0x3  }
0x37: {  	[smem:$0x3FB6] =	sst s10  }
0x38: {  	s10 =	sld [smem:$0x3FB7]  }
0x39: {  	_ = 	snop;
	(pc) =	sbr.ind lr, $3  }
0x3a: {  	_ = 	snop  }
0x3b: {  	_ = 	snop  }
0x3c: {  	p2 =	seq.s32 s10, $0x1;
	s10 =	sld [smem:$0x3FB6]  }
0x3d: {  	_ =	shalt  }
0x3e: {  	_ =	shalt  }
0x3f: {  	_ =	shalt  }
0x40: {  	_ =	shalt  }
0x41: {  	_ =	shalt  }
0x42: {  	_ =	shalt  }
0x43: {  	_ =	shalt  }
0x44: {  	_ =	shalt  }
0x45: {  	_ =	shalt  }
0x46: {  	_ =	shalt  }
0x47: {  	_ =	shalt  }
0x48: {  	_ =	shalt  }
0x49: {  	_ =	shalt  }
0x4a: {  	_ =	shalt  }
0x4b: {  	_ =	shalt  }
0x4c: {  	_ =	shalt  }
0x4d: {  	_ =	shalt  }
0x4e: {  	_ =	shalt  }
0x4f: {  	_ =	shalt  }
0x50: {  	_ =	shalt  }
0x51: {  	_ =	shalt  }
0x52: {  	_ =	shalt  }
0x53: {  	_ =	shalt  }
0x54: {  	_ =	shalt  }
0x55: {  	_ =	shalt  }
0x56: {  	_ =	shalt  }
0x57: {  	_ =	shalt  }
0x58: {  	_ =	shalt  }
0x59: {  	_ =	shalt  }
0x5a: {  	_ =	shalt  }
0x5b: {  	_ =	shalt  }
0x5c: {  	_ =	shalt  }
0x5d: {  	_ =	shalt  }
0x5e: {  	_ =	shalt  }
0x5f: {  	_ =	shalt  }
0x60: {  	_ =	shalt  }
0x61: {  	_ =	shalt  }
0x62: {  	_ =	shalt  }
0x63: {  	_ =	shalt  }
0x64: {  	_ =	shalt  }
0x65: {  	_ =	shalt  }
0x66: {  	_ =	shalt  }
0x67: {  	_ =	shalt  }
0x68: {  	_ =	shalt  }
0x69: {  	_ =	shalt  }
0x6a: {  	_ =	shalt  }
0x6b: {  	_ =	shalt  }
0x6c: {  	_ =	shalt  }
0x6d: {  	_ =	shalt  }
0x6e: {  	_ =	shalt  }
0x6f: {  	_ =	shalt  }
0x70: {  	_ =	shalt  }
0x71: {  	_ =	shalt  }
0x72: {  	_ =	shalt  }
0x73: {  	_ =	shalt  }
0x74: {  	_ =	shalt  }
0x75: {  	_ =	shalt  }
0x76: {  	_ =	shalt  }
0x77: {  	_ =	shalt  }
0x78: {  	_ =	shalt  }
0x79: {  	_ =	shalt  }
0x7a: {  	_ =	shalt  }
0x7b: {  	_ =	shalt  }
0x7c: {  	_ =	shalt  }
0x7d: {  	_ =	shalt  }
0x7e: {  	_ =	shalt  }
0x7f: {  	_ =	shalt  }
0x80: {  	_ =	shalt  }
0x81: {  	_ =	shalt  }
0x82: {  	_ =	shalt  }
0x83: {  	_ =	shalt  }
0x84: {  	_ =	shalt  }
0x85: {  	_ =	shalt  }
0x86: {  	_ =	shalt  }
0x87: {  	_ =	shalt  }
.Lfunc_end0:
.L_simem_size_0:
called_computation.1_lowered:
.L_overlay_start_0:
0x88: {  	s2 =	sld [smem:$0x3FD9]  }
0x89: {  	s3 =	sld [smem:$0x3FFE];
	_ =	sdelay $0x1  }
0x8a: {  	s1 =	srdreg.scid  }
0x8b: {  	s0 =	sand.u32 $0x1, s1  }
0x8c: {  	s16 =	sshll.u32 s0, $0xA;
	s2 =	sadd.s32 s3, s2  }
0x8d: {  	s2 =	sadd.s32 s2, s16  }
0x8e: {  	[smem:$0x3FC2] =	sst s2  }
0x8f: {  	_ = 	snop  }
0x90: {  	(tm) =	ssettm $0x1  }
0x91: {  	s17 =	sld [smem:$0x3FFB];
	_ =	sdelay $0x3  }
0x92: {  	_ =	strace s17  }
0x93: {  	s2 =	sld [smem:$0x3FFC];
	_ =	sdelay $0x3  }
0x94: {  	_ =	strace s2  }
0x95: {  	s2 =	sld [smem:$0x3FFD];
	_ =	sdelay $0x3  }
0x96: {  	_ =	strace s2  }
0x97: {  	_ =	strace $0x8FFFFFFF  }
0x98: {  	s18 =	sld [smem:$0x3FDB];
	_ =	sdelay $0x1  }
0x99: {  	s19 =	simm.s32 $_scs_section_size  }
0x9a: {  	s4 =	simm.s32 $_size__tile_overlayer_lowered;
	s5 =	simm.s32 $_tile_overlayer_lowered  }
0x9b: {  	s22 =	simm.s32 $0x1BFF;
	s21 =	sshll.u32 s5, $0x1;
	s2 =	sadd.s32 s19, s18  }
0x9c: {  	s6 =	simm.s32 $0x0;
	s20 =	sshll.u32 s4, $0x1;
	s4 =	sadd.s32 s21, s2  }
0x9d: {  	[timem:s6], [sflag:s22] =	dma.local [hbm:s4], s20  }
0x9e: {  	_ =	swait.ge [sflag:s22], s20  }
0x9f: {  	s3 =	ssub.s32 $0x0, s20;
	[sflag:s22] =	ssyncset.done $0x0  }
0xa0: {  	[sflag:s22] =	ssyncadd.s32 s3;
	_ =	sdelay $0x1  }
0xa1: {  	s23 =	simm.s32 $0x1B8B  }
0xa2: {  	_ =	swait.ge [sflag:s23], $0x1  }
0xa3: {  	[sflag:s23] =	ssyncset.done $0x0  }
0xa4: {  	s25 =	simm.s32 $0x1B8E;
	s24 =	sld [smem:$0x3FFE];
	[sflag:s23] =	ssyncadd.s32 $0xFFFFFFFF  }
0xa5: {  	s26 =	simm.s32 $execute0_lowered;
	[smem:$0x3FD2] =	sst s25  }
0xa6: {  	s4 =	sshll.u32 s26, $0x1;
	_ =	strace $0x80000049;
	[dreg:$0x1] =	wrdreg $0xFFFFFFFF  }
0xa7: {  	s28 =	simm.s32 $_size_execute0_lowered;
	s2 =	sadd.s32 s2, s4;
	[dreg:$0x0] =	wrdreg $0x0  }
0xa8: {  	s4 =	sshll.u32 s28, $0x1;
	[dreg:$0x2] =	wrdreg s2  }
0xa9: {  	[dreg:$0x3] =	wrdreg s4  }
0xaa: {  	[dreg:$0x4] =	wrdreg $0xC0  }
0xab: {  	_ =	task [dreg:s6], $0x5FFFF  }
0xac: {  	[dreg:$0x1] =	wrdreg $0xFFFFFFFF  }
0xad: {  	[dreg:$0x0] =	wrdreg $0x60  }
0xae: {  	[dreg:$0x2] =	wrdreg s24  }
0xaf: {  	[dreg:$0x3] =	wrdreg $0x9  }
0xb0: {  	_ =	task.clear_ibuf [dreg:s6], $0x4FFFF;
	_ =	strace $0x90000049  }
0xb1: {  	s29 =	simm.s32 $0x9;
	_ =	strace $0x8000004B  }
0xb2: {  	_ =	swait.ge [sflag:s29], $0x1  }
0xb3: {  	[sflag:s29] =	ssyncadd.s32 $0xFFFFFFFF  }
0xb4: {  	_ =	strace $0x9000004B  }
0xb5: {  	_ =	sfence  }
0xb6: {  	s30 =	sld [smem:$0x0];
	_ =	sdelay $0x2  }
0xb7: {  	s31 =	sshll.u32 s1, $0xD;
	s1 =	sshrl.u32 s1, $0x2  }
0xb8: {  	s3 =	sand.u32 $0x4000, s31;
	s1 =	sadd.s32 s1, s30  }
0xb9: {  	s0 =	sor.u32 s3, s0;
	s1 =	sshll.u32 s1, $0x11  }
0xba: {  	s0 =	sor.u32 s1, s0  }
0xbb: {  	s0 =	sadd.s32 $0x8F2B, s0  }
0xbc: {  	[sflag:s0] =	ssyncadd.remote.s32 $0x1  }
0xbd: {  	_ =	sfence.sel $0xFFFF  }
0xbe: {  	[dreg:$0x0] =	wrdreg $0xFFFFFFFF;
	(pc) =	sbr.abs _section_cstart, $3  }
0xbf: {  	[dreg:$0x1] =	wrdreg $0xFFFFFFFF  }
0xc0: {  	_ =	task.clear_ibuf [dreg:s6], $0x2FFFF;
	_ =	strace $0x9FFFFFFF  }
0xc1: {  	(tm) =	ssettm $0x7FFFFFFF  }
tec
execute0_lowered:
.L_overlay_start_1:
0x0: {  	(tag) =	ssettag $0x1  }
0x1: {  	s0 =	srdreg.scid  }
0x2: {  	s4 =	simm.s32 $0x0;
	s11 =	sand.u32 $0x1, s0;
	s0 =	rddreg [dreg:$0x0]  }
0x3: {  	s30 =	simm.s32 $0x1800;
	[smem:$0x7FF] =	sst s4  }
0x4: {  	s31 =	simm.s32 $0x100;
	_ =	strace $0x8000004A;
	[dreg:$0x4] =	wrdreg s30  }
0x5: {  	s9 =	simm.s32 $0x2800;
	[dreg:$0x5] =	wrdreg s31  }
0x6: {  	s12 =	simm.s32 $0x200;
	[dreg:$0x8] =	wrdreg s9  }
0x7: {  	s13 =	simm.s32 $0x3000;
	[dreg:$0x9] =	wrdreg s12  }
0x8: {  	s14 =	simm.s32 $0x280;
	[dreg:$0xa] =	wrdreg s13  }
0x9: {  	s15 =	simm.s32 $0x3800;
	[dreg:$0xb] =	wrdreg s14  }
0xa: {  	s16 =	simm.s32 $0x300;
	[dreg:$0xc] =	wrdreg s15  }
0xb: {  	s17 =	simm.s32 $0x4000;
	[dreg:$0xd] =	wrdreg s16  }
0xc: {  	s18 =	simm.s32 $0x380;
	[dreg:$0xe] =	wrdreg s17  }
0xd: {  	s19 =	simm.s32 $0x4800;
	[dreg:$0xf] =	wrdreg s18  }
0xe: {  	s20 =	simm.s32 $0x400;
	[dreg:$0x10] =	wrdreg s19  }
0xf: {  	s21 =	simm.s32 $0x5000;
	[dreg:$0x11] =	wrdreg s20  }
0x10: {  	s22 =	simm.s32 $0x480;
	[dreg:$0x12] =	wrdreg s21  }
0x11: {  	s23 =	simm.s32 $0x5800;
	[dreg:$0x13] =	wrdreg s22  }
0x12: {  	s24 =	simm.s32 $0x500;
	[dreg:$0x14] =	wrdreg s23  }
0x13: {  	s25 =	simm.s32 $0x6000;
	[dreg:$0x15] =	wrdreg s24  }
0x14: {  	s2 =	stileid.u32;
	s26 =	simm.s32 $0x580;
	[dreg:$0x16] =	wrdreg s25  }
0x15: {  	s28 =	simm.s32 $0x6800;
	s29 =	sshll.u32 s2, $0x1;
	[dreg:$0x17] =	wrdreg s26  }
0x16: {  	s7 =	sor.u32 s11, s29;
	[dreg:$0x18] =	wrdreg s28;
	s29 =	simm.s32 $0x600  }
0x17: {  	s30 =	simm.s32 $0x7000;
	[dreg:$0x19] =	wrdreg s29  }
0x18: {  	s31 =	simm.s32 $0x680;
	[dreg:$0x1a] =	wrdreg s30  }
0x19: {  	s9 =	simm.s32 $0x8000;
	[dreg:$0x1b] =	wrdreg s31  }
0x1a: {  	s12 =	simm.s32 $0x780;
	[dreg:$0x1e] =	wrdreg s9  }
0x1b: {  	s13 =	simm.s32 $0x8800;
	[dreg:$0x1f] =	wrdreg s12  }
0x1c: {  	s14 =	simm.s32 $0x800;
	[smem:$0x7D9] =	sst s13  }
0x1d: {  	s15 =	simm.s32 $0x880;
	[smem:$0x7DA] =	sst s14  }
0x1e: {  	s16 =	simm.s32 $0x9800;
	[smem:$0x7DB] =	sst s15  }
0x1f: {  	s17 =	simm.s32 $0x900;
	[smem:$0x7DC] =	sst s16  }
0x20: {  	s18 =	simm.s32 $0xA000;
	[smem:$0x7DD] =	sst s17  }
0x21: {  	s19 =	simm.s32 $0x980;
	[smem:$0x7DE] =	sst s18  }
0x22: {  	s20 =	simm.s32 $0xA800;
	[smem:$0x7DF] =	sst s19  }
0x23: {  	s21 =	simm.s32 $0xA00;
	[smem:$0x7E0] =	sst s20  }
0x24: {  	s22 =	simm.s32 $0xB000;
	[smem:$0x7E1] =	sst s21  }
0x25: {  	s24 =	simm.s32 $0xA80;
	[smem:$0x7E2] =	sst s22  }
0x26: {  	s25 =	simm.s32 $0xB800;
	[smem:$0x7E3] =	sst s24  }
0x27: {  	s26 =	simm.s32 $0xB00;
	[smem:$0x7E4] =	sst s25  }
0x28: {  	s28 =	simm.s32 $0xC000;
	[smem:$0x7E5] =	sst s26  }
0x29: {  	[smem:$0x7E6] =	sst s28;
	s29 =	simm.s32 $0xB80  }
0x2a: {  	s30 =	simm.s32 $0xC800;
	[smem:$0x7E7] =	sst s29  }
0x2b: {  	s31 =	simm.s32 $0xC00;
	[smem:$0x7E9] =	sst s30  }
0x2c: {  	s12 =	simm.s32 $0xD800;
	[smem:$0x7EB] =	sst s31  }
0x2d: {  	s3 =	simm.s32 $0x0;
	s15 =	simm.s32 $0xD00;
	[smem:$0x7EE] =	sst s12  }
0x2e: {  	s5 =	smul.u32 $0x32000, s2;
	s17 =	simm.s32 $0xE000;
	[smem:$0x7EF] =	sst s15  }
0x2f: {  	s10 =	sadd.s32 $0x1400, s0;
	s18 =	simm.s32 $0xD80;
	[smem:$0x7F1] =	sst s17  }
0x30: {  	s6 =	smul.u32 $0x19000, s11;
	s20 =	simm.s32 $0xE800;
	[smem:$0x7F2] =	sst s18  }
0x31: {  	s23 =	ssub.s32 $0x2, s11;
	s21 =	simm.s32 $0xE00;
	[smem:$0x7F4] =	sst s20  }
0x32: {  	s1 =	smul.u32 $0x3200, s7;
	s25 =	simm.s32 $0xE80;
	[smem:$0x7F5] =	sst s21  }
0x33: {  	s13 =	sadd.s32 $0x65400, s0;
	s26 =	simm.s32 $0xF800;
	[smem:$0x7F7] =	sst s25  }
0x34: {  	s9 =	sshrl.u32 s23, $0x1;
	s28 =	simm.s32 $0xF00;
	[smem:$0x7F9] =	sst s26  }
0x35: {  	s7 =	smul.u32 $0x190000, s7;
	[smem:$0x7FA] =	sst s28;
	s29 =	simm.s32 $0x10000  }
0x36: {  	s14 =	smul.u32 $0x320000, s2;
	s30 =	simm.s32 $0xF80;
	[smem:$0x7FB] =	sst s29  }
0x37: {  	s31 =	simm.s32 $0x10800;
	s4 =	sadd.s32 s10, s1;
	[smem:$0x7FC] =	sst s30  }
0x38: {  	s1 =	sadd.s32 s6, s5;
	s6 =	simm.s32 $0x2000;
	[smem:$0x7FD] =	sst s31  }
0x39: {  	s16 =	smul.u32 $0x190000, s11;
	s8 =	sadd.s32 $0x100, s4;
	[dreg:$0x6] =	wrdreg s6  }
0x3a: {  	s22 =	smul.u32 $0x64000, s2;
	s5 =	sadd.s32 $0x1000, s1;
	[dreg:$0x2] =	wrdreg s8  }
0x3b: {  	s7 =	sshrl.u32 s7, $0x3;
	s6 =	simm.s32 $0x7800;
	[dreg:$0x3] =	wrdreg s5  }
0x3c: {  	s7 =	sadd.s32 s13, s7;
	s8 =	simm.s32 $0x180;
	[dreg:$0x1c] =	wrdreg s6  }
0x3d: {  	s1 =	sor.u32 $0x800, s1;
	s7 =	sadd.s32 $0x31000, s7;
	[dreg:$0x7] =	wrdreg s8  }
0x3e: {  	s1 =	sshrl.u32 s1, $0x3;
	s8 =	simm.s32 $0x700;
	[smem:$0x7E8] =	sst s7  }
0x3f: {  	s19 =	sadd.s32 s16, s14;
	s1 =	sadd.s32 s1, s10;
	[dreg:$0x1d] =	wrdreg s8  }
0x40: {  	s8 =	ssub.s32 s23, s9;
	s9 =	simm.s32 $0xC80;
	[smem:$0x7F0] =	sst s1  }
0x41: {  	s24 =	smul.u32 $0x32000, s11;
	s1 =	sadd.s32 $0xFFFF8000, s19;
	[smem:$0x7ED] =	sst s9  }
0x42: {  	s11 =	simm.s32 $0x3;
	s23 =	simm.s32 $0xF000;
	[smem:$0x7F3] =	sst s1  }
0x43: {  	s2 =	simm.s32 $0x0;
	s6 =	smax.u32 s8, $0x1;
	[smem:$0x7F6] =	sst s23  }
0x44: {  	s8 =	simm.s32 $0xD000;
	s1 =	sadd.s32 s22, s13;
	[smem:$0x7EA] =	sst s6  }
0x45: {  	s12 =	simm.s32 $0x80;
	[smem:$0x7EC] =	sst s8;
	s1 =	sadd.s32 s24, s1  }
0x46: {  	s15 =	simm.s32 $0x1000;
	s5 =	sadd.s32 $0x82BE00, s0;
	[smem:$0x7F8] =	sst s1  }
.LBB2_1:
0x47: {  	p0 =	por $0x1, $0x1  }
0x48: {  	[smem:$0x7D8] =	sst s2;
	s0 =	simm.s32 @p0 $0x0;
	s1 =	simm.s32 @!p0 $0x5  }
0x49: {  	[tilespmem:s0], [sflag:$0x7] =	stream.linear.gather @p0 [hbm4b:s4+s0], $0x800, $0x38;
	[tilespmem:$0x11000] =	vst v63  }
0x4a: {  	_ =	swait.ge @!p0 [sflag:s1], $0x8000  }
0x4b: {  	s7 =	simm.s32 @!p0 $0x1;
	[sflag:s1] =	ssyncset.done @!p0 $0x0  }
0x4c: {  	s7 =	simm.s32 @p0 $0x7;
	[sflag:s1] =	ssyncadd.s32 @!p0 $0xFFFF8000  }
0x4d: {  	_ =	swait.ge [sflag:s7], $0x800  }
0x4e: {  	s6 =	rddreg [dreg:$0xb]  }
0x4f: {  	s8 =	rddreg [dreg:$0x1e]  }
0x50: {  	s9 =	rddreg [dreg:$0xc]  }
0x51: {  	s16 =	rddreg [dreg:$0x1a]  }
0x52: {  	s17 =	rddreg [dreg:$0x9]  }
0x53: {  	s18 =	rddreg [dreg:$0x16]  }
0x54: {  	s20 =	rddreg [dreg:$0x7]  }
0x55: {  	s21 =	rddreg [dreg:$0x12]  }
0x56: {  	s22 =	rddreg [dreg:$0xe]  }
0x57: {  	s23 =	rddreg [dreg:$0xa]  }
0x58: {  	s24 =	rddreg [dreg:$0x5]  }
0x59: {  	s25 =	rddreg [dreg:$0x4]  }
0x5a: {  	[sflag:s7] =	ssyncset.done $0x0;
	s26 =	rddreg [dreg:$0x8]  }
0x5b: {  	s14 =	rddreg [dreg:$0x6];
	[sflag:s7] =	ssyncadd.s32 $0xFFFFF800  }
0x5c: {  	[tilespmem:s15], [sflag:$0x3] =	stream.indirect.gather [hbm4b:s5+s12], $0x10, s3, s12, $0xb8;
	[tilespmem:$0x11000] =	vst v63  }
0x5d: {  	s28 =	rddreg [dreg:$0xd]  }
0x5e: {  	[tilespmem:s25], [sflag:$0x3] =	stream.indirect.gather [hbm4b:s5+s12], $0x10, s12, s12, $0xb8;
	[tilespmem:$0x11000] =	vst v63  }
0x5f: {  	s29 =	rddreg [dreg:$0x10]  }
0x60: {  	[tilespmem:s14], [sflag:$0x3] =	stream.indirect.gather [hbm4b:s5+s12], $0x10, s24, s12, $0xb8;
	[tilespmem:$0x11000] =	vst v63  }
0x61: {  	s19 =	rddreg [dreg:$0x11]  }
0x62: {  	[tilespmem:s26], [sflag:$0x3] =	stream.indirect.gather [hbm4b:s5+s12], $0x10, s20, s12, $0xb8;
	[tilespmem:$0x11000] =	vst v63  }
0x63: {  	s2 =	rddreg [dreg:$0x15]  }
0x64: {  	[tilespmem:s23], [sflag:$0x3] =	stream.indirect.gather [hbm4b:s5+s12], $0x10, s17, s12, $0xb8;
	[tilespmem:$0x11000] =	vst v63  }
0x65: {  	s15 =	rddreg [dreg:$0xf]  }
0x66: {  	[tilespmem:s9], [sflag:$0x3] =	stream.indirect.gather [hbm4b:s5+s12], $0x10, s6, s12, $0xb8;
	[tilespmem:$0x11000] =	vst v63  }
0x67: {  	s3 =	rddreg [dreg:$0x18]  }
0x68: {  	[tilespmem:s22], [sflag:$0x3] =	stream.indirect.gather [hbm4b:s5+s12], $0x10, s28, s12, $0xb8;
	[tilespmem:$0x11000] =	vst v63  }
0x69: {  	s24 =	rddreg [dreg:$0x14]  }
0x6a: {  	[tilespmem:s29], [sflag:$0x3] =	stream.indirect.gather [hbm4b:s5+s12], $0x10, s15, s12, $0xb8;
	[tilespmem:$0x11000] =	vst v63  }
0x6b: {  	s14 =	rddreg [dreg:$0x19]  }
0x6c: {  	[tilespmem:s21], [sflag:$0x3] =	stream.indirect.gather [hbm4b:s5+s12], $0x10, s19, s12, $0xb8;
	[tilespmem:$0x11000] =	vst v63  }
0x6d: {  	s26 =	rddreg [dreg:$0x13]  }
0x6e: {  	[tilespmem:s24], [sflag:$0x3] =	stream.indirect.gather [hbm4b:s5+s12], $0x10, s26, s12, $0xb8;
	[tilespmem:$0x11000] =	vst v63  }
0x6f: {  	s20 =	rddreg [dreg:$0x1d]  }
0x70: {  	[tilespmem:s18], [sflag:$0x3] =	stream.indirect.gather [hbm4b:s5+s12], $0x10, s2, s12, $0xb8;
	[tilespmem:$0x11000] =	vst v63  }
0x71: {  	s6 =	rddreg [dreg:$0x17]  }
0x72: {  	[tilespmem:s3], [sflag:$0x3] =	stream.indirect.gather [hbm4b:s5+s12], $0x10, s6, s12, $0xb8;
	[tilespmem:$0x11000] =	vst v63  }
0x73: {  	s15 =	rddreg [dreg:$0x1c]  }
0x74: {  	[tilespmem:s16], [sflag:$0x3] =	stream.indirect.gather [hbm4b:s5+s12], $0x10, s14, s12, $0xb8;
	[tilespmem:$0x11000] =	vst v63  }
0x75: {  	s19 =	rddreg [dreg:$0x1b]  }
0x76: {  	[tilespmem:s15], [sflag:$0x3] =	stream.indirect.gather [hbm4b:s5+s12], $0x10, s19, s12, $0xb8;
	[tilespmem:$0x11000] =	vst v63  }
0x77: {  	s21 =	sld [smem:$0x7D9]  }
0x78: {  	[tilespmem:s8], [sflag:$0x3] =	stream.indirect.gather [hbm4b:s5+s12], $0x10, s20, s12, $0xb8;
	[tilespmem:$0x11000] =	vst v63  }
0x79: {  	s22 =	rddreg [dreg:$0x1f]  }
0x7a: {  	[tilespmem:s21], [sflag:$0x3] =	stream.indirect.gather [hbm4b:s5+s12], $0x10, s22, s12, $0xb8;
	[tilespmem:$0x11000] =	vst v63  }
0x7b: {  	s1 =	simm.s32 @p0 $0x800;
	s7 =	simm.s32 @!p0 $0x4;
	s8 =	rddreg [dreg:$0x2]  }
0x7c: {  	[tilespmem:s1], [sflag:$0x7] =	stream.linear.gather @p0 [hbm4b:s8+s0], $0x800, $0x38;
	[tilespmem:$0x11000] =	vst v63  }
0x7d: {  	_ =	swait.ge @!p0 [sflag:s7], $0x8000  }
0x7e: {  	s3 =	sld [smem:$0x7F3]  }
0x7f: {  	s2 =	sld [smem:$0x7F0]  }
0x80: {  	s1 =	simm.s32 @!p0 $0x0;
	[sflag:s7] =	ssyncset.done @!p0 $0x0  }
0x81: {  	[sflag:s7] =	ssyncadd.s32 @!p0 $0xFFFF8000;
	s7 =	simm.s32 @!p0 $0x800;
	s0 =	sshrl.u32 @!p0 s3, $0x3  }
0x82: {  	[tilespmem:s7], [sflag:$0x2] =	stream.linear.gather @!p0 [hbm4b:s2+s1], $0x800, $0x38;
	[tilespmem:$0x11000] =	vst v63  }
0x83: {  	s8 =	simm.s32 @!p0 $0x6;
	s7 =	simm.s32 @!p0 $0x9000;
	s0 =	sadd.s32 @!p0 s13, s0  }
0x84: {  	[hbm4b:s0+s1] =	stream.linear.scatter @!p0 [tilespmem:s7], [sflag:$0x6], $0x8000, $0x38;
	[tilespmem:$0x11000] =	vst v63  }
0x85: {  	_ =	swait.ge @!p0 [sflag:s8], $0x8000  }
0x86: {  	s9 =	simm.s32 @!p0 $0x2;
	[sflag:s8] =	ssyncset.done @!p0 $0x0  }
0x87: {  	s9 =	simm.s32 @p0 $0x7;
	[sflag:s8] =	ssyncadd.s32 @!p0 $0xFFFF8000  }
0x88: {  	_ =	swait.ge [sflag:s9], $0x800  }
0x89: {  	s26 =	sld [smem:$0x7FD]  }
0x8a: {  	s28 =	sld [smem:$0x7FB]  }
0x8b: {  	s29 =	sld [smem:$0x7F9]  }
0x8c: {  	s30 =	sld [smem:$0x7F7]  }
0x8d: {  	s8 =	sld [smem:$0x7E6]  }
0x8e: {  	s20 =	sld [smem:$0x7E4]  }
0x8f: {  	s1 =	sld [smem:$0x7F1]  }
0x90: {  	s31 =	sld [smem:$0x7F4]  }
0x91: {  	s7 =	sld [smem:$0x7EC]  }
0x92: {  	s0 =	sld [smem:$0x7EE]  }
0x93: {  	s17 =	sld [smem:$0x7E9]  }
0x94: {  	s23 =	sld [smem:$0x7DB]  }
0x95: {  	s21 =	sld [smem:$0x7DD]  }
0x96: {  	s22 =	sld [smem:$0x7DE]  }
0x97: {  	s19 =	sld [smem:$0x7DC]  }
0x98: {  	s25 =	sld [smem:$0x7DA]  }
0x99: {  	s6 =	sld [smem:$0x7E2]  }
0x9a: {  	s16 =	sld [smem:$0x7F2]  }
0x9b: {  	[sflag:s9] =	ssyncset.done $0x0;
	s15 =	sld [smem:$0x7E0]  }
0x9c: {  	s14 =	simm.s32 $0x9000;
	s24 =	sld [smem:$0x7E3];
	[sflag:s9] =	ssyncadd.s32 $0xFFFFF800  }
0x9d: {  	[tilespmem:s14], [sflag:$0x4] =	stream.indirect.gather [hbm4b:s5+s12], $0x10, s25, s12, $0xb8;
	[tilespmem:$0x11000] =	vst v63  }
0x9e: {  	s18 =	sld [smem:$0x7E5]  }
0x9f: {  	[tilespmem:s19], [sflag:$0x4] =	stream.indirect.gather [hbm4b:s5+s12], $0x10, s23, s12, $0xb8;
	[tilespmem:$0x11000] =	vst v63  }
0xa0: {  	s19 =	sld [smem:$0x7DF]  }
0xa1: {  	[tilespmem:s22], [sflag:$0x4] =	stream.indirect.gather [hbm4b:s5+s12], $0x10, s21, s12, $0xb8;
	[tilespmem:$0x11000] =	vst v63  }
0xa2: {  	s23 =	sld [smem:$0x7E1]  }
0xa3: {  	[tilespmem:s15], [sflag:$0x4] =	stream.indirect.gather [hbm4b:s5+s12], $0x10, s19, s12, $0xb8;
	[tilespmem:$0x11000] =	vst v63  }
0xa4: {  	s21 =	sld [smem:$0x7F8]  }
0xa5: {  	[tilespmem:s6], [sflag:$0x4] =	stream.indirect.gather [hbm4b:s5+s12], $0x10, s23, s12, $0xb8;
	[tilespmem:$0x11000] =	vst v63  }
0xa6: {  	s9 =	sld [smem:$0x7E7];
	s25 =	sadd.s32 $0x10000, s3;
	s22 =	simm.s32 $0x1000  }
0xa7: {  	[tilespmem:s20], [sflag:$0x4] =	stream.indirect.gather [hbm4b:s5+s12], $0x10, s24, s12, $0xb8;
	[tilespmem:$0x11000] =	vst v63  }
0xa8: {  	s23 =	sadd.s32 $0x2000, s21;
	s24 =	sadd.s32 $0x200, s2;
	s20 =	simm.s32 $0x0  }
.LBB2_2:
0xa9: {  	_ = 	snop  }
0xaa: {  	[tilespmem:s8], [sflag:$0x4] =	stream.indirect.gather [hbm4b:s5+s12], $0x10, s18, s12, $0xb8;
	[tilespmem:$0x11000] =	vst v63  }
0xab: {  	s2 =	sld [smem:$0x7EB]  }
0xac: {  	[tilespmem:s17], [sflag:$0x4] =	stream.indirect.gather [hbm4b:s5+s12], $0x10, s9, s12, $0xb8;
	[tilespmem:$0x11000] =	vst v63  }
0xad: {  	s6 =	sld [smem:$0x7ED]  }
0xae: {  	[tilespmem:s7], [sflag:$0x4] =	stream.indirect.gather [hbm4b:s5+s12], $0x10, s2, s12, $0xb8;
	[tilespmem:$0x11000] =	vst v63  }
0xaf: {  	s8 =	sld [smem:$0x7EF]  }
0xb0: {  	[tilespmem:s0], [sflag:$0x4] =	stream.indirect.gather [hbm4b:s5+s12], $0x10, s6, s12, $0xb8;
	[tilespmem:$0x11000] =	vst v63  }
0xb1: {  	s14 =	sld [smem:$0x7F5]  }
0xb2: {  	[tilespmem:s1], [sflag:$0x4] =	stream.indirect.gather [hbm4b:s5+s12], $0x10, s8, s12, $0xb8;
	[tilespmem:$0x11000] =	vst v63  }
0xb3: {  	s9 =	sld [smem:$0x7F6]  }
0xb4: {  	[tilespmem:s31], [sflag:$0x4] =	stream.indirect.gather [hbm4b:s5+s12], $0x10, s16, s12, $0xb8;
	[tilespmem:$0x11000] =	vst v63  }
0xb5: {  	_ = 	snop  }
0xb6: {  	[tilespmem:s9], [sflag:$0x4] =	stream.indirect.gather [hbm4b:s5+s12], $0x10, s14, s12, $0xb8;
	[tilespmem:$0x11000] =	vst v63  }
0xb7: {  	s15 =	sld [smem:$0x7FA]  }
0xb8: {  	[tilespmem:s29], [sflag:$0x4] =	stream.indirect.gather [hbm4b:s5+s12], $0x10, s30, s12, $0xb8;
	[tilespmem:$0x11000] =	vst v63  }
0xb9: {  	s16 =	sld [smem:$0x7FC]  }
0xba: {  	[tilespmem:s28], [sflag:$0x4] =	stream.indirect.gather [hbm4b:s5+s12], $0x10, s15, s12, $0xb8;
	[tilespmem:$0x11000] =	vst v63  }
0xbb: {  	_ = 	snop  }
0xbc: {  	[tilespmem:s26], [sflag:$0x4] =	stream.indirect.gather [hbm4b:s5+s12], $0x10, s16, s12, $0xb8;
	[tilespmem:$0x11000] =	vst v63  }
0xbd: {  	_ =	swait.ge [sflag:s11], $0x8000  }
0xbe: {  	p1 =	seq.s32 s20, $0x18000;
	s0 =	rddreg [dreg:$0x3]  }
0xbf: {  	s3 =	smov.u32 s22;
	s0 =	sadd.s32 @!p1 s20, s0  }
0xc0: {  	s1 =	simm.s32 @!p1 $0x0;
	[sflag:s11] =	ssyncset.done $0x0;
	s0 =	sshrl.u32 @!p1 s0, $0x3  }
0xc1: {  	s20 =	smov.u32 s3;
	[sflag:s11] =	ssyncadd.s32 $0xFFFF8000;
	s0 =	sadd.s32 @!p1 s10, s0  }
0xc2: {  	[tilespmem:s1], [sflag:$0x1] =	stream.linear.gather @!p1 [hbm4b:s0+s1], $0x800, $0x38;
	[tilespmem:$0x11000] =	vst v63  }
0xc3: {  	s2 =	simm.s32 $0x0;
	s3 =	simm.s32 $0x1000;
	p1 =	seq.s32 s20, $0x0  }
0xc4: {  	[hbm4b:s21+s2] =	stream.linear.scatter [tilespmem:s3], [sflag:$0x5], $0x8000, $0x38;
	[tilespmem:$0x11000] =	vst v63  }
0xc5: {  	s28 =	simm.s32 @p1 $0x0;
	s0 =	simm.s32 @!p1 $0x5  }
0xc6: {  	[tilespmem:s28], [sflag:$0x7] =	stream.linear.gather @p1 [hbm4b:s4+s28], $0x800, $0x38;
	[tilespmem:$0x11000] =	vst v63  }
0xc7: {  	_ =	swait.ge @!p1 [sflag:s0], $0x8000  }
0xc8: {  	s1 =	simm.s32 @!p1 $0x1;
	[sflag:s0] =	ssyncset.done @!p1 $0x0  }
0xc9: {  	s1 =	simm.s32 @p1 $0x7;
	[sflag:s0] =	ssyncadd.s32 @!p1 $0xFFFF8000  }
0xca: {  	s7 =	sshrl.u32 @!p1 s25, $0x3;
	_ =	swait.ge [sflag:s1], $0x800  }
0xcb: {  	s26 =	sadd.s32 @!p1 s13, s7;
	s7 =	rddreg [dreg:$0xb]  }
0xcc: {  	s0 =	rddreg [dreg:$0x1e]  }
0xcd: {  	s8 =	rddreg [dreg:$0xc]  }
0xce: {  	s9 =	rddreg [dreg:$0x9]  }
0xcf: {  	s16 =	rddreg [dreg:$0x16]  }
0xd0: {  	s17 =	rddreg [dreg:$0x7]  }
0xd1: {  	s18 =	rddreg [dreg:$0x12]  }
0xd2: {  	s30 =	rddreg [dreg:$0xe]  }
0xd3: {  	s31 =	rddreg [dreg:$0xa]  }
0xd4: {  	s6 =	smov.u32 s4;
	s4 =	smov.u32 s10;
	s10 =	rddreg [dreg:$0x5]  }
0xd5: {  	s11 =	rddreg [dreg:$0x4]  }
0xd6: {  	s19 =	rddreg [dreg:$0x8]  }
0xd7: {  	[sflag:s1] =	ssyncset.done $0x0;
	s14 =	rddreg [dreg:$0x6]  }
0xd8: {  	[sflag:s1] =	ssyncadd.s32 $0xFFFFF800;
	s1 =	rddreg [dreg:$0x1a]  }
0xd9: {  	[tilespmem:s3], [sflag:$0x3] =	stream.indirect.gather [hbm4b:s5+s12], $0x10, s2, s12, $0xb8;
	[tilespmem:$0x11000] =	vst v63  }
0xda: {  	s2 =	rddreg [dreg:$0xd]  }
0xdb: {  	[tilespmem:s11], [sflag:$0x3] =	stream.indirect.gather [hbm4b:s5+s12], $0x10, s12, s12, $0xb8;
	[tilespmem:$0x11000] =	vst v63  }
0xdc: {  	s3 =	rddreg [dreg:$0x10]  }
0xdd: {  	[tilespmem:s14], [sflag:$0x3] =	stream.indirect.gather [hbm4b:s5+s12], $0x10, s10, s12, $0xb8;
	[tilespmem:$0x11000] =	vst v63  }
0xde: {  	s11 =	rddreg [dreg:$0xf]  }
0xdf: {  	[tilespmem:s19], [sflag:$0x3] =	stream.indirect.gather [hbm4b:s5+s12], $0x10, s17, s12, $0xb8;
	[tilespmem:$0x11000] =	vst v63  }
0xe0: {  	s10 =	rddreg [dreg:$0x11]  }
0xe1: {  	[tilespmem:s31], [sflag:$0x3] =	stream.indirect.gather [hbm4b:s5+s12], $0x10, s9, s12, $0xb8;
	[tilespmem:$0x11000] =	vst v63  }
0xe2: {  	s14 =	rddreg [dreg:$0x14]  }
0xe3: {  	[tilespmem:s8], [sflag:$0x3] =	stream.indirect.gather [hbm4b:s5+s12], $0x10, s7, s12, $0xb8;
	[tilespmem:$0x11000] =	vst v63  }
0xe4: {  	s17 =	rddreg [dreg:$0x15]  }
0xe5: {  	[tilespmem:s30], [sflag:$0x3] =	stream.indirect.gather [hbm4b:s5+s12], $0x10, s2, s12, $0xb8;
	[tilespmem:$0x11000] =	vst v63  }
0xe6: {  	s19 =	rddreg [dreg:$0x18]  }
0xe7: {  	[tilespmem:s3], [sflag:$0x3] =	stream.indirect.gather [hbm4b:s5+s12], $0x10, s11, s12, $0xb8;
	[tilespmem:$0x11000] =	vst v63  }
0xe8: {  	s9 =	rddreg [dreg:$0x13]  }
0xe9: {  	[tilespmem:s18], [sflag:$0x3] =	stream.indirect.gather [hbm4b:s5+s12], $0x10, s10, s12, $0xb8;
	[tilespmem:$0x11000] =	vst v63  }
0xea: {  	s8 =	rddreg [dreg:$0x17]  }
0xeb: {  	[tilespmem:s14], [sflag:$0x3] =	stream.indirect.gather [hbm4b:s5+s12], $0x10, s9, s12, $0xb8;
	[tilespmem:$0x11000] =	vst v63  }
0xec: {  	s11 =	rddreg [dreg:$0x1c]  }
0xed: {  	[tilespmem:s16], [sflag:$0x3] =	stream.indirect.gather [hbm4b:s5+s12], $0x10, s17, s12, $0xb8;
	[tilespmem:$0x11000] =	vst v63  }
0xee: {  	s10 =	rddreg [dreg:$0x19]  }
0xef: {  	[tilespmem:s19], [sflag:$0x3] =	stream.indirect.gather [hbm4b:s5+s12], $0x10, s8, s12, $0xb8;
	[tilespmem:$0x11000] =	vst v63  }
0xf0: {  	s14 =	rddreg [dreg:$0x1b]  }
0xf1: {  	[tilespmem:s1], [sflag:$0x3] =	stream.indirect.gather [hbm4b:s5+s12], $0x10, s10, s12, $0xb8;
	[tilespmem:$0x11000] =	vst v63  }
0xf2: {  	s16 =	rddreg [dreg:$0x1d]  }
0xf3: {  	[tilespmem:s11], [sflag:$0x3] =	stream.indirect.gather [hbm4b:s5+s12], $0x10, s14, s12, $0xb8;
	[tilespmem:$0x11000] =	vst v63  }
0xf4: {  	s17 =	sld [smem:$0x7D9]  }
0xf5: {  	[tilespmem:s0], [sflag:$0x3] =	stream.indirect.gather [hbm4b:s5+s12], $0x10, s16, s12, $0xb8;
	[tilespmem:$0x11000] =	vst v63  }
0xf6: {  	s18 =	rddreg [dreg:$0x1f]  }
0xf7: {  	[tilespmem:s17], [sflag:$0x3] =	stream.indirect.gather [hbm4b:s5+s12], $0x10, s18, s12, $0xb8;
	[tilespmem:$0x11000] =	vst v63  }
0xf8: {  	s2 =	simm.s32 @!p1 $0x4;
	s1 =	simm.s32 @p1 $0x800;
	s0 =	rddreg [dreg:$0x2]  }
0xf9: {  	[tilespmem:s1], [sflag:$0x7] =	stream.linear.gather @p1 [hbm4b:s0+s28], $0x800, $0x38;
	[tilespmem:$0x11000] =	vst v63  }
0xfa: {  	_ =	swait.ge @!p1 [sflag:s2], $0x8000  }
0xfb: {  	[sflag:s2] =	ssyncset.done @!p1 $0x0  }
0xfc: {  	s0 =	simm.s32 @!p1 $0x0;
	s1 =	simm.s32 @!p1 $0x800;
	[sflag:s2] =	ssyncadd.s32 @!p1 $0xFFFF8000  }
0xfd: {  	[tilespmem:s1], [sflag:$0x2] =	stream.linear.gather @!p1 [hbm4b:s24+s0], $0x800, $0x38;
	[tilespmem:$0x11000] =	vst v63  }
0xfe: {  	s2 =	simm.s32 @!p1 $0x6;
	s1 =	simm.s32 @!p1 $0x9000  }
0xff: {  	[hbm4b:s26+s0] =	stream.linear.scatter @!p1 [tilespmem:s1], [sflag:$0x6], $0x8000, $0x38;
	[tilespmem:$0x11000] =	vst v63  }
0x100: {  	_ =	swait.ge @!p1 [sflag:s2], $0x8000  }
0x101: {  	s29 =	simm.s32 @!p1 $0x2;
	[sflag:s2] =	ssyncset.done @!p1 $0x0  }
0x102: {  	s29 =	simm.s32 @p1 $0x7;
	[sflag:s2] =	ssyncadd.s32 @!p1 $0xFFFF8000  }
0x103: {  	_ =	swait.ge [sflag:s29], $0x800  }
0x104: {  	s26 =	sld [smem:$0x7FD]  }
0x105: {  	s28 =	sld [smem:$0x7FB]  }
0x106: {  	s30 =	sld [smem:$0x7F7]  }
0x107: {  	s8 =	sld [smem:$0x7E6]  }
0x108: {  	s2 =	sld [smem:$0x7E4]  }
0x109: {  	s1 =	sld [smem:$0x7F1]  }
0x10a: {  	s31 =	sld [smem:$0x7F4]  }
0x10b: {  	s7 =	sld [smem:$0x7EC]  }
0x10c: {  	s0 =	sld [smem:$0x7EE]  }
0x10d: {  	s17 =	sld [smem:$0x7E9]  }
0x10e: {  	s3 =	sld [smem:$0x7DB]  }
0x10f: {  	s9 =	sld [smem:$0x7DD]  }
0x110: {  	s10 =	sld [smem:$0x7DE]  }
0x111: {  	s11 =	sld [smem:$0x7DC]  }
0x112: {  	s14 =	sld [smem:$0x7DA]  }
0x113: {  	s18 =	sld [smem:$0x7E2]  }
0x114: {  	[sflag:s29] =	ssyncset.done $0x0;
	s16 =	sld [smem:$0x7F2]  }
0x115: {  	s19 =	simm.s32 $0x9000;
	[sflag:s29] =	ssyncadd.s32 $0xFFFFF800;
	s29 =	sld [smem:$0x7F9]  }
0x116: {  	[tilespmem:s19], [sflag:$0x4] =	stream.indirect.gather [hbm4b:s5+s12], $0x10, s14, s12, $0xb8;
	[tilespmem:$0x11000] =	vst v63  }
0x117: {  	s22 =	sadd.s32 $0x1000, s22;
	s14 =	sld [smem:$0x7E0]  }
0x118: {  	[tilespmem:s11], [sflag:$0x4] =	stream.indirect.gather [hbm4b:s5+s12], $0x10, s3, s12, $0xb8;
	[tilespmem:$0x11000] =	vst v63  }
0x119: {  	p0 =	sne.s32 s22, $0x19000;
	s15 =	simm.s32 $0x1000;
	s19 =	sld [smem:$0x7DF]  }
0x11a: {  	[tilespmem:s10], [sflag:$0x4] =	stream.indirect.gather [hbm4b:s5+s12], $0x10, s9, s12, $0xb8;
	[tilespmem:$0x11000] =	vst v63  }
0x11b: {  	s10 =	smov.u32 s4;
	s4 =	smov.u32 s6;
	s6 =	sld [smem:$0x7E1]  }
0x11c: {  	[tilespmem:s14], [sflag:$0x4] =	stream.indirect.gather [hbm4b:s5+s12], $0x10, s19, s12, $0xb8;
	[tilespmem:$0x11000] =	vst v63  }
.Ltmp0:
0x11d: {  	s25 =	sadd.s32 $0x10000, s25;
	s9 =	sld [smem:$0x7E7];
	(pc) =	sbr.rel @p0 .LBB2_2-.Ltmp0, $4  }
0x11e: {  	s21 =	smov.u32 s23;
	s23 =	sadd.s32 $0x2000, s23;
	s19 =	sld [smem:$0x7E3]  }
0x11f: {  	[tilespmem:s18], [sflag:$0x4] =	stream.indirect.gather [hbm4b:s5+s12], $0x10, s6, s12, $0xb8;
	[tilespmem:$0x11000] =	vst v63  }
0x120: {  	s24 =	sadd.s32 $0x200, s24;
	s11 =	simm.s32 $0x3;
	s18 =	sld [smem:$0x7E5]  }
0x121: {  	[tilespmem:s2], [sflag:$0x4] =	stream.indirect.gather [hbm4b:s5+s12], $0x10, s19, s12, $0xb8;
	[tilespmem:$0x11000] =	vst v63  }
0x122: {  	_ = 	snop  }
0x123: {  	[tilespmem:s8], [sflag:$0x4] =	stream.indirect.gather [hbm4b:s5+s12], $0x10, s18, s12, $0xb8;
	[tilespmem:$0x11000] =	vst v63  }
0x124: {  	s2 =	sld [smem:$0x7EB]  }
0x125: {  	[tilespmem:s17], [sflag:$0x4] =	stream.indirect.gather [hbm4b:s5+s12], $0x10, s9, s12, $0xb8;
	[tilespmem:$0x11000] =	vst v63  }
0x126: {  	s3 =	sld [smem:$0x7ED]  }
0x127: {  	[tilespmem:s7], [sflag:$0x4] =	stream.indirect.gather [hbm4b:s5+s12], $0x10, s2, s12, $0xb8;
	[tilespmem:$0x11000] =	vst v63  }
0x128: {  	s14 =	sld [smem:$0x7EF]  }
0x129: {  	[tilespmem:s0], [sflag:$0x4] =	stream.indirect.gather [hbm4b:s5+s12], $0x10, s3, s12, $0xb8;
	[tilespmem:$0x11000] =	vst v63  }
0x12a: {  	s18 =	sld [smem:$0x7F5]  }
0x12b: {  	[tilespmem:s1], [sflag:$0x4] =	stream.indirect.gather [hbm4b:s5+s12], $0x10, s14, s12, $0xb8;
	[tilespmem:$0x11000] =	vst v63  }
0x12c: {  	s17 =	sld [smem:$0x7F6]  }
0x12d: {  	[tilespmem:s31], [sflag:$0x4] =	stream.indirect.gather [hbm4b:s5+s12], $0x10, s16, s12, $0xb8;
	[tilespmem:$0x11000] =	vst v63  }
0x12e: {  	_ = 	snop  }
0x12f: {  	[tilespmem:s17], [sflag:$0x4] =	stream.indirect.gather [hbm4b:s5+s12], $0x10, s18, s12, $0xb8;
	[tilespmem:$0x11000] =	vst v63  }
0x130: {  	s19 =	sld [smem:$0x7FA]  }
0x131: {  	[tilespmem:s29], [sflag:$0x4] =	stream.indirect.gather [hbm4b:s5+s12], $0x10, s30, s12, $0xb8;
	[tilespmem:$0x11000] =	vst v63  }
0x132: {  	s22 =	sld [smem:$0x7FC]  }
0x133: {  	[tilespmem:s28], [sflag:$0x4] =	stream.indirect.gather [hbm4b:s5+s12], $0x10, s19, s12, $0xb8;
	[tilespmem:$0x11000] =	vst v63  }
0x134: {  	_ = 	snop  }
0x135: {  	[tilespmem:s26], [sflag:$0x4] =	stream.indirect.gather [hbm4b:s5+s12], $0x10, s22, s12, $0xb8;
	[tilespmem:$0x11000] =	vst v63  }
0x136: {  	_ =	swait.ge [sflag:s11], $0x8000  }
0x137: {  	p0 =	seq.s32 s20, $0x18000;
	s0 =	rddreg [dreg:$0x3]  }
0x138: {  	s0 =	sadd.s32 @!p0 s20, s0  }
0x139: {  	[sflag:s11] =	ssyncset.done $0x0;
	s0 =	sshrl.u32 @!p0 s0, $0x3  }
0x13a: {  	s1 =	simm.s32 @!p0 $0x0;
	[sflag:s11] =	ssyncadd.s32 $0xFFFF8000;
	s0 =	sadd.s32 @!p0 s10, s0  }
0x13b: {  	[tilespmem:s1], [sflag:$0x1] =	stream.linear.gather @!p0 [hbm4b:s0+s1], $0x800, $0x38;
	[tilespmem:$0x11000] =	vst v63  }
0x13c: {  	s23 =	simm.s32 $0x0;
	s24 =	simm.s32 $0x4  }
0x13d: {  	[hbm4b:s21+s23] =	stream.linear.scatter [tilespmem:s15], [sflag:$0x5], $0x8000, $0x38;
	[tilespmem:$0x11000] =	vst v63  }
0x13e: {  	_ =	swait.ge [sflag:s24], $0x8000  }
0x13f: {  	s25 =	sld [smem:$0x7E8]  }
0x140: {  	[sflag:s24] =	ssyncset.done $0x0  }
0x141: {  	s28 =	simm.s32 $0x6;
	s26 =	simm.s32 $0x9000;
	[sflag:s24] =	ssyncadd.s32 $0xFFFF8000  }
0x142: {  	[hbm4b:s25+s23] =	stream.linear.scatter [tilespmem:s26], [sflag:$0x6], $0x8000, $0x38;
	[tilespmem:$0x11000] =	vst v63  }
0x143: {  	_ =	swait.ge [sflag:s28], $0x8000  }
0x144: {  	[sflag:s28] =	ssyncset.done $0x0  }
0x145: {  	s29 =	simm.s32 $0x5;
	[sflag:s28] =	ssyncadd.s32 $0xFFFF8000  }
0x146: {  	_ =	swait.ge [sflag:s29], $0x8000  }
0x147: {  	s30 =	sld [smem:$0x7D8]  }
0x148: {  	s31 =	sld [smem:$0x7EA];
	_ =	sdelay $0x1  }
0x149: {  	s2 =	sadd.s32 $0x1, s30  }
0x14a: {  	p0 =	sne.s32 s2, s31  }
.Ltmp1:
0x14b: {  	_ = 	snop;
	(pc) =	sbr.rel @p0 .LBB2_1-.Ltmp1, $3  }
0x14c: {  	_ =	sdelay $0x1  }
0x14d: {  	[sflag:s29] =	ssyncset.done $0x0  }
0x14e: {  	s3 =	simm.s32 $0x0;
	[sflag:s29] =	ssyncadd.s32 $0xFFFF8000  }
0x14f: {  	_ =	sfence.sel $0x180000  }
0x150: {  	[bflag:$0x0] =	sbarrier.arrive $0xFFFF  }
0x151: {  	_ =	strace $0x9000004A  }
0x152: {  	s0 =	stileid.u32;
	[bflag:$0x2] =	sbarrier.arrive $0xFFFF  }
0x153: {  	p0 =	sne.s32 s0, $0x0;
	s0 =	rddreg [dreg:$0x1]  }
0x154: {  	s0 =	sadd.s32 @!p0 $0x100000, s0  }
0x155: {  	[sflag:s0] =	ssyncadd.tile.s32 @!p0 $0x1;
	_ =	shalt  }
.Lfunc_end2:
_tile_overlayer_lowered:
.L_overlay_start_2:
0x156: {  	(tag) =	ssettag $0x2  }
0x157: {  	s0 =	rddreg [dreg:$0x0];
	s2 =	stileid.u32  }
0x158: {  	s1 =	rddreg [dreg:$0x1];
	p0 =	sne.s32 s2, $0x0  }
0x159: {  	s3 =	rddreg [dreg:$0x2];
	[bflag:$0x3] =	sbarrier.arrive $0xFFFF;
	s2 =	simm.s32 @!p0 $0x1C07  }
0x15a: {  	[timem:s3], [sflag:s2] =	dma.local @!p0 [hbm:s0], s1  }
0x15b: {  	s0 =	simm.s32 @!p0 $0x7  }
0x15c: {  	_ =	swait.ge @!p0 [sflag:s0], s1  }
0x15d: {  	s1 =	ssub.s32 @!p0 $0x0, s1;
	[sflag:s0] =	ssyncset.done @!p0 $0x0  }
0x15e: {  	[sflag:s0] =	ssyncadd.s32 @!p0 s1  }
0x15f: {  	[bflag:$0x3] =	sbarrier.arrive $0xFFFF  }
0x160: {  	_ =	shalt  }

// kernel: kernel.7.cloned.1.call-start
scs
__scs_entry_jumppad:
0x0: {  	(pc) =	sbr.rel $0x88, $3  }
0x1: {  	(tag) =	ssettag $0x0;
	lr =	simm.s32 $0x1  }
0x2: {  	[smem:$0x3F9B] =	sst lr;
	_ =	strace $0xD0000000  }
0x3: {  	_ = 	snop  }
0x4: {  	_ = 	snop  }
0x5: {  	_ = 	snop  }
0x6: {  	_ = 	snop  }
0x7: {  	_ = 	snop  }
__scs_overlays_trampoline_lowered:
0x8: {  	[smem:$0x3FAA] =	sst s0  }
0x9: {  	[smem:$0x3FAB] =	sst s1  }
0xa: {  	[smem:$0x3FAC] =	sst s2  }
0xb: {  	[smem:$0x3FAD] =	sst s3  }
0xc: {  	[smem:$0x3FAE] =	sst s4  }
0xd: {  	[smem:$0x3FAF] =	sst s5  }
0xe: {  	[smem:$0x3FB0] =	sst s6  }
0xf: {  	[smem:$0x3FB1] =	sst s7  }
0x10: {  	[smem:$0x3FB2] =	sst s8  }
0x11: {  	[smem:$0x3FB3] =	sst s9;
	s0 =	simm.s32 @!p0 $0x0  }
0x12: {  	s1 =	sld [smem:$0x3F99];
	s0 =	simm.s32 @p0 $0x1  }
0x13: {  	[smem:$0x3FB4] =	sst s0;
	s0 =	simm.s32 @!p1 $0x0  }
0x14: {  	s2 =	sld [smem:$0x3F98];
	s0 =	simm.s32 @p1 $0x1  }
0x15: {  	[smem:$0x3FB5] =	sst s0;
	s0 =	simm.s32 @!p2 $0x0  }
0x16: {  	s3 =	sld [smem:$0x3FDB];
	s0 =	simm.s32 @p2 $0x1  }
0x17: {  	s4 =	simm.s32 $0x1BF5;
	[smem:$0x3FB7] =	sst s0  }
0x18: {  	s0 =	sld [smem:$0x3F9A];
	_ =	swait.ge [sflag:s4], $0x0  }
0x19: {  	s7 =	sld [smem:$0x3F9B]  }
0x1a: {  	s8 =	sadd.s32 $0xFFFFE003, lr  }
0x1b: {  	s9 =	sadd.s32 $0xFFFFFEF7, lr;
	s5 =	simm.s32 $0xFFFFFFFF;
	p2 =	slt.u32 s8, $0xFFFFF086  }
0x1c: {  	p1 =	slt.u32 s9, $0xF7A;
	s5 =	simm.s32 @!p2 $0x0  }
0x1d: {  	s5 =	simm.s32 @p1 $0x1;
	p0 =	seq.s32 s7, s2  }
0x1e: {  	s7 =	smul.u32 @!p0 $0xF7A, s2;
	p2 =	seq.s32 @!p0 s5, $0x0  }
0x1f: {  	s9 =	smul.u32 $0xF7A, s1;
	s8 =	simm.s32 @!p0 $0x1BF5;
	p2 =	por !p2, p0  }
0x20: {  	[sflag:s8] =	ssyncset.s32 @!p0 $0xFFFFF086;
	s6 =	sadd.s32 @!p0 s3, s7;
	s7 =	simm.s32 @!p0 $0x108  }
0x21: {  	s3 =	sadd.s32 s3, s9;
	s6 =	sadd.s32 @!p0 $0x88, s6;
	s7 =	simm.s32 @p2 $0x1082  }
0x22: {  	[simem:s7], [sflag:s8] =	dma.local @!p0 [hbm:s6], $0xF7A  }
0x23: {  	s9 =	sor.u32 $0xD0000000, s2;
	s6 =	simm.s32 $0x108;
	_ =	swait.ge @!p0 [sflag:s8], $0x0  }
0x24: {  	s3 =	sadd.s32 $0x88, s3;
	s6 =	simm.s32 @!p1 $0x1082;
	[sflag:s4] =	ssyncset.s32 $0xFFFFF086  }
0x25: {  	[simem:s6], [sflag:s4] =	dma.local [hbm:s3], $0xF7A  }
0x26: {  	[smem:$0x3F9B] =	sst s1;
	(tag) =	ssettag s2;
	_ =	strace s9  }
0x27: {  	s1 =	sld [smem:$0x3FAB]  }
0x28: {  	s2 =	sld [smem:$0x3FAC]  }
0x29: {  	s4 =	sld [smem:$0x3FAE]  }
0x2a: {  	p0 =	seq.s32 s5, $0x0;
	s5 =	sld [smem:$0x3FAF]  }
0x2b: {  	s6 =	sld [smem:$0x3FB0]  }
0x2c: {  	s7 =	sld [smem:$0x3FB1]  }
0x2d: {  	s3 =	simm.s32 $0x108;
	s8 =	sld [smem:$0x3FB2]  }
0x2e: {  	s3 =	simm.s32 @!p0 $0x1082;
	s9 =	sld [smem:$0x3FB3]  }
0x2f: {  	lr =	sadd.s32 s0, s3;
	s0 =	sld [smem:$0x3FAA]  }
0x30: {  	s3 =	sld [smem:$0x3FAD]  }
0x31: {  	[smem:$0x3FB6] =	sst s10  }
0x32: {  	s10 =	sld [smem:$0x3FB4];
	_ =	sdelay $0x3  }
0x33: {  	p0 =	seq.s32 s10, $0x1;
	s10 =	sld [smem:$0x3FB6];
	_ =	sdelay $0x3  }
0x34: {  	[smem:$0x3FB6] =	sst s10  }
0x35: {  	s10 =	sld [smem:$0x3FB5];
	_ =	sdelay $0x3  }
0x36: {  	p1 =	seq.s32 s10, $0x1;
	s10 =	sld [smem:$0x3FB6];
	_ =	sdelay $0x3  }
0x37: {  	[smem:$0x3FB6] =	sst s10  }
0x38: {  	s10 =	sld [smem:$0x3FB7]  }
0x39: {  	_ = 	snop;
	(pc) =	sbr.ind lr, $3  }
0x3a: {  	_ = 	snop  }
0x3b: {  	_ = 	snop  }
0x3c: {  	p2 =	seq.s32 s10, $0x1;
	s10 =	sld [smem:$0x3FB6]  }
0x3d: {  	_ =	shalt  }
0x3e: {  	_ =	shalt  }
0x3f: {  	_ =	shalt  }
0x40: {  	_ =	shalt  }
0x41: {  	_ =	shalt  }
0x42: {  	_ =	shalt  }
0x43: {  	_ =	shalt  }
0x44: {  	_ =	shalt  }
0x45: {  	_ =	shalt  }
0x46: {  	_ =	shalt  }
0x47: {  	_ =	shalt  }
0x48: {  	_ =	shalt  }
0x49: {  	_ =	shalt  }
0x4a: {  	_ =	shalt  }
0x4b: {  	_ =	shalt  }
0x4c: {  	_ =	shalt  }
0x4d: {  	_ =	shalt  }
0x4e: {  	_ =	shalt  }
0x4f: {  	_ =	shalt  }
0x50: {  	_ =	shalt  }
0x51: {  	_ =	shalt  }
0x52: {  	_ =	shalt  }
0x53: {  	_ =	shalt  }
0x54: {  	_ =	shalt  }
0x55: {  	_ =	shalt  }
0x56: {  	_ =	shalt  }
0x57: {  	_ =	shalt  }
0x58: {  	_ =	shalt  }
0x59: {  	_ =	shalt  }
0x5a: {  	_ =	shalt  }
0x5b: {  	_ =	shalt  }
0x5c: {  	_ =	shalt  }
0x5d: {  	_ =	shalt  }
0x5e: {  	_ =	shalt  }
0x5f: {  	_ =	shalt  }
0x60: {  	_ =	shalt  }
0x61: {  	_ =	shalt  }
0x62: {  	_ =	shalt  }
0x63: {  	_ =	shalt  }
0x64: {  	_ =	shalt  }
0x65: {  	_ =	shalt  }
0x66: {  	_ =	shalt  }
0x67: {  	_ =	shalt  }
0x68: {  	_ =	shalt  }
0x69: {  	_ =	shalt  }
0x6a: {  	_ =	shalt  }
0x6b: {  	_ =	shalt  }
0x6c: {  	_ =	shalt  }
0x6d: {  	_ =	shalt  }
0x6e: {  	_ =	shalt  }
0x6f: {  	_ =	shalt  }
0x70: {  	_ =	shalt  }
0x71: {  	_ =	shalt  }
0x72: {  	_ =	shalt  }
0x73: {  	_ =	shalt  }
0x74: {  	_ =	shalt  }
0x75: {  	_ =	shalt  }
0x76: {  	_ =	shalt  }
0x77: {  	_ =	shalt  }
0x78: {  	_ =	shalt  }
0x79: {  	_ =	shalt  }
0x7a: {  	_ =	shalt  }
0x7b: {  	_ =	shalt  }
0x7c: {  	_ =	shalt  }
0x7d: {  	_ =	shalt  }
0x7e: {  	_ =	shalt  }
0x7f: {  	_ =	shalt  }
0x80: {  	_ =	shalt  }
0x81: {  	_ =	shalt  }
0x82: {  	_ =	shalt  }
0x83: {  	_ =	shalt  }
0x84: {  	_ =	shalt  }
0x85: {  	_ =	shalt  }
0x86: {  	_ =	shalt  }
0x87: {  	_ =	shalt  }
.Lfunc_end0:
.L_simem_size_0:
called_computation_lowered:
.L_overlay_start_0:
0x88: {  	s2 =	sld [smem:$0x3FD9]  }
0x89: {  	s3 =	sld [smem:$0x3FFE];
	_ =	sdelay $0x1  }
0x8a: {  	s1 =	srdreg.scid  }
0x8b: {  	s0 =	sand.u32 $0x1, s1  }
0x8c: {  	s16 =	sshll.u32 s0, $0xA;
	s2 =	sadd.s32 s3, s2  }
0x8d: {  	s2 =	sadd.s32 s2, s16  }
0x8e: {  	[smem:$0x3FC2] =	sst s2  }
0x8f: {  	_ = 	snop  }
0x90: {  	(tm) =	ssettm $0x1  }
0x91: {  	s17 =	sld [smem:$0x3FFB];
	_ =	sdelay $0x3  }
0x92: {  	_ =	strace s17  }
0x93: {  	s2 =	sld [smem:$0x3FFC];
	_ =	sdelay $0x3  }
0x94: {  	_ =	strace s2  }
0x95: {  	s2 =	sld [smem:$0x3FFD];
	_ =	sdelay $0x3  }
0x96: {  	_ =	strace s2  }
0x97: {  	_ =	strace $0x8FFFFFFF  }
0x98: {  	s18 =	sld [smem:$0x3FDB];
	_ =	sdelay $0x1  }
0x99: {  	s19 =	simm.s32 $_scs_section_size  }
0x9a: {  	s4 =	simm.s32 $_size__tile_overlayer_lowered;
	s5 =	simm.s32 $_tile_overlayer_lowered  }
0x9b: {  	s22 =	simm.s32 $0x1BFF;
	s21 =	sshll.u32 s5, $0x1;
	s2 =	sadd.s32 s19, s18  }
0x9c: {  	s6 =	simm.s32 $0x0;
	s20 =	sshll.u32 s4, $0x1;
	s4 =	sadd.s32 s21, s2  }
0x9d: {  	[timem:s6], [sflag:s22] =	dma.local [hbm:s4], s20  }
0x9e: {  	_ =	swait.ge [sflag:s22], s20  }
0x9f: {  	s3 =	ssub.s32 $0x0, s20;
	[sflag:s22] =	ssyncset.done $0x0  }
0xa0: {  	[sflag:s22] =	ssyncadd.s32 s3;
	_ =	sdelay $0x1  }
0xa1: {  	s23 =	simm.s32 $0x1B8B  }
0xa2: {  	_ =	swait.ge [sflag:s23], $0x1  }
0xa3: {  	[sflag:s23] =	ssyncset.done $0x0  }
0xa4: {  	s25 =	simm.s32 $0x1B8E;
	s24 =	sld [smem:$0x3FFE];
	[sflag:s23] =	ssyncadd.s32 $0xFFFFFFFF  }
0xa5: {  	s26 =	simm.s32 $execute0_lowered;
	[smem:$0x3FD2] =	sst s25  }
0xa6: {  	s4 =	sshll.u32 s26, $0x1;
	_ =	strace $0x80000046;
	[dreg:$0x1] =	wrdreg $0xFFFFFFFF  }
0xa7: {  	s28 =	simm.s32 $_size_execute0_lowered;
	s2 =	sadd.s32 s2, s4;
	[dreg:$0x0] =	wrdreg $0x0  }
0xa8: {  	s4 =	sshll.u32 s28, $0x1;
	[dreg:$0x2] =	wrdreg s2  }
0xa9: {  	[dreg:$0x3] =	wrdreg s4  }
0xaa: {  	[dreg:$0x4] =	wrdreg $0xC0  }
0xab: {  	_ =	task [dreg:s6], $0x5FFFF  }
0xac: {  	[dreg:$0x1] =	wrdreg $0xFFFFFFFF  }
0xad: {  	[dreg:$0x0] =	wrdreg $0x60  }
0xae: {  	[dreg:$0x2] =	wrdreg s24  }
0xaf: {  	[dreg:$0x3] =	wrdreg $0x9  }
0xb0: {  	_ =	task.clear_ibuf [dreg:s6], $0x4FFFF;
	_ =	strace $0x90000046  }
0xb1: {  	s29 =	simm.s32 $0x9;
	_ =	strace $0x80000048  }
0xb2: {  	_ =	swait.ge [sflag:s29], $0x1  }
0xb3: {  	[sflag:s29] =	ssyncadd.s32 $0xFFFFFFFF  }
0xb4: {  	_ =	strace $0x90000048  }
0xb5: {  	_ =	sfence  }
0xb6: {  	s30 =	sld [smem:$0x0];
	_ =	sdelay $0x2  }
0xb7: {  	s31 =	sshll.u32 s1, $0xD;
	s1 =	sshrl.u32 s1, $0x2  }
0xb8: {  	s3 =	sand.u32 $0x4000, s31;
	s1 =	sadd.s32 s1, s30  }
0xb9: {  	s0 =	sor.u32 s3, s0;
	s1 =	sshll.u32 s1, $0x11  }
0xba: {  	s0 =	sor.u32 s1, s0  }
0xbb: {  	s0 =	sadd.s32 $0x8F2B, s0  }
0xbc: {  	[sflag:s0] =	ssyncadd.remote.s32 $0x1  }
0xbd: {  	_ =	sfence.sel $0xFFFF  }
0xbe: {  	[dreg:$0x0] =	wrdreg $0xFFFFFFFF;
	(pc) =	sbr.abs _section_cstart, $3  }
0xbf: {  	[dreg:$0x1] =	wrdreg $0xFFFFFFFF  }
0xc0: {  	_ =	task.clear_ibuf [dreg:s6], $0x2FFFF;
	_ =	strace $0x9FFFFFFF  }
0xc1: {  	(tm) =	ssettm $0x7FFFFFFF  }
tec
execute0_lowered:
.L_overlay_start_1:
0x0: {  	(tag) =	ssettag $0x1  }
0x1: {  	s0 =	srdreg.scid  }
0x2: {  	s4 =	simm.s32 $0x0;
	s11 =	sand.u32 $0x1, s0;
	s0 =	rddreg [dreg:$0x0]  }
0x3: {  	s30 =	simm.s32 $0x1800;
	[smem:$0x7FF] =	sst s4  }
0x4: {  	s31 =	simm.s32 $0x100;
	_ =	strace $0x80000047;
	[dreg:$0x4] =	wrdreg s30  }
0x5: {  	s9 =	simm.s32 $0x2800;
	[dreg:$0x5] =	wrdreg s31  }
0x6: {  	s12 =	simm.s32 $0x200;
	[dreg:$0x8] =	wrdreg s9  }
0x7: {  	s13 =	simm.s32 $0x3000;
	[dreg:$0x9] =	wrdreg s12  }
0x8: {  	s14 =	simm.s32 $0x280;
	[dreg:$0xa] =	wrdreg s13  }
0x9: {  	s15 =	simm.s32 $0x3800;
	[dreg:$0xb] =	wrdreg s14  }
0xa: {  	s16 =	simm.s32 $0x300;
	[dreg:$0xc] =	wrdreg s15  }
0xb: {  	s17 =	simm.s32 $0x4000;
	[dreg:$0xd] =	wrdreg s16  }
0xc: {  	s18 =	simm.s32 $0x380;
	[dreg:$0xe] =	wrdreg s17  }
0xd: {  	s19 =	simm.s32 $0x4800;
	[dreg:$0xf] =	wrdreg s18  }
0xe: {  	s20 =	simm.s32 $0x400;
	[dreg:$0x10] =	wrdreg s19  }
0xf: {  	s21 =	simm.s32 $0x5000;
	[dreg:$0x11] =	wrdreg s20  }
0x10: {  	s22 =	simm.s32 $0x480;
	[dreg:$0x12] =	wrdreg s21  }
0x11: {  	s23 =	simm.s32 $0x5800;
	[dreg:$0x13] =	wrdreg s22  }
0x12: {  	s24 =	simm.s32 $0x500;
	[dreg:$0x14] =	wrdreg s23  }
0x13: {  	s25 =	simm.s32 $0x6000;
	[dreg:$0x15] =	wrdreg s24  }
0x14: {  	s2 =	stileid.u32;
	s26 =	simm.s32 $0x580;
	[dreg:$0x16] =	wrdreg s25  }
0x15: {  	s28 =	simm.s32 $0x6800;
	s29 =	sshll.u32 s2, $0x1;
	[dreg:$0x17] =	wrdreg s26  }
0x16: {  	s7 =	sor.u32 s11, s29;
	[dreg:$0x18] =	wrdreg s28;
	s29 =	simm.s32 $0x600  }
0x17: {  	s30 =	simm.s32 $0x7000;
	[dreg:$0x19] =	wrdreg s29  }
0x18: {  	s31 =	simm.s32 $0x680;
	[dreg:$0x1a] =	wrdreg s30  }
0x19: {  	s9 =	simm.s32 $0x8000;
	[dreg:$0x1b] =	wrdreg s31  }
0x1a: {  	s12 =	simm.s32 $0x780;
	[dreg:$0x1e] =	wrdreg s9  }
0x1b: {  	s13 =	simm.s32 $0x8800;
	[dreg:$0x1f] =	wrdreg s12  }
0x1c: {  	s14 =	simm.s32 $0x800;
	[smem:$0x7D9] =	sst s13  }
0x1d: {  	s15 =	simm.s32 $0x880;
	[smem:$0x7DA] =	sst s14  }
0x1e: {  	s16 =	simm.s32 $0x9800;
	[smem:$0x7DB] =	sst s15  }
0x1f: {  	s17 =	simm.s32 $0x900;
	[smem:$0x7DC] =	sst s16  }
0x20: {  	s18 =	simm.s32 $0xA000;
	[smem:$0x7DD] =	sst s17  }
0x21: {  	s19 =	simm.s32 $0x980;
	[smem:$0x7DE] =	sst s18  }
0x22: {  	s20 =	simm.s32 $0xA800;
	[smem:$0x7DF] =	sst s19  }
0x23: {  	s21 =	simm.s32 $0xA00;
	[smem:$0x7E0] =	sst s20  }
0x24: {  	s22 =	simm.s32 $0xB000;
	[smem:$0x7E1] =	sst s21  }
0x25: {  	s24 =	simm.s32 $0xA80;
	[smem:$0x7E2] =	sst s22  }
0x26: {  	s25 =	simm.s32 $0xB800;
	[smem:$0x7E3] =	sst s24  }
0x27: {  	s26 =	simm.s32 $0xB00;
	[smem:$0x7E4] =	sst s25  }
0x28: {  	s28 =	simm.s32 $0xC000;
	[smem:$0x7E5] =	sst s26  }
0x29: {  	[smem:$0x7E6] =	sst s28;
	s29 =	simm.s32 $0xB80  }
0x2a: {  	s30 =	simm.s32 $0xC800;
	[smem:$0x7E7] =	sst s29  }
0x2b: {  	s31 =	simm.s32 $0xC00;
	[smem:$0x7E9] =	sst s30  }
0x2c: {  	s12 =	simm.s32 $0xD800;
	[smem:$0x7EB] =	sst s31  }
0x2d: {  	s3 =	simm.s32 $0x0;
	s15 =	simm.s32 $0xD00;
	[smem:$0x7EE] =	sst s12  }
0x2e: {  	s5 =	smul.u32 $0x32000, s2;
	s17 =	simm.s32 $0xE000;
	[smem:$0x7EF] =	sst s15  }
0x2f: {  	s10 =	sadd.s32 $0x1400, s0;
	s18 =	simm.s32 $0xD80;
	[smem:$0x7F1] =	sst s17  }
0x30: {  	s6 =	smul.u32 $0x19000, s11;
	s20 =	simm.s32 $0xE800;
	[smem:$0x7F2] =	sst s18  }
0x31: {  	s23 =	ssub.s32 $0x2, s11;
	s21 =	simm.s32 $0xE00;
	[smem:$0x7F4] =	sst s20  }
0x32: {  	s1 =	smul.u32 $0x3200, s7;
	s25 =	simm.s32 $0xE80;
	[smem:$0x7F5] =	sst s21  }
0x33: {  	s13 =	sadd.s32 $0x1EBE00, s0;
	s26 =	simm.s32 $0xF800;
	[smem:$0x7F7] =	sst s25  }
0x34: {  	s9 =	sshrl.u32 s23, $0x1;
	s28 =	simm.s32 $0xF00;
	[smem:$0x7F9] =	sst s26  }
0x35: {  	s7 =	smul.u32 $0x190000, s7;
	[smem:$0x7FA] =	sst s28;
	s29 =	simm.s32 $0x10000  }
0x36: {  	s14 =	smul.u32 $0x320000, s2;
	s30 =	simm.s32 $0xF80;
	[smem:$0x7FB] =	sst s29  }
0x37: {  	s31 =	simm.s32 $0x10800;
	s4 =	sadd.s32 s10, s1;
	[smem:$0x7FC] =	sst s30  }
0x38: {  	s1 =	sadd.s32 s6, s5;
	s6 =	simm.s32 $0x2000;
	[smem:$0x7FD] =	sst s31  }
0x39: {  	s16 =	smul.u32 $0x190000, s11;
	s8 =	sadd.s32 $0x100, s4;
	[dreg:$0x6] =	wrdreg s6  }
0x3a: {  	s22 =	smul.u32 $0x64000, s2;
	s5 =	sadd.s32 $0x1000, s1;
	[dreg:$0x2] =	wrdreg s8  }
0x3b: {  	s7 =	sshrl.u32 s7, $0x3;
	s6 =	simm.s32 $0x7800;
	[dreg:$0x3] =	wrdreg s5  }
0x3c: {  	s7 =	sadd.s32 s13, s7;
	s8 =	simm.s32 $0x180;
	[dreg:$0x1c] =	wrdreg s6  }
0x3d: {  	s1 =	sor.u32 $0x800, s1;
	s7 =	sadd.s32 $0x31000, s7;
	[dreg:$0x7] =	wrdreg s8  }
0x3e: {  	s1 =	sshrl.u32 s1, $0x3;
	s8 =	simm.s32 $0x700;
	[smem:$0x7E8] =	sst s7  }
0x3f: {  	s19 =	sadd.s32 s16, s14;
	s1 =	sadd.s32 s1, s10;
	[dreg:$0x1d] =	wrdreg s8  }
0x40: {  	s8 =	ssub.s32 s23, s9;
	s9 =	simm.s32 $0xC80;
	[smem:$0x7F0] =	sst s1  }
0x41: {  	s24 =	smul.u32 $0x32000, s11;
	s1 =	sadd.s32 $0xFFFF8000, s19;
	[smem:$0x7ED] =	sst s9  }
0x42: {  	s11 =	simm.s32 $0x3;
	s23 =	simm.s32 $0xF000;
	[smem:$0x7F3] =	sst s1  }
0x43: {  	s2 =	simm.s32 $0x0;
	s6 =	smax.u32 s8, $0x1;
	[smem:$0x7F6] =	sst s23  }
0x44: {  	s8 =	simm.s32 $0xD000;
	s1 =	sadd.s32 s22, s13;
	[smem:$0x7EA] =	sst s6  }
0x45: {  	s12 =	simm.s32 $0x80;
	[smem:$0x7EC] =	sst s8;
	s1 =	sadd.s32 s24, s1  }
0x46: {  	s15 =	simm.s32 $0x1000;
	s5 =	sadd.s32 $0x65400, s0;
	[smem:$0x7F8] =	sst s1  }
.LBB2_1:
0x47: {  	p0 =	por $0x1, $0x1  }
0x48: {  	[smem:$0x7D8] =	sst s2;
	s0 =	simm.s32 @p0 $0x0;
	s1 =	simm.s32 @!p0 $0x5  }
0x49: {  	[tilespmem:s0], [sflag:$0x7] =	stream.linear.gather @p0 [hbm4b:s4+s0], $0x800, $0x38;
	[tilespmem:$0x11000] =	vst v63  }
0x4a: {  	_ =	swait.ge @!p0 [sflag:s1], $0x8000  }
0x4b: {  	s7 =	simm.s32 @!p0 $0x1;
	[sflag:s1] =	ssyncset.done @!p0 $0x0  }
0x4c: {  	s7 =	simm.s32 @p0 $0x7;
	[sflag:s1] =	ssyncadd.s32 @!p0 $0xFFFF8000  }
0x4d: {  	_ =	swait.ge [sflag:s7], $0x800  }
0x4e: {  	s6 =	rddreg [dreg:$0xb]  }
0x4f: {  	s8 =	rddreg [dreg:$0x1e]  }
0x50: {  	s9 =	rddreg [dreg:$0xc]  }
0x51: {  	s16 =	rddreg [dreg:$0x1a]  }
0x52: {  	s17 =	rddreg [dreg:$0x9]  }
0x53: {  	s18 =	rddreg [dreg:$0x16]  }
0x54: {  	s20 =	rddreg [dreg:$0x7]  }
0x55: {  	s21 =	rddreg [dreg:$0x12]  }
0x56: {  	s22 =	rddreg [dreg:$0xe]  }
0x57: {  	s23 =	rddreg [dreg:$0xa]  }
0x58: {  	s24 =	rddreg [dreg:$0x5]  }
0x59: {  	s25 =	rddreg [dreg:$0x4]  }
0x5a: {  	[sflag:s7] =	ssyncset.done $0x0;
	s26 =	rddreg [dreg:$0x8]  }
0x5b: {  	s14 =	rddreg [dreg:$0x6];
	[sflag:s7] =	ssyncadd.s32 $0xFFFFF800  }
0x5c: {  	[tilespmem:s15], [sflag:$0x3] =	stream.indirect.gather [hbm4b:s5+s12], $0x10, s3, s12, $0xb8;
	[tilespmem:$0x11000] =	vst v63  }
0x5d: {  	s28 =	rddreg [dreg:$0xd]  }
0x5e: {  	[tilespmem:s25], [sflag:$0x3] =	stream.indirect.gather [hbm4b:s5+s12], $0x10, s12, s12, $0xb8;
	[tilespmem:$0x11000] =	vst v63  }
0x5f: {  	s29 =	rddreg [dreg:$0x10]  }
0x60: {  	[tilespmem:s14], [sflag:$0x3] =	stream.indirect.gather [hbm4b:s5+s12], $0x10, s24, s12, $0xb8;
	[tilespmem:$0x11000] =	vst v63  }
0x61: {  	s19 =	rddreg [dreg:$0x11]  }
0x62: {  	[tilespmem:s26], [sflag:$0x3] =	stream.indirect.gather [hbm4b:s5+s12], $0x10, s20, s12, $0xb8;
	[tilespmem:$0x11000] =	vst v63  }
0x63: {  	s2 =	rddreg [dreg:$0x15]  }
0x64: {  	[tilespmem:s23], [sflag:$0x3] =	stream.indirect.gather [hbm4b:s5+s12], $0x10, s17, s12, $0xb8;
	[tilespmem:$0x11000] =	vst v63  }
0x65: {  	s15 =	rddreg [dreg:$0xf]  }
0x66: {  	[tilespmem:s9], [sflag:$0x3] =	stream.indirect.gather [hbm4b:s5+s12], $0x10, s6, s12, $0xb8;
	[tilespmem:$0x11000] =	vst v63  }
0x67: {  	s3 =	rddreg [dreg:$0x18]  }
0x68: {  	[tilespmem:s22], [sflag:$0x3] =	stream.indirect.gather [hbm4b:s5+s12], $0x10, s28, s12, $0xb8;
	[tilespmem:$0x11000] =	vst v63  }
0x69: {  	s24 =	rddreg [dreg:$0x14]  }
0x6a: {  	[tilespmem:s29], [sflag:$0x3] =	stream.indirect.gather [hbm4b:s5+s12], $0x10, s15, s12, $0xb8;
	[tilespmem:$0x11000] =	vst v63  }
0x6b: {  	s14 =	rddreg [dreg:$0x19]  }
0x6c: {  	[tilespmem:s21], [sflag:$0x3] =	stream.indirect.gather [hbm4b:s5+s12], $0x10, s19, s12, $0xb8;
	[tilespmem:$0x11000] =	vst v63  }
0x6d: {  	s26 =	rddreg [dreg:$0x13]  }
0x6e: {  	[tilespmem:s24], [sflag:$0x3] =	stream.indirect.gather [hbm4b:s5+s12], $0x10, s26, s12, $0xb8;
	[tilespmem:$0x11000] =	vst v63  }
0x6f: {  	s20 =	rddreg [dreg:$0x1d]  }
0x70: {  	[tilespmem:s18], [sflag:$0x3] =	stream.indirect.gather [hbm4b:s5+s12], $0x10, s2, s12, $0xb8;
	[tilespmem:$0x11000] =	vst v63  }
0x71: {  	s6 =	rddreg [dreg:$0x17]  }
0x72: {  	[tilespmem:s3], [sflag:$0x3] =	stream.indirect.gather [hbm4b:s5+s12], $0x10, s6, s12, $0xb8;
	[tilespmem:$0x11000] =	vst v63  }
0x73: {  	s15 =	rddreg [dreg:$0x1c]  }
0x74: {  	[tilespmem:s16], [sflag:$0x3] =	stream.indirect.gather [hbm4b:s5+s12], $0x10, s14, s12, $0xb8;
	[tilespmem:$0x11000] =	vst v63  }
0x75: {  	s19 =	rddreg [dreg:$0x1b]  }
0x76: {  	[tilespmem:s15], [sflag:$0x3] =	stream.indirect.gather [hbm4b:s5+s12], $0x10, s19, s12, $0xb8;
	[tilespmem:$0x11000] =	vst v63  }
0x77: {  	s21 =	sld [smem:$0x7D9]  }
0x78: {  	[tilespmem:s8], [sflag:$0x3] =	stream.indirect.gather [hbm4b:s5+s12], $0x10, s20, s12, $0xb8;
	[tilespmem:$0x11000] =	vst v63  }
0x79: {  	s22 =	rddreg [dreg:$0x1f]  }
0x7a: {  	[tilespmem:s21], [sflag:$0x3] =	stream.indirect.gather [hbm4b:s5+s12], $0x10, s22, s12, $0xb8;
	[tilespmem:$0x11000] =	vst v63  }
0x7b: {  	s1 =	simm.s32 @p0 $0x800;
	s7 =	simm.s32 @!p0 $0x4;
	s8 =	rddreg [dreg:$0x2]  }
0x7c: {  	[tilespmem:s1], [sflag:$0x7] =	stream.linear.gather @p0 [hbm4b:s8+s0], $0x800, $0x38;
	[tilespmem:$0x11000] =	vst v63  }
0x7d: {  	_ =	swait.ge @!p0 [sflag:s7], $0x8000  }
0x7e: {  	s3 =	sld [smem:$0x7F3]  }
0x7f: {  	s2 =	sld [smem:$0x7F0]  }
0x80: {  	s1 =	simm.s32 @!p0 $0x0;
	[sflag:s7] =	ssyncset.done @!p0 $0x0  }
0x81: {  	[sflag:s7] =	ssyncadd.s32 @!p0 $0xFFFF8000;
	s7 =	simm.s32 @!p0 $0x800;
	s0 =	sshrl.u32 @!p0 s3, $0x3  }
0x82: {  	[tilespmem:s7], [sflag:$0x2] =	stream.linear.gather @!p0 [hbm4b:s2+s1], $0x800, $0x38;
	[tilespmem:$0x11000] =	vst v63  }
0x83: {  	s8 =	simm.s32 @!p0 $0x6;
	s7 =	simm.s32 @!p0 $0x9000;
	s0 =	sadd.s32 @!p0 s13, s0  }
0x84: {  	[hbm4b:s0+s1] =	stream.linear.scatter @!p0 [tilespmem:s7], [sflag:$0x6], $0x8000, $0x38;
	[tilespmem:$0x11000] =	vst v63  }
0x85: {  	_ =	swait.ge @!p0 [sflag:s8], $0x8000  }
0x86: {  	s9 =	simm.s32 @!p0 $0x2;
	[sflag:s8] =	ssyncset.done @!p0 $0x0  }
0x87: {  	s9 =	simm.s32 @p0 $0x7;
	[sflag:s8] =	ssyncadd.s32 @!p0 $0xFFFF8000  }
0x88: {  	_ =	swait.ge [sflag:s9], $0x800  }
0x89: {  	s26 =	sld [smem:$0x7FD]  }
0x8a: {  	s28 =	sld [smem:$0x7FB]  }
0x8b: {  	s29 =	sld [smem:$0x7F9]  }
0x8c: {  	s30 =	sld [smem:$0x7F7]  }
0x8d: {  	s8 =	sld [smem:$0x7E6]  }
0x8e: {  	s20 =	sld [smem:$0x7E4]  }
0x8f: {  	s1 =	sld [smem:$0x7F1]  }
0x90: {  	s31 =	sld [smem:$0x7F4]  }
0x91: {  	s7 =	sld [smem:$0x7EC]  }
0x92: {  	s0 =	sld [smem:$0x7EE]  }
0x93: {  	s17 =	sld [smem:$0x7E9]  }
0x94: {  	s23 =	sld [smem:$0x7DB]  }
0x95: {  	s21 =	sld [smem:$0x7DD]  }
0x96: {  	s22 =	sld [smem:$0x7DE]  }
0x97: {  	s19 =	sld [smem:$0x7DC]  }
0x98: {  	s25 =	sld [smem:$0x7DA]  }
0x99: {  	s6 =	sld [smem:$0x7E2]  }
0x9a: {  	s16 =	sld [smem:$0x7F2]  }
0x9b: {  	[sflag:s9] =	ssyncset.done $0x0;
	s15 =	sld [smem:$0x7E0]  }
0x9c: {  	s14 =	simm.s32 $0x9000;
	s24 =	sld [smem:$0x7E3];
	[sflag:s9] =	ssyncadd.s32 $0xFFFFF800  }
0x9d: {  	[tilespmem:s14], [sflag:$0x4] =	stream.indirect.gather [hbm4b:s5+s12], $0x10, s25, s12, $0xb8;
	[tilespmem:$0x11000] =	vst v63  }
0x9e: {  	s18 =	sld [smem:$0x7E5]  }
0x9f: {  	[tilespmem:s19], [sflag:$0x4] =	stream.indirect.gather [hbm4b:s5+s12], $0x10, s23, s12, $0xb8;
	[tilespmem:$0x11000] =	vst v63  }
0xa0: {  	s19 =	sld [smem:$0x7DF]  }
0xa1: {  	[tilespmem:s22], [sflag:$0x4] =	stream.indirect.gather [hbm4b:s5+s12], $0x10, s21, s12, $0xb8;
	[tilespmem:$0x11000] =	vst v63  }
0xa2: {  	s23 =	sld [smem:$0x7E1]  }
0xa3: {  	[tilespmem:s15], [sflag:$0x4] =	stream.indirect.gather [hbm4b:s5+s12], $0x10, s19, s12, $0xb8;
	[tilespmem:$0x11000] =	vst v63  }
0xa4: {  	s21 =	sld [smem:$0x7F8]  }
0xa5: {  	[tilespmem:s6], [sflag:$0x4] =	stream.indirect.gather [hbm4b:s5+s12], $0x10, s23, s12, $0xb8;
	[tilespmem:$0x11000] =	vst v63  }
0xa6: {  	s9 =	sld [smem:$0x7E7];
	s25 =	sadd.s32 $0x10000, s3;
	s22 =	simm.s32 $0x1000  }
0xa7: {  	[tilespmem:s20], [sflag:$0x4] =	stream.indirect.gather [hbm4b:s5+s12], $0x10, s24, s12, $0xb8;
	[tilespmem:$0x11000] =	vst v63  }
0xa8: {  	s23 =	sadd.s32 $0x2000, s21;
	s24 =	sadd.s32 $0x200, s2;
	s20 =	simm.s32 $0x0  }
.LBB2_2:
0xa9: {  	_ = 	snop  }
0xaa: {  	[tilespmem:s8], [sflag:$0x4] =	stream.indirect.gather [hbm4b:s5+s12], $0x10, s18, s12, $0xb8;
	[tilespmem:$0x11000] =	vst v63  }
0xab: {  	s2 =	sld [smem:$0x7EB]  }
0xac: {  	[tilespmem:s17], [sflag:$0x4] =	stream.indirect.gather [hbm4b:s5+s12], $0x10, s9, s12, $0xb8;
	[tilespmem:$0x11000] =	vst v63  }
0xad: {  	s6 =	sld [smem:$0x7ED]  }
0xae: {  	[tilespmem:s7], [sflag:$0x4] =	stream.indirect.gather [hbm4b:s5+s12], $0x10, s2, s12, $0xb8;
	[tilespmem:$0x11000] =	vst v63  }
0xaf: {  	s8 =	sld [smem:$0x7EF]  }
0xb0: {  	[tilespmem:s0], [sflag:$0x4] =	stream.indirect.gather [hbm4b:s5+s12], $0x10, s6, s12, $0xb8;
	[tilespmem:$0x11000] =	vst v63  }
0xb1: {  	s14 =	sld [smem:$0x7F5]  }
0xb2: {  	[tilespmem:s1], [sflag:$0x4] =	stream.indirect.gather [hbm4b:s5+s12], $0x10, s8, s12, $0xb8;
	[tilespmem:$0x11000] =	vst v63  }
0xb3: {  	s9 =	sld [smem:$0x7F6]  }
0xb4: {  	[tilespmem:s31], [sflag:$0x4] =	stream.indirect.gather [hbm4b:s5+s12], $0x10, s16, s12, $0xb8;
	[tilespmem:$0x11000] =	vst v63  }
0xb5: {  	_ = 	snop  }
0xb6: {  	[tilespmem:s9], [sflag:$0x4] =	stream.indirect.gather [hbm4b:s5+s12], $0x10, s14, s12, $0xb8;
	[tilespmem:$0x11000] =	vst v63  }
0xb7: {  	s15 =	sld [smem:$0x7FA]  }
0xb8: {  	[tilespmem:s29], [sflag:$0x4] =	stream.indirect.gather [hbm4b:s5+s12], $0x10, s30, s12, $0xb8;
	[tilespmem:$0x11000] =	vst v63  }
0xb9: {  	s16 =	sld [smem:$0x7FC]  }
0xba: {  	[tilespmem:s28], [sflag:$0x4] =	stream.indirect.gather [hbm4b:s5+s12], $0x10, s15, s12, $0xb8;
	[tilespmem:$0x11000] =	vst v63  }
0xbb: {  	_ = 	snop  }
0xbc: {  	[tilespmem:s26], [sflag:$0x4] =	stream.indirect.gather [hbm4b:s5+s12], $0x10, s16, s12, $0xb8;
	[tilespmem:$0x11000] =	vst v63  }
0xbd: {  	_ =	swait.ge [sflag:s11], $0x8000  }
0xbe: {  	p1 =	seq.s32 s20, $0x18000;
	s0 =	rddreg [dreg:$0x3]  }
0xbf: {  	s3 =	smov.u32 s22;
	s0 =	sadd.s32 @!p1 s20, s0  }
0xc0: {  	s1 =	simm.s32 @!p1 $0x0;
	[sflag:s11] =	ssyncset.done $0x0;
	s0 =	sshrl.u32 @!p1 s0, $0x3  }
0xc1: {  	s20 =	smov.u32 s3;
	[sflag:s11] =	ssyncadd.s32 $0xFFFF8000;
	s0 =	sadd.s32 @!p1 s10, s0  }
0xc2: {  	[tilespmem:s1], [sflag:$0x1] =	stream.linear.gather @!p1 [hbm4b:s0+s1], $0x800, $0x38;
	[tilespmem:$0x11000] =	vst v63  }
0xc3: {  	s2 =	simm.s32 $0x0;
	s3 =	simm.s32 $0x1000;
	p1 =	seq.s32 s20, $0x0  }
0xc4: {  	[hbm4b:s21+s2] =	stream.linear.scatter [tilespmem:s3], [sflag:$0x5], $0x8000, $0x38;
	[tilespmem:$0x11000] =	vst v63  }
0xc5: {  	s28 =	simm.s32 @p1 $0x0;
	s0 =	simm.s32 @!p1 $0x5  }
0xc6: {  	[tilespmem:s28], [sflag:$0x7] =	stream.linear.gather @p1 [hbm4b:s4+s28], $0x800, $0x38;
	[tilespmem:$0x11000] =	vst v63  }
0xc7: {  	_ =	swait.ge @!p1 [sflag:s0], $0x8000  }
0xc8: {  	s1 =	simm.s32 @!p1 $0x1;
	[sflag:s0] =	ssyncset.done @!p1 $0x0  }
0xc9: {  	s1 =	simm.s32 @p1 $0x7;
	[sflag:s0] =	ssyncadd.s32 @!p1 $0xFFFF8000  }
0xca: {  	s7 =	sshrl.u32 @!p1 s25, $0x3;
	_ =	swait.ge [sflag:s1], $0x800  }
0xcb: {  	s26 =	sadd.s32 @!p1 s13, s7;
	s7 =	rddreg [dreg:$0xb]  }
0xcc: {  	s0 =	rddreg [dreg:$0x1e]  }
0xcd: {  	s8 =	rddreg [dreg:$0xc]  }
0xce: {  	s9 =	rddreg [dreg:$0x9]  }
0xcf: {  	s16 =	rddreg [dreg:$0x16]  }
0xd0: {  	s17 =	rddreg [dreg:$0x7]  }
0xd1: {  	s18 =	rddreg [dreg:$0x12]  }
0xd2: {  	s30 =	rddreg [dreg:$0xe]  }
0xd3: {  	s31 =	rddreg [dreg:$0xa]  }
0xd4: {  	s6 =	smov.u32 s4;
	s4 =	smov.u32 s10;
	s10 =	rddreg [dreg:$0x5]  }
0xd5: {  	s11 =	rddreg [dreg:$0x4]  }
0xd6: {  	s19 =	rddreg [dreg:$0x8]  }
0xd7: {  	[sflag:s1] =	ssyncset.done $0x0;
	s14 =	rddreg [dreg:$0x6]  }
0xd8: {  	[sflag:s1] =	ssyncadd.s32 $0xFFFFF800;
	s1 =	rddreg [dreg:$0x1a]  }
0xd9: {  	[tilespmem:s3], [sflag:$0x3] =	stream.indirect.gather [hbm4b:s5+s12], $0x10, s2, s12, $0xb8;
	[tilespmem:$0x11000] =	vst v63  }
0xda: {  	s2 =	rddreg [dreg:$0xd]  }
0xdb: {  	[tilespmem:s11], [sflag:$0x3] =	stream.indirect.gather [hbm4b:s5+s12], $0x10, s12, s12, $0xb8;
	[tilespmem:$0x11000] =	vst v63  }
0xdc: {  	s3 =	rddreg [dreg:$0x10]  }
0xdd: {  	[tilespmem:s14], [sflag:$0x3] =	stream.indirect.gather [hbm4b:s5+s12], $0x10, s10, s12, $0xb8;
	[tilespmem:$0x11000] =	vst v63  }
0xde: {  	s11 =	rddreg [dreg:$0xf]  }
0xdf: {  	[tilespmem:s19], [sflag:$0x3] =	stream.indirect.gather [hbm4b:s5+s12], $0x10, s17, s12, $0xb8;
	[tilespmem:$0x11000] =	vst v63  }
0xe0: {  	s10 =	rddreg [dreg:$0x11]  }
0xe1: {  	[tilespmem:s31], [sflag:$0x3] =	stream.indirect.gather [hbm4b:s5+s12], $0x10, s9, s12, $0xb8;
	[tilespmem:$0x11000] =	vst v63  }
0xe2: {  	s14 =	rddreg [dreg:$0x14]  }
0xe3: {  	[tilespmem:s8], [sflag:$0x3] =	stream.indirect.gather [hbm4b:s5+s12], $0x10, s7, s12, $0xb8;
	[tilespmem:$0x11000] =	vst v63  }
0xe4: {  	s17 =	rddreg [dreg:$0x15]  }
0xe5: {  	[tilespmem:s30], [sflag:$0x3] =	stream.indirect.gather [hbm4b:s5+s12], $0x10, s2, s12, $0xb8;
	[tilespmem:$0x11000] =	vst v63  }
0xe6: {  	s19 =	rddreg [dreg:$0x18]  }
0xe7: {  	[tilespmem:s3], [sflag:$0x3] =	stream.indirect.gather [hbm4b:s5+s12], $0x10, s11, s12, $0xb8;
	[tilespmem:$0x11000] =	vst v63  }
0xe8: {  	s9 =	rddreg [dreg:$0x13]  }
0xe9: {  	[tilespmem:s18], [sflag:$0x3] =	stream.indirect.gather [hbm4b:s5+s12], $0x10, s10, s12, $0xb8;
	[tilespmem:$0x11000] =	vst v63  }
0xea: {  	s8 =	rddreg [dreg:$0x17]  }
0xeb: {  	[tilespmem:s14], [sflag:$0x3] =	stream.indirect.gather [hbm4b:s5+s12], $0x10, s9, s12, $0xb8;
	[tilespmem:$0x11000] =	vst v63  }
0xec: {  	s11 =	rddreg [dreg:$0x1c]  }
0xed: {  	[tilespmem:s16], [sflag:$0x3] =	stream.indirect.gather [hbm4b:s5+s12], $0x10, s17, s12, $0xb8;
	[tilespmem:$0x11000] =	vst v63  }
0xee: {  	s10 =	rddreg [dreg:$0x19]  }
0xef: {  	[tilespmem:s19], [sflag:$0x3] =	stream.indirect.gather [hbm4b:s5+s12], $0x10, s8, s12, $0xb8;
	[tilespmem:$0x11000] =	vst v63  }
0xf0: {  	s14 =	rddreg [dreg:$0x1b]  }
0xf1: {  	[tilespmem:s1], [sflag:$0x3] =	stream.indirect.gather [hbm4b:s5+s12], $0x10, s10, s12, $0xb8;
	[tilespmem:$0x11000] =	vst v63  }
0xf2: {  	s16 =	rddreg [dreg:$0x1d]  }
0xf3: {  	[tilespmem:s11], [sflag:$0x3] =	stream.indirect.gather [hbm4b:s5+s12], $0x10, s14, s12, $0xb8;
	[tilespmem:$0x11000] =	vst v63  }
0xf4: {  	s17 =	sld [smem:$0x7D9]  }
0xf5: {  	[tilespmem:s0], [sflag:$0x3] =	stream.indirect.gather [hbm4b:s5+s12], $0x10, s16, s12, $0xb8;
	[tilespmem:$0x11000] =	vst v63  }
0xf6: {  	s18 =	rddreg [dreg:$0x1f]  }
0xf7: {  	[tilespmem:s17], [sflag:$0x3] =	stream.indirect.gather [hbm4b:s5+s12], $0x10, s18, s12, $0xb8;
	[tilespmem:$0x11000] =	vst v63  }
0xf8: {  	s2 =	simm.s32 @!p1 $0x4;
	s1 =	simm.s32 @p1 $0x800;
	s0 =	rddreg [dreg:$0x2]  }
0xf9: {  	[tilespmem:s1], [sflag:$0x7] =	stream.linear.gather @p1 [hbm4b:s0+s28], $0x800, $0x38;
	[tilespmem:$0x11000] =	vst v63  }
0xfa: {  	_ =	swait.ge @!p1 [sflag:s2], $0x8000  }
0xfb: {  	[sflag:s2] =	ssyncset.done @!p1 $0x0  }
0xfc: {  	s0 =	simm.s32 @!p1 $0x0;
	s1 =	simm.s32 @!p1 $0x800;
	[sflag:s2] =	ssyncadd.s32 @!p1 $0xFFFF8000  }
0xfd: {  	[tilespmem:s1], [sflag:$0x2] =	stream.linear.gather @!p1 [hbm4b:s24+s0], $0x800, $0x38;
	[tilespmem:$0x11000] =	vst v63  }
0xfe: {  	s2 =	simm.s32 @!p1 $0x6;
	s1 =	simm.s32 @!p1 $0x9000  }
0xff: {  	[hbm4b:s26+s0] =	stream.linear.scatter @!p1 [tilespmem:s1], [sflag:$0x6], $0x8000, $0x38;
	[tilespmem:$0x11000] =	vst v63  }
0x100: {  	_ =	swait.ge @!p1 [sflag:s2], $0x8000  }
0x101: {  	s29 =	simm.s32 @!p1 $0x2;
	[sflag:s2] =	ssyncset.done @!p1 $0x0  }
0x102: {  	s29 =	simm.s32 @p1 $0x7;
	[sflag:s2] =	ssyncadd.s32 @!p1 $0xFFFF8000  }
0x103: {  	_ =	swait.ge [sflag:s29], $0x800  }
0x104: {  	s26 =	sld [smem:$0x7FD]  }
0x105: {  	s28 =	sld [smem:$0x7FB]  }
0x106: {  	s30 =	sld [smem:$0x7F7]  }
0x107: {  	s8 =	sld [smem:$0x7E6]  }
0x108: {  	s2 =	sld [smem:$0x7E4]  }
0x109: {  	s1 =	sld [smem:$0x7F1]  }
0x10a: {  	s31 =	sld [smem:$0x7F4]  }
0x10b: {  	s7 =	sld [smem:$0x7EC]  }
0x10c: {  	s0 =	sld [smem:$0x7EE]  }
0x10d: {  	s17 =	sld [smem:$0x7E9]  }
0x10e: {  	s3 =	sld [smem:$0x7DB]  }
0x10f: {  	s9 =	sld [smem:$0x7DD]  }
0x110: {  	s10 =	sld [smem:$0x7DE]  }
0x111: {  	s11 =	sld [smem:$0x7DC]  }
0x112: {  	s14 =	sld [smem:$0x7DA]  }
0x113: {  	s18 =	sld [smem:$0x7E2]  }
0x114: {  	[sflag:s29] =	ssyncset.done $0x0;
	s16 =	sld [smem:$0x7F2]  }
0x115: {  	s19 =	simm.s32 $0x9000;
	[sflag:s29] =	ssyncadd.s32 $0xFFFFF800;
	s29 =	sld [smem:$0x7F9]  }
0x116: {  	[tilespmem:s19], [sflag:$0x4] =	stream.indirect.gather [hbm4b:s5+s12], $0x10, s14, s12, $0xb8;
	[tilespmem:$0x11000] =	vst v63  }
0x117: {  	s22 =	sadd.s32 $0x1000, s22;
	s14 =	sld [smem:$0x7E0]  }
0x118: {  	[tilespmem:s11], [sflag:$0x4] =	stream.indirect.gather [hbm4b:s5+s12], $0x10, s3, s12, $0xb8;
	[tilespmem:$0x11000] =	vst v63  }
0x119: {  	p0 =	sne.s32 s22, $0x19000;
	s15 =	simm.s32 $0x1000;
	s19 =	sld [smem:$0x7DF]  }
0x11a: {  	[tilespmem:s10], [sflag:$0x4] =	stream.indirect.gather [hbm4b:s5+s12], $0x10, s9, s12, $0xb8;
	[tilespmem:$0x11000] =	vst v63  }
0x11b: {  	s10 =	smov.u32 s4;
	s4 =	smov.u32 s6;
	s6 =	sld [smem:$0x7E1]  }
0x11c: {  	[tilespmem:s14], [sflag:$0x4] =	stream.indirect.gather [hbm4b:s5+s12], $0x10, s19, s12, $0xb8;
	[tilespmem:$0x11000] =	vst v63  }
.Ltmp0:
0x11d: {  	s25 =	sadd.s32 $0x10000, s25;
	s9 =	sld [smem:$0x7E7];
	(pc) =	sbr.rel @p0 .LBB2_2-.Ltmp0, $4  }
0x11e: {  	s21 =	smov.u32 s23;
	s23 =	sadd.s32 $0x2000, s23;
	s19 =	sld [smem:$0x7E3]  }
0x11f: {  	[tilespmem:s18], [sflag:$0x4] =	stream.indirect.gather [hbm4b:s5+s12], $0x10, s6, s12, $0xb8;
	[tilespmem:$0x11000] =	vst v63  }
0x120: {  	s24 =	sadd.s32 $0x200, s24;
	s11 =	simm.s32 $0x3;
	s18 =	sld [smem:$0x7E5]  }
0x121: {  	[tilespmem:s2], [sflag:$0x4] =	stream.indirect.gather [hbm4b:s5+s12], $0x10, s19, s12, $0xb8;
	[tilespmem:$0x11000] =	vst v63  }
0x122: {  	_ = 	snop  }
0x123: {  	[tilespmem:s8], [sflag:$0x4] =	stream.indirect.gather [hbm4b:s5+s12], $0x10, s18, s12, $0xb8;
	[tilespmem:$0x11000] =	vst v63  }
0x124: {  	s2 =	sld [smem:$0x7EB]  }
0x125: {  	[tilespmem:s17], [sflag:$0x4] =	stream.indirect.gather [hbm4b:s5+s12], $0x10, s9, s12, $0xb8;
	[tilespmem:$0x11000] =	vst v63  }
0x126: {  	s3 =	sld [smem:$0x7ED]  }
0x127: {  	[tilespmem:s7], [sflag:$0x4] =	stream.indirect.gather [hbm4b:s5+s12], $0x10, s2, s12, $0xb8;
	[tilespmem:$0x11000] =	vst v63  }
0x128: {  	s14 =	sld [smem:$0x7EF]  }
0x129: {  	[tilespmem:s0], [sflag:$0x4] =	stream.indirect.gather [hbm4b:s5+s12], $0x10, s3, s12, $0xb8;
	[tilespmem:$0x11000] =	vst v63  }
0x12a: {  	s18 =	sld [smem:$0x7F5]  }
0x12b: {  	[tilespmem:s1], [sflag:$0x4] =	stream.indirect.gather [hbm4b:s5+s12], $0x10, s14, s12, $0xb8;
	[tilespmem:$0x11000] =	vst v63  }
0x12c: {  	s17 =	sld [smem:$0x7F6]  }
0x12d: {  	[tilespmem:s31], [sflag:$0x4] =	stream.indirect.gather [hbm4b:s5+s12], $0x10, s16, s12, $0xb8;
	[tilespmem:$0x11000] =	vst v63  }
0x12e: {  	_ = 	snop  }
0x12f: {  	[tilespmem:s17], [sflag:$0x4] =	stream.indirect.gather [hbm4b:s5+s12], $0x10, s18, s12, $0xb8;
	[tilespmem:$0x11000] =	vst v63  }
0x130: {  	s19 =	sld [smem:$0x7FA]  }
0x131: {  	[tilespmem:s29], [sflag:$0x4] =	stream.indirect.gather [hbm4b:s5+s12], $0x10, s30, s12, $0xb8;
	[tilespmem:$0x11000] =	vst v63  }
0x132: {  	s22 =	sld [smem:$0x7FC]  }
0x133: {  	[tilespmem:s28], [sflag:$0x4] =	stream.indirect.gather [hbm4b:s5+s12], $0x10, s19, s12, $0xb8;
	[tilespmem:$0x11000] =	vst v63  }
0x134: {  	_ = 	snop  }
0x135: {  	[tilespmem:s26], [sflag:$0x4] =	stream.indirect.gather [hbm4b:s5+s12], $0x10, s22, s12, $0xb8;
	[tilespmem:$0x11000] =	vst v63  }
0x136: {  	_ =	swait.ge [sflag:s11], $0x8000  }
0x137: {  	p0 =	seq.s32 s20, $0x18000;
	s0 =	rddreg [dreg:$0x3]  }
0x138: {  	s0 =	sadd.s32 @!p0 s20, s0  }
0x139: {  	[sflag:s11] =	ssyncset.done $0x0;
	s0 =	sshrl.u32 @!p0 s0, $0x3  }
0x13a: {  	s1 =	simm.s32 @!p0 $0x0;
	[sflag:s11] =	ssyncadd.s32 $0xFFFF8000;
	s0 =	sadd.s32 @!p0 s10, s0  }
0x13b: {  	[tilespmem:s1], [sflag:$0x1] =	stream.linear.gather @!p0 [hbm4b:s0+s1], $0x800, $0x38;
	[tilespmem:$0x11000] =	vst v63  }
0x13c: {  	s23 =	simm.s32 $0x0;
	s24 =	simm.s32 $0x4  }
0x13d: {  	[hbm4b:s21+s23] =	stream.linear.scatter [tilespmem:s15], [sflag:$0x5], $0x8000, $0x38;
	[tilespmem:$0x11000] =	vst v63  }
0x13e: {  	_ =	swait.ge [sflag:s24], $0x8000  }
0x13f: {  	s25 =	sld [smem:$0x7E8]  }
0x140: {  	[sflag:s24] =	ssyncset.done $0x0  }
0x141: {  	s28 =	simm.s32 $0x6;
	s26 =	simm.s32 $0x9000;
	[sflag:s24] =	ssyncadd.s32 $0xFFFF8000  }
0x142: {  	[hbm4b:s25+s23] =	stream.linear.scatter [tilespmem:s26], [sflag:$0x6], $0x8000, $0x38;
	[tilespmem:$0x11000] =	vst v63  }
0x143: {  	_ =	swait.ge [sflag:s28], $0x8000  }
0x144: {  	[sflag:s28] =	ssyncset.done $0x0  }
0x145: {  	s29 =	simm.s32 $0x5;
	[sflag:s28] =	ssyncadd.s32 $0xFFFF8000  }
0x146: {  	_ =	swait.ge [sflag:s29], $0x8000  }
0x147: {  	s30 =	sld [smem:$0x7D8]  }
0x148: {  	s31 =	sld [smem:$0x7EA];
	_ =	sdelay $0x1  }
0x149: {  	s2 =	sadd.s32 $0x1, s30  }
0x14a: {  	p0 =	sne.s32 s2, s31  }
.Ltmp1:
0x14b: {  	_ = 	snop;
	(pc) =	sbr.rel @p0 .LBB2_1-.Ltmp1, $3  }
0x14c: {  	_ =	sdelay $0x1  }
0x14d: {  	[sflag:s29] =	ssyncset.done $0x0  }
0x14e: {  	s3 =	simm.s32 $0x0;
	[sflag:s29] =	ssyncadd.s32 $0xFFFF8000  }
0x14f: {  	_ =	sfence.sel $0x180000  }
0x150: {  	[bflag:$0x0] =	sbarrier.arrive $0xFFFF  }
0x151: {  	_ =	strace $0x90000047  }
0x152: {  	s0 =	stileid.u32;
	[bflag:$0x2] =	sbarrier.arrive $0xFFFF  }
0x153: {  	p0 =	sne.s32 s0, $0x0;
	s0 =	rddreg [dreg:$0x1]  }
0x154: {  	s0 =	sadd.s32 @!p0 $0x100000, s0  }
0x155: {  	[sflag:s0] =	ssyncadd.tile.s32 @!p0 $0x1;
	_ =	shalt  }
.Lfunc_end2:
_tile_overlayer_lowered:
.L_overlay_start_2:
0x156: {  	(tag) =	ssettag $0x2  }
0x157: {  	s0 =	rddreg [dreg:$0x0];
	s2 =	stileid.u32  }
0x158: {  	s1 =	rddreg [dreg:$0x1];
	p0 =	sne.s32 s2, $0x0  }
0x159: {  	s3 =	rddreg [dreg:$0x2];
	[bflag:$0x3] =	sbarrier.arrive $0xFFFF;
	s2 =	simm.s32 @!p0 $0x1C07  }
0x15a: {  	[timem:s3], [sflag:s2] =	dma.local @!p0 [hbm:s0], s1  }
0x15b: {  	s0 =	simm.s32 @!p0 $0x7  }
0x15c: {  	_ =	swait.ge @!p0 [sflag:s0], s1  }
0x15d: {  	s1 =	ssub.s32 @!p0 $0x0, s1;
	[sflag:s0] =	ssyncset.done @!p0 $0x0  }
0x15e: {  	[sflag:s0] =	ssyncadd.s32 @!p0 s1  }
0x15f: {  	[bflag:$0x3] =	sbarrier.arrive $0xFFFF  }
0x160: {  	_ =	shalt  }

</sc_bundles>
